<compile_context>
chip_gen: v7x
topology: tpu7x:2x2x1
jax: 0.10.2.dev20260603
libtpu: 0.0.44.dev20260713+nightly
codegen_flags: <defaults>
</compile_context>

<pallas_src>
import functools
import jax
import jax.numpy as jnp
from jax import lax
from jax.experimental import pallas as pl
from jax.experimental.pallas import tpu as pltpu
from jax.experimental.pallas import tpu_sc as plsc

_EPS = 0.01
_SIZE = 256
_NPIX = _SIZE * _SIZE
_CH = 64
_NGRP = 8
_GW = 8
_BLK = 2048
_NBLK = _NPIX // _BLK
_PBLK = 512
_NPB = _NPIX // _PBLK


def _bf(x):
    return x.astype(jnp.bfloat16).astype(jnp.float32)


def _mat4_scalars(ref):
    return [[_bf(ref[0, i, j]) for j in range(4)] for i in range(4)]


def _matmul4(a, b):
    return [[sum(a[i][k] * b[k][j] for k in range(4)) for j in range(4)]
            for i in range(4)]


def _proj_body(K_ref, Kinv_ref, RTi1_ref, RT2_ref, pred_ref, alpha_ref,
               pix_ref, wden_ref):
    j = pl.program_id(1)
    Km = _mat4_scalars(K_ref)
    Kinv = _mat4_scalars(Kinv_ref)
    RT = [[_bf(e) for e in row]
          for row in _matmul4(_mat4_scalars(RT2_ref), _mat4_scalars(RTi1_ref))]

    r2 = lax.broadcasted_iota(jnp.int32, (1, 16, 128), 1)
    c2 = lax.broadcasted_iota(jnp.int32, (1, 16, 128), 2)
    idx = j * _BLK + r2 * 128 + c2
    cc = (idx & (_SIZE - 1)).astype(jnp.float32)
    rr = (idx >> 8).astype(jnp.float32)
    X = cc / (_SIZE - 1.0) * 2.0 - 1.0
    Y = rr / (_SIZE - 1.0) * 2.0 - 1.0
    d = pred_ref[0]
    p = [_bf(X * d), _bf(-Y * d), _bf(-d), None]

    def xform(m, vec, rows):
        out = []
        for i in rows:
            acc = m[i][0] * vec[0] + m[i][1] * vec[1] + m[i][2] * vec[2]
            acc = acc + (m[i][3] if vec[3] is None else m[i][3] * vec[3])
            out.append(acc)
        return out

    cam = xform(Kinv, p, range(4))
    wrld = xform(RT, [_bf(e) for e in cam], range(4))
    u, v, z = xform(Km, [_bf(e) for e in wrld], range(3))
    mask = jnp.abs(z) < _EPS
    zc = jnp.where(mask, _EPS, z)
    sx = jnp.where(mask, -10.0, u / (-zc))
    sy = jnp.where(mask, -10.0, v / (-zc)) * -1.0
    valid = (jnp.abs(sx) <= 1.0) & (jnp.abs(sy) <= 1.0)
    px = jnp.clip((sx + 1.0) * 0.5 * (_SIZE - 1), 0, _SIZE - 1).astype(jnp.int32)
    py = jnp.clip((1.0 - sy) * 0.5 * (_SIZE - 1), 0, _SIZE - 1).astype(jnp.int32)
    pix_ref[...] = (py * _SIZE + px)[0]
    wden_ref[...] = (alpha_ref[0] * valid.astype(jnp.float32))[0]


def _stage_a1(K, Kinv, RTi1, RT2, pred, alpha):
    smem4 = lambda: pl.BlockSpec((1, 4, 4), lambda b, j: (b, 0, 0),
                                 memory_space=pltpu.SMEM)
    grid = (4, _NBLK)
    return pl.pallas_call(
        _proj_body,
        grid=grid,
        in_specs=[
            smem4(), smem4(), smem4(), smem4(),
            pl.BlockSpec((1, 16, 128), lambda b, j: (b * _NBLK + j, 0, 0)),
            pl.BlockSpec((1, 16, 128), lambda b, j: (b * _NBLK + j, 0, 0)),
        ],
        out_specs=[
            pl.BlockSpec((16, 128), lambda b, j: (b * _NBLK + j, 0)),
            pl.BlockSpec((16, 128), lambda b, j: (b * _NBLK + j, 0)),
        ],
        out_shape=[
            jax.ShapeDtypeStruct((4 * _NBLK * 16, 128), jnp.int32),
            jax.ShapeDtypeStruct((4 * _NBLK * 16, 128), jnp.float32),
        ],
    )(K, Kinv, RTi1, RT2, pred, alpha)


def _wt_body(src_ref, w_ref, wf_ref):
    ws = src_ref[0] * w_ref[0]
    wf_ref[0] = jnp.concatenate(
        [jnp.transpose(ws[:, :256]), jnp.transpose(ws[:, 256:])], axis=1)


def _stage_a2(srcf, wrow):
    grid = (4, _NPB)
    return pl.pallas_call(
        _wt_body,
        grid=grid,
        in_specs=[
            pl.BlockSpec((1, _CH, _PBLK), lambda b, j: (b, 0, j)),
            pl.BlockSpec((1, 1, _PBLK), lambda b, j: (b * _NPB + j, 0, 0)),
        ],
        out_specs=pl.BlockSpec((1, _PBLK // 2, 128), lambda b, j: (b, j, 0)),
        out_shape=jax.ShapeDtypeStruct((4, _NPIX // 2, 128), jnp.float32),
    )(srcf, wrow)


def _stage_c_body(num_ref, den_ref, out_ref):
    t = num_ref[0]
    dn = den_ref[0]
    d0 = jnp.broadcast_to(jnp.transpose(dn[:, :256]), (256, 64))
    d1 = jnp.broadcast_to(jnp.transpose(dn[:, 256:]), (256, 64))
    o = t / (jnp.concatenate([d0, d1], axis=1) + 1e-8)
    out_ref[0] = jnp.concatenate(
        [jnp.transpose(o[:, :64]), jnp.transpose(o[:, 64:])], axis=1)


def _stage_c(num64, den):
    grid = (4, _NPB)
    return pl.pallas_call(
        _stage_c_body,
        grid=grid,
        in_specs=[
            pl.BlockSpec((1, _PBLK // 2, 128), lambda b, j: (b, j, 0)),
            pl.BlockSpec((1, 1, _PBLK), lambda b, j: (b * _NPB + j, 0, 0)),
        ],
        out_specs=pl.BlockSpec((1, _CH, _PBLK), lambda b, j: (b, 0, j)),
        out_shape=jax.ShapeDtypeStruct((4, _CH, _NPIX), jnp.float32),
    )(num64, den)


_PPT = _NPIX // 16
_NQ = _PPT // 128


def _stage_b(wf64, pix, wden):
    z2d = jnp.zeros((1024, _GW), jnp.float32)
    z1d = jnp.zeros((_PPT,), jnp.float32)
    mesh = plsc.VectorSubcoreMesh(core_axis_name="c", subcore_axis_name="s")

    @functools.partial(
        pl.kernel,
        out_type=[jax.ShapeDtypeStruct((4, _NPIX // 2, 128), jnp.float32),
                  jax.ShapeDtypeStruct((4, _NPIX), jnp.float32)],
        mesh=mesh,
        compiler_params=pltpu.CompilerParams(use_tc_tiling_on_sc=False),
        scratch_types=[
            pltpu.VMEM((_NQ, 128), jnp.int32),
            pltpu.VMEM((_PPT // 2, _GW), jnp.float32),
            pltpu.VMEM((_PPT // 2, _GW), jnp.float32),
            pltpu.VMEM((_NQ, 128), jnp.float32),
            pltpu.VMEM((1024, _GW), jnp.float32),
            pltpu.VMEM((_PPT,), jnp.float32),
            pltpu.VMEM_SHARED((_NPIX, _GW), jnp.float32),
            pltpu.VMEM_SHARED((_NPIX,), jnp.float32),
            pltpu.SemaphoreType.DMA,
            pltpu.SemaphoreType.DMA,
        ],
    )
    def sc_kernel(wf_hbm, pix_hbm, wden_hbm, z2d_hbm, z1d_hbm,
                  num_hbm, den_hbm,
                  idx_v, rows0_v, rows1_v, wbuf_v, zrow_v, zden_v,
                  acc_sh, dacc_sh, scat_sem, g_sem):
        c = lax.axis_index("c")
        s = lax.axis_index("s")
        base = s * _PPT
        pltpu.sync_copy(z2d_hbm, zrow_v)
        pltpu.sync_copy(z1d_hbm, zden_v)

        @pl.loop(0, 2 * _NGRP)
        def _feature_round(r):
            b = r // 4
            g = c * 4 + r % 4
            for q in range(4):
                pltpu.sync_copy(zrow_v,
                                acc_sh.at[pl.ds(base + q * 1024, 1024), :])
            plsc.subcore_barrier()
            pltpu.sync_copy(pix_hbm.at[b, pl.ds(s * _NQ, _NQ), :], idx_v)
            rbase = s * (_PPT // 2)
            h0 = pltpu.async_copy(
                wf_hbm.at[b, pl.ds(rbase, _PPT // 2),
                          pl.ds(g * _GW, _GW)],
                rows0_v, g_sem)
            h1 = pltpu.async_copy(
                wf_hbm.at[b, pl.ds(rbase, _PPT // 2),
                          pl.ds(64 + g * _GW, _GW)],
                rows1_v, g_sem)
            h0.wait()

            @pl.loop(0, 2)
            def _scat0(jo):
                hs = []
                for k in range(4):
                    jj = jo * 4 + k
                    for t in range(2):
                        hs.append(pltpu.async_copy(
                            rows0_v.at[pl.ds(jj * 256 + t * 128, 128), :],
                            acc_sh.at[idx_v.at[jj * 4 + t]],
                            scat_sem, add=True))
                for h in hs:
                    h.wait()

            h1.wait()

            @pl.loop(0, 2)
            def _scat1(jo):
                hs = []
                for k in range(4):
                    jj = jo * 4 + k
                    for t in range(2):
                        hs.append(pltpu.async_copy(
                            rows1_v.at[pl.ds(jj * 256 + t * 128, 128), :],
                            acc_sh.at[idx_v.at[jj * 4 + 2 + t]],
                            scat_sem, add=True))
                for h in hs:
                    h.wait()

            plsc.subcore_barrier()

            @pl.loop(0, 2)
            def _drain(jo):
                hs = []
                for k in range(4):
                    jj = jo * 4 + k
                    for t in range(2):
                        hs.append(pltpu.async_copy(
                            acc_sh.at[pl.ds(base + jj * 512 + t * 256, 256),
                                      :],
                            num_hbm.at[b, pl.ds(rbase + jj * 256, 256),
                                       pl.ds(64 * t + g * _GW, _GW)],
                            scat_sem))
                for h in hs:
                    h.wait()

        @pl.loop(0, 2)
        def _den_round(rb):
            b = c * 2 + rb
            pltpu.sync_copy(zden_v, dacc_sh.at[pl.ds(base, _PPT)])
            plsc.subcore_barrier()
            pltpu.sync_copy(pix_hbm.at[b, pl.ds(s * _NQ, _NQ), :], idx_v)
            pltpu.sync_copy(wden_hbm.at[b, pl.ds(s * _NQ, _NQ), :], wbuf_v)

            @pl.loop(0, _NQ // 8)
            def _scat(qo):
                hs = [pltpu.async_copy(wbuf_v.at[qo * 8 + qq],
                                       dacc_sh.at[idx_v.at[qo * 8 + qq]],
                                       scat_sem, add=True)
                      for qq in range(8)]
                for h in hs:
                    h.wait()

            plsc.subcore_barrier()
            pltpu.sync_copy(dacc_sh.at[pl.ds(base, _PPT)],
                            den_hbm.at[b, pl.ds(base, _PPT)])

    num64, den = sc_kernel(wf64, pix.reshape(4, 512, 128),
                           wden.reshape(4, 512, 128), z2d, z1d)
    return num64, den


def kernel(alphas, src, pred_pts, K, K_inv, RT_cam1, RTinv_cam1, RT_cam2,
           RTinv_cam2):
    bs, c, h, w = src.shape
    pred = pred_pts.reshape(bs * _NBLK, 16, 128)
    alpha = alphas.reshape(bs * _NBLK, 16, 128)
    srcf = src.reshape(bs, _CH, _NPIX)
    pix, wden = _stage_a1(K, K_inv, RTinv_cam1, RT_cam2, pred, alpha)
    wf64 = _stage_a2(srcf, wden.reshape(bs * _NPB, 1, _PBLK))
    num64, den = _stage_b(wf64, pix, wden)
    out4 = _stage_c(num64, den.reshape(bs * _NPB, 1, _PBLK))
    return out4.reshape(bs, _CH, _SIZE, _SIZE)

# --- scband reference (transcript-rebuilt; emitter-appended) ---
"""Pipeline reference for scband-pts-manipulator-59768764891317 (READ-ONLY COPY).

The authoritative reference and input builder live on the scoring server;
editing this copy changes nothing except your own understanding.
"""

import jax, jax.numpy as jnp
import numpy as np

EPS = 0.01
IMAGE_SIZE = 256
C = 64
BS = 4


def _make_xyzs(size):
    xs = jnp.linspace(0.0, size - 1, size) / float(size - 1) * 2.0 - 1.0
    ys = xs
    xs_g = jnp.tile(xs.reshape(1, 1, 1, size), (1, 1, size, 1))
    ys_g = jnp.tile(ys.reshape(1, 1, size, 1), (1, 1, 1, size))
    ones = jnp.ones_like(xs_g)
    xyzs = jnp.concatenate([xs_g, -ys_g, -ones, ones], axis=1).reshape(1, 4, -1)
    return xyzs


def _project_pts(pts3D, K, K_inv, RT_cam1, RTinv_cam1, RT_cam2, RTinv_cam2, xyzs):
    projected = xyzs * pts3D
    projected = projected.at[:, -1, :].set(1.0)
    cam1_X = jnp.matmul(K_inv, projected)
    RT = jnp.matmul(RT_cam2, RTinv_cam1)
    wrld_X = jnp.matmul(RT, cam1_X)
    xy_proj = jnp.matmul(K, wrld_X)
    z = xy_proj[:, 2:3, :]
    mask = jnp.abs(z) < EPS
    zc = jnp.where(mask, EPS, z)
    sampler = jnp.concatenate([xy_proj[:, 0:2, :] / (-zc), zc], axis=1)
    sampler = jnp.where(jnp.tile(mask, (1, 3, 1)), -10.0, sampler)
    sampler = sampler * jnp.array([1.0, -1.0, -1.0], dtype=sampler.dtype).reshape(1, 3, 1)
    return sampler


def _splat_one(pts, alpha, feat, size):
    # pts: [N,3] NDC coords, alpha: [N], feat: [C,N]
    x = pts[:, 0]
    y = pts[:, 1]
    valid = ((jnp.abs(x) <= 1.0) & (jnp.abs(y) <= 1.0)).astype(feat.dtype)
    px = jnp.clip((x + 1.0) * 0.5 * (size - 1), 0, size - 1).astype(jnp.int32)
    py = jnp.clip((1.0 - y) * 0.5 * (size - 1), 0, size - 1).astype(jnp.int32)
    pix = py * size + px
    w = alpha * valid
    den = jnp.zeros((size * size,), feat.dtype).at[pix].add(w)
    num = jnp.zeros((size * size, feat.shape[0]), feat.dtype).at[pix].add((feat * w[None, :]).T)
    out = num / (den[:, None] + 1e-8)
    return out.T.reshape(feat.shape[0], size, size)


def setup_inputs(seed: int = 0) -> dict:
    key = jax.random.key(seed)
    ks = jax.random.split(key, 9)
    return {
        "alphas": jax.random.uniform(ks[0], (BS, 1, IMAGE_SIZE, IMAGE_SIZE), jnp.float32),
        "src": jax.random.normal(ks[1], (BS, C, IMAGE_SIZE, IMAGE_SIZE), jnp.float32),
        "pred_pts": jax.random.uniform(ks[2], (BS, 1, IMAGE_SIZE, IMAGE_SIZE), jnp.float32),
        "K": jax.random.normal(ks[3], (BS, 4, 4), jnp.float32),
        "K_inv": jax.random.normal(ks[4], (BS, 4, 4), jnp.float32),
        "RT_cam1": jax.random.normal(ks[5], (BS, 4, 4), jnp.float32),
        "RTinv_cam1": jax.random.normal(ks[6], (BS, 4, 4), jnp.float32),
        "RT_cam2": jax.random.normal(ks[7], (BS, 4, 4), jnp.float32),
        "RTinv_cam2": jax.random.normal(ks[8], (BS, 4, 4), jnp.float32),
    }


def reference(alphas, src, pred_pts, K, K_inv, RT_cam1, RTinv_cam1, RT_cam2, RTinv_cam2):
    bs, c, w, h = src.shape
    pred = pred_pts.reshape(bs, 1, -1)
    srcf = src.reshape(bs, c, -1)
    al = jnp.transpose(alphas.reshape(bs, 1, -1), (0, 2, 1))
    xyzs = _make_xyzs(w)
    sampler = _project_pts(pred, K, K_inv, RT_cam1, RTinv_cam1, RT_cam2, RTinv_cam2, xyzs)
    pts = jnp.transpose(sampler, (0, 2, 1))
    out = jax.vmap(lambda p, a, f: _splat_one(p, a[:, 0], f, w))(pts, al, srcf)
    return out

if __name__ == "__main__":
    import jax
    _d = setup_inputs()
    print(jax.jit(kernel)(*tuple(_d.values())))

</pallas_src>

<mosaic_0001>
#map = affine_map<(d0, d1) -> (0, 0, 0)>
#map1 = affine_map<(d0, d1) -> (0, 0)>
#map2 = affine_map<(d0, d1) -> (0)>
module attributes {stable_mosaic.version = 14 : i64} {
  func.func @sc_kernel(%arg0: i32, %arg1: i32, %arg2: memref<4x32768x128xf32, #tpu.memory_space<hbm>>, %arg3: memref<4x512x128xi32, #tpu.memory_space<hbm>>, %arg4: memref<4x512x128xf32, #tpu.memory_space<hbm>>, %arg5: memref<1024x8xf32, #tpu.memory_space<hbm>>, %arg6: memref<4096xf32, #tpu.memory_space<hbm>>, %arg7: memref<4x32768x128xf32, #tpu.memory_space<hbm>>, %arg8: memref<4x65536xf32, #tpu.memory_space<hbm>>, %arg9: memref<32x128xi32, #tpu.memory_space<vmem>>, %arg10: memref<2048x8xf32, #tpu.memory_space<vmem>>, %arg11: memref<2048x8xf32, #tpu.memory_space<vmem>>, %arg12: memref<32x128xf32, #tpu.memory_space<vmem>>, %arg13: memref<1024x8xf32, #tpu.memory_space<vmem>>, %arg14: memref<4096xf32, #tpu.memory_space<vmem>>, %arg15: memref<65536x8xf32, #tpu.memory_space<vmem_shared>>, %arg16: memref<65536xf32, #tpu.memory_space<vmem_shared>>, %arg17: memref<!tpu.dma_semaphore, #tpu.memory_space<semaphore_mem>>, %arg18: memref<!tpu.dma_semaphore, #tpu.memory_space<semaphore_mem>>) attributes {dimension_semantics = [#tpu.dimension_semantics<core_parallel>, #tpu.dimension_semantics<subcore_parallel>], iteration_bounds = array<i64: 2, 16>, scalar_prefetch = 0 : i64, scratch_operands = 10 : i64, tpu.core_type = #tpu.core_type<sc_vector_subcore>, window_params = [{transform_indices = #map}, {transform_indices = #map}, {transform_indices = #map}, {transform_indices = #map1}, {transform_indices = #map2}, {transform_indices = #map}, {transform_indices = #map1}]} {
    %mul3A = arith.constant 4096 : i32
    %mul3A_0 = arith.muli %arg1, %mul3A : i32
    "tpu.region"() ({
      %run_scoped3A = tpu.sem_alloc : memref<!tpu.dma_semaphore, #tpu.memory_space<semaphore_mem>>
      tpu.enqueue_dma source(%arg5 : memref<1024x8xf32, #tpu.memory_space<hbm>>) target(%arg13 : memref<1024x8xf32, #tpu.memory_space<vmem>>) target_semaphore(%run_scoped3A : memref<!tpu.dma_semaphore, #tpu.memory_space<semaphore_mem>>)
      tpu.wait_dma2 semaphore(%run_scoped3A : memref<!tpu.dma_semaphore, #tpu.memory_space<semaphore_mem>>) src(%arg5 : memref<1024x8xf32, #tpu.memory_space<hbm>>) dst(%arg13 : memref<1024x8xf32, #tpu.memory_space<vmem>>)
      tpu.yield
    }) : () -> ()
    "tpu.region"() ({
      %run_scoped3A = tpu.sem_alloc : memref<!tpu.dma_semaphore, #tpu.memory_space<semaphore_mem>>
      tpu.enqueue_dma source(%arg6 : memref<4096xf32, #tpu.memory_space<hbm>>) target(%arg14 : memref<4096xf32, #tpu.memory_space<vmem>>) target_semaphore(%run_scoped3A : memref<!tpu.dma_semaphore, #tpu.memory_space<semaphore_mem>>)
      tpu.wait_dma2 semaphore(%run_scoped3A : memref<!tpu.dma_semaphore, #tpu.memory_space<semaphore_mem>>) src(%arg6 : memref<4096xf32, #tpu.memory_space<hbm>>) dst(%arg14 : memref<4096xf32, #tpu.memory_space<vmem>>)
      tpu.yield
    }) : () -> ()
    %scan3A = arith.constant 0 : i32
    %scan3A_1 = arith.constant 16 : i32
    %scan3A_2 = arith.addi %scan3A, %scan3A_1 : i32
    %scan3A_3 = arith.constant 1 : i32
    scf.for %scan3A_10 = %scan3A to %scan3A_2 step %scan3A_3  : i32 {
      %mul3A_11 = arith.constant 1 : i32
      %mul3A_12 = arith.muli %scan3A_10, %mul3A_11 : i32
      %add3A = arith.constant 0 : i32
      %add3A_13 = arith.addi %add3A, %mul3A_12 : i32
      %jit3A = arith.constant 4 : i32
      %div3A = arith.divsi %add3A_13, %jit3A : i32
      %sign3A = arith.constant 0 : i32
      %sign3A_14 = arith.cmpi sgt, %add3A_13, %sign3A : i32
      %sign3A_15 = arith.extui %sign3A_14 : i1 to i32
      %sign3A_16 = arith.constant 0 : i32
      %sign3A_17 = arith.cmpi slt, %add3A_13, %sign3A_16 : i32
      %sign3A_18 = arith.extui %sign3A_17 : i1 to i32
      %sign3A_19 = arith.subi %sign3A_15, %sign3A_18 : i32
      %sign3A_20 = arith.constant 0 : i32
      %sign3A_21 = arith.cmpi sgt, %jit3A, %sign3A_20 : i32
      %sign3A_22 = arith.extui %sign3A_21 : i1 to i32
      %sign3A_23 = arith.constant 0 : i32
      %sign3A_24 = arith.cmpi slt, %jit3A, %sign3A_23 : i32
      %sign3A_25 = arith.extui %sign3A_24 : i1 to i32
      %sign3A_26 = arith.subi %sign3A_22, %sign3A_25 : i32
      %ne3A = arith.cmpi ne, %sign3A_19, %sign3A_26 : i32
      %rem3A = arith.remsi %add3A_13, %jit3A : i32
      %ne3A_27 = arith.constant 0 : i32
      %ne3A_28 = arith.cmpi ne, %rem3A, %ne3A_27 : i32
      %and3A = arith.andi %ne3A, %ne3A_28 : i1
      %sub3A = arith.constant 1 : i32
      %sub3A_29 = arith.subi %div3A, %sub3A : i32
      %select_n3A = arith.select %and3A, %sub3A_29, %div3A : i32
      %mul3A_30 = arith.constant 4 : i32
      %mul3A_31 = arith.muli %arg0, %mul3A_30 : i32
      %jit3A_32 = arith.constant 4 : i32
      %eq3A = arith.constant 0 : i32
      %eq3A_33 = arith.cmpi eq, %jit3A_32, %eq3A : i32
      %jit3A_34 = arith.constant 1 : i32
      %select_n3A_35 = arith.select %eq3A_33, %jit3A_34, %jit3A_32 : i32
      %rem3A_36 = arith.remsi %add3A_13, %select_n3A_35 : i32
      %ne3A_37 = arith.constant 0 : i32
      %ne3A_38 = arith.cmpi ne, %rem3A_36, %ne3A_37 : i32
      %lt3A = arith.constant 0 : i32
      %lt3A_39 = arith.cmpi slt, %rem3A_36, %lt3A : i32
      %lt3A_40 = arith.constant 0 : i32
      %lt3A_41 = arith.cmpi slt, %select_n3A_35, %lt3A_40 : i32
      %ne3A_42 = arith.xori %lt3A_39, %lt3A_41 : i1
      %and3A_43 = arith.andi %ne3A_42, %ne3A_38 : i1
      %add3A_44 = arith.addi %rem3A_36, %select_n3A_35 : i32
      %select_n3A_45 = arith.select %and3A_43, %add3A_44, %rem3A_36 : i32
      %add3A_46 = arith.addi %mul3A_31, %select_n3A_45 : i32
      %add3A_47 = arith.constant 0 : i32
      %add3A_48 = arith.addi %mul3A_0, %add3A_47 : i32
      "tpu.region"() ({
        %run_scoped3A = tpu.sem_alloc : memref<!tpu.dma_semaphore, #tpu.memory_space<semaphore_mem>>
        %dma_start3A_95 = arith.constant 0 : i32
        %dma_start3A_96 = tpu.memref_slice %arg15[%add3A_48, %dma_start3A_95] : memref<65536x8xf32, #tpu.memory_space<vmem_shared>> -> memref<1024x8xf32, #tpu.memory_space<vmem_shared>>
        %dma_start3A_97 = arith.constant 0 : i32
        %dma_start3A_98 = tpu.memref_slice %arg15[%add3A_48, %dma_start3A_97] : memref<65536x8xf32, #tpu.memory_space<vmem_shared>> -> memref<1024x8xf32, #tpu.memory_space<vmem_shared>>
        tpu.enqueue_dma source(%arg13 : memref<1024x8xf32, #tpu.memory_space<vmem>>) target(%dma_start3A_98 : memref<1024x8xf32, #tpu.memory_space<vmem_shared>>) target_semaphore(%run_scoped3A : memref<!tpu.dma_semaphore, #tpu.memory_space<semaphore_mem>>)
        %dma_wait3A_99 = arith.constant 0 : i32
        %dma_wait3A_100 = tpu.memref_slice %arg15[%add3A_48, %dma_wait3A_99] : memref<65536x8xf32, #tpu.memory_space<vmem_shared>> -> memref<1024x8xf32, #tpu.memory_space<vmem_shared>>
        %dma_wait3A_101 = arith.constant 0 : i32
        %dma_wait3A_102 = tpu.memref_slice %arg15[%add3A_48, %dma_wait3A_101] : memref<65536x8xf32, #tpu.memory_space<vmem_shared>> -> memref<1024x8xf32, #tpu.memory_space<vmem_shared>>
        tpu.wait_dma2 semaphore(%run_scoped3A : memref<!tpu.dma_semaphore, #tpu.memory_space<semaphore_mem>>) src(%arg13 : memref<1024x8xf32, #tpu.memory_space<vmem>>) dst(%dma_wait3A_102 : memref<1024x8xf32, #tpu.memory_space<vmem_shared>>)
        tpu.yield
      }) : () -> ()
      %add3A_49 = arith.constant 1024 : i32
      %add3A_50 = arith.addi %mul3A_0, %add3A_49 : i32
      "tpu.region"() ({
        %run_scoped3A = tpu.sem_alloc : memref<!tpu.dma_semaphore, #tpu.memory_space<semaphore_mem>>
        %dma_start3A_95 = arith.constant 0 : i32
        %dma_start3A_96 = tpu.memref_slice %arg15[%add3A_50, %dma_start3A_95] : memref<65536x8xf32, #tpu.memory_space<vmem_shared>> -> memref<1024x8xf32, #tpu.memory_space<vmem_shared>>
        %dma_start3A_97 = arith.constant 0 : i32
        %dma_start3A_98 = tpu.memref_slice %arg15[%add3A_50, %dma_start3A_97] : memref<65536x8xf32, #tpu.memory_space<vmem_shared>> -> memref<1024x8xf32, #tpu.memory_space<vmem_shared>>
        tpu.enqueue_dma source(%arg13 : memref<1024x8xf32, #tpu.memory_space<vmem>>) target(%dma_start3A_98 : memref<1024x8xf32, #tpu.memory_space<vmem_shared>>) target_semaphore(%run_scoped3A : memref<!tpu.dma_semaphore, #tpu.memory_space<semaphore_mem>>)
        %dma_wait3A_99 = arith.constant 0 : i32
        %dma_wait3A_100 = tpu.memref_slice %arg15[%add3A_50, %dma_wait3A_99] : memref<65536x8xf32, #tpu.memory_space<vmem_shared>> -> memref<1024x8xf32, #tpu.memory_space<vmem_shared>>
        %dma_wait3A_101 = arith.constant 0 : i32
        %dma_wait3A_102 = tpu.memref_slice %arg15[%add3A_50, %dma_wait3A_101] : memref<65536x8xf32, #tpu.memory_space<vmem_shared>> -> memref<1024x8xf32, #tpu.memory_space<vmem_shared>>
        tpu.wait_dma2 semaphore(%run_scoped3A : memref<!tpu.dma_semaphore, #tpu.memory_space<semaphore_mem>>) src(%arg13 : memref<1024x8xf32, #tpu.memory_space<vmem>>) dst(%dma_wait3A_102 : memref<1024x8xf32, #tpu.memory_space<vmem_shared>>)
        tpu.yield
      }) : () -> ()
      %add3A_51 = arith.constant 2048 : i32
      %add3A_52 = arith.addi %mul3A_0, %add3A_51 : i32
      "tpu.region"() ({
        %run_scoped3A = tpu.sem_alloc : memref<!tpu.dma_semaphore, #tpu.memory_space<semaphore_mem>>
        %dma_start3A_95 = arith.constant 0 : i32
        %dma_start3A_96 = tpu.memref_slice %arg15[%add3A_52, %dma_start3A_95] : memref<65536x8xf32, #tpu.memory_space<vmem_shared>> -> memref<1024x8xf32, #tpu.memory_space<vmem_shared>>
        %dma_start3A_97 = arith.constant 0 : i32
        %dma_start3A_98 = tpu.memref_slice %arg15[%add3A_52, %dma_start3A_97] : memref<65536x8xf32, #tpu.memory_space<vmem_shared>> -> memref<1024x8xf32, #tpu.memory_space<vmem_shared>>
        tpu.enqueue_dma source(%arg13 : memref<1024x8xf32, #tpu.memory_space<vmem>>) target(%dma_start3A_98 : memref<1024x8xf32, #tpu.memory_space<vmem_shared>>) target_semaphore(%run_scoped3A : memref<!tpu.dma_semaphore, #tpu.memory_space<semaphore_mem>>)
        %dma_wait3A_99 = arith.constant 0 : i32
        %dma_wait3A_100 = tpu.memref_slice %arg15[%add3A_52, %dma_wait3A_99] : memref<65536x8xf32, #tpu.memory_space<vmem_shared>> -> memref<1024x8xf32, #tpu.memory_space<vmem_shared>>
        %dma_wait3A_101 = arith.constant 0 : i32
        %dma_wait3A_102 = tpu.memref_slice %arg15[%add3A_52, %dma_wait3A_101] : memref<65536x8xf32, #tpu.memory_space<vmem_shared>> -> memref<1024x8xf32, #tpu.memory_space<vmem_shared>>
        tpu.wait_dma2 semaphore(%run_scoped3A : memref<!tpu.dma_semaphore, #tpu.memory_space<semaphore_mem>>) src(%arg13 : memref<1024x8xf32, #tpu.memory_space<vmem>>) dst(%dma_wait3A_102 : memref<1024x8xf32, #tpu.memory_space<vmem_shared>>)
        tpu.yield
      }) : () -> ()
      %add3A_53 = arith.constant 3072 : i32
      %add3A_54 = arith.addi %mul3A_0, %add3A_53 : i32
      "tpu.region"() ({
        %run_scoped3A = tpu.sem_alloc : memref<!tpu.dma_semaphore, #tpu.memory_space<semaphore_mem>>
        %dma_start3A_95 = arith.constant 0 : i32
        %dma_start3A_96 = tpu.memref_slice %arg15[%add3A_54, %dma_start3A_95] : memref<65536x8xf32, #tpu.memory_space<vmem_shared>> -> memref<1024x8xf32, #tpu.memory_space<vmem_shared>>
        %dma_start3A_97 = arith.constant 0 : i32
        %dma_start3A_98 = tpu.memref_slice %arg15[%add3A_54, %dma_start3A_97] : memref<65536x8xf32, #tpu.memory_space<vmem_shared>> -> memref<1024x8xf32, #tpu.memory_space<vmem_shared>>
        tpu.enqueue_dma source(%arg13 : memref<1024x8xf32, #tpu.memory_space<vmem>>) target(%dma_start3A_98 : memref<1024x8xf32, #tpu.memory_space<vmem_shared>>) target_semaphore(%run_scoped3A : memref<!tpu.dma_semaphore, #tpu.memory_space<semaphore_mem>>)
        %dma_wait3A_99 = arith.constant 0 : i32
        %dma_wait3A_100 = tpu.memref_slice %arg15[%add3A_54, %dma_wait3A_99] : memref<65536x8xf32, #tpu.memory_space<vmem_shared>> -> memref<1024x8xf32, #tpu.memory_space<vmem_shared>>
        %dma_wait3A_101 = arith.constant 0 : i32
        %dma_wait3A_102 = tpu.memref_slice %arg15[%add3A_54, %dma_wait3A_101] : memref<65536x8xf32, #tpu.memory_space<vmem_shared>> -> memref<1024x8xf32, #tpu.memory_space<vmem_shared>>
        tpu.wait_dma2 semaphore(%run_scoped3A : memref<!tpu.dma_semaphore, #tpu.memory_space<semaphore_mem>>) src(%arg13 : memref<1024x8xf32, #tpu.memory_space<vmem>>) dst(%dma_wait3A_102 : memref<1024x8xf32, #tpu.memory_space<vmem_shared>>)
        tpu.yield
      }) : () -> ()
      %barrier3A = arith.constant 0 : index
      tpu.barrier barrier_id(%barrier3A)
      %mul3A_55 = arith.constant 32 : i32
      %mul3A_56 = arith.muli %arg1, %mul3A_55 : i32
      "tpu.region"() ({
        %run_scoped3A = tpu.sem_alloc : memref<!tpu.dma_semaphore, #tpu.memory_space<semaphore_mem>>
        %dma_start3A_95 = arith.constant 0 : i32
        %dma_start3A_96 = tpu.memref_slice %arg3[%select_n3A, %mul3A_56, %dma_start3A_95] : memref<4x512x128xi32, #tpu.memory_space<hbm>> -> memref<1x32x128xi32, #tpu.memory_space<hbm>>
        %dma_start3A_97 = tpu.memref_squeeze %dma_start3A_96 : memref<1x32x128xi32, #tpu.memory_space<hbm>> -> memref<32x128xi32, #tpu.memory_space<hbm>>
        %dma_start3A_98 = arith.constant 0 : i32
        %dma_start3A_99 = tpu.memref_slice %arg3[%select_n3A, %mul3A_56, %dma_start3A_98] : memref<4x512x128xi32, #tpu.memory_space<hbm>> -> memref<1x32x128xi32, #tpu.memory_space<hbm>>
        %dma_start3A_100 = tpu.memref_squeeze %dma_start3A_99 : memref<1x32x128xi32, #tpu.memory_space<hbm>> -> memref<32x128xi32, #tpu.memory_space<hbm>>
        tpu.enqueue_dma source(%dma_start3A_100 : memref<32x128xi32, #tpu.memory_space<hbm>>) target(%arg9 : memref<32x128xi32, #tpu.memory_space<vmem>>) target_semaphore(%run_scoped3A : memref<!tpu.dma_semaphore, #tpu.memory_space<semaphore_mem>>)
        %dma_wait3A_101 = arith.constant 0 : i32
        %dma_wait3A_102 = tpu.memref_slice %arg3[%select_n3A, %mul3A_56, %dma_wait3A_101] : memref<4x512x128xi32, #tpu.memory_space<hbm>> -> memref<1x32x128xi32, #tpu.memory_space<hbm>>
        %dma_wait3A_103 = tpu.memref_squeeze %dma_wait3A_102 : memref<1x32x128xi32, #tpu.memory_space<hbm>> -> memref<32x128xi32, #tpu.memory_space<hbm>>
        %dma_wait3A_104 = arith.constant 0 : i32
        %dma_wait3A_105 = tpu.memref_slice %arg3[%select_n3A, %mul3A_56, %dma_wait3A_104] : memref<4x512x128xi32, #tpu.memory_space<hbm>> -> memref<1x32x128xi32, #tpu.memory_space<hbm>>
        %dma_wait3A_106 = tpu.memref_squeeze %dma_wait3A_105 : memref<1x32x128xi32, #tpu.memory_space<hbm>> -> memref<32x128xi32, #tpu.memory_space<hbm>>
        tpu.wait_dma2 semaphore(%run_scoped3A : memref<!tpu.dma_semaphore, #tpu.memory_space<semaphore_mem>>) src(%dma_wait3A_106 : memref<32x128xi32, #tpu.memory_space<hbm>>) dst(%arg9 : memref<32x128xi32, #tpu.memory_space<vmem>>)
        tpu.yield
      }) : () -> ()
      %mul3A_57 = arith.constant 2048 : i32
      %mul3A_58 = arith.muli %arg1, %mul3A_57 : i32
      %mul3A_59 = arith.constant 8 : i32
      %mul3A_60 = arith.muli %add3A_46, %mul3A_59 : i32
      %dma_start3A = tpu.memref_slice %arg2[%select_n3A, %mul3A_58, %mul3A_60] : memref<4x32768x128xf32, #tpu.memory_space<hbm>> -> memref<1x2048x8xf32, #tpu.memory_space<hbm>>
      %dma_start3A_61 = tpu.memref_squeeze %dma_start3A : memref<1x2048x8xf32, #tpu.memory_space<hbm>> -> memref<2048x8xf32, #tpu.memory_space<hbm>>
      %dma_start3A_62 = tpu.memref_slice %arg2[%select_n3A, %mul3A_58, %mul3A_60] : memref<4x32768x128xf32, #tpu.memory_space<hbm>> -> memref<1x2048x8xf32, #tpu.memory_space<hbm>>
      %dma_start3A_63 = tpu.memref_squeeze %dma_start3A_62 : memref<1x2048x8xf32, #tpu.memory_space<hbm>> -> memref<2048x8xf32, #tpu.memory_space<hbm>>
      tpu.enqueue_dma source(%dma_start3A_63 : memref<2048x8xf32, #tpu.memory_space<hbm>>) target(%arg10 : memref<2048x8xf32, #tpu.memory_space<vmem>>) target_semaphore(%arg18 : memref<!tpu.dma_semaphore, #tpu.memory_space<semaphore_mem>>)
      %mul3A_64 = arith.constant 8 : i32
      %mul3A_65 = arith.muli %add3A_46, %mul3A_64 : i32
      %add3A_66 = arith.constant 64 : i32
      %add3A_67 = arith.addi %add3A_66, %mul3A_65 : i32
      %dma_start3A_68 = tpu.memref_slice %arg2[%select_n3A, %mul3A_58, %add3A_67] : memref<4x32768x128xf32, #tpu.memory_space<hbm>> -> memref<1x2048x8xf32, #tpu.memory_space<hbm>>
      %dma_start3A_69 = tpu.memref_squeeze %dma_start3A_68 : memref<1x2048x8xf32, #tpu.memory_space<hbm>> -> memref<2048x8xf32, #tpu.memory_space<hbm>>
      %dma_start3A_70 = tpu.memref_slice %arg2[%select_n3A, %mul3A_58, %add3A_67] : memref<4x32768x128xf32, #tpu.memory_space<hbm>> -> memref<1x2048x8xf32, #tpu.memory_space<hbm>>
      %dma_start3A_71 = tpu.memref_squeeze %dma_start3A_70 : memref<1x2048x8xf32, #tpu.memory_space<hbm>> -> memref<2048x8xf32, #tpu.memory_space<hbm>>
      tpu.enqueue_dma source(%dma_start3A_71 : memref<2048x8xf32, #tpu.memory_space<hbm>>) target(%arg11 : memref<2048x8xf32, #tpu.memory_space<vmem>>) target_semaphore(%arg18 : memref<!tpu.dma_semaphore, #tpu.memory_space<semaphore_mem>>)
      %dma_wait3A = tpu.memref_slice %arg2[%select_n3A, %mul3A_58, %mul3A_60] : memref<4x32768x128xf32, #tpu.memory_space<hbm>> -> memref<1x2048x8xf32, #tpu.memory_space<hbm>>
      %dma_wait3A_72 = tpu.memref_squeeze %dma_wait3A : memref<1x2048x8xf32, #tpu.memory_space<hbm>> -> memref<2048x8xf32, #tpu.memory_space<hbm>>
      %dma_wait3A_73 = tpu.memref_slice %arg2[%select_n3A, %mul3A_58, %mul3A_60] : memref<4x32768x128xf32, #tpu.memory_space<hbm>> -> memref<1x2048x8xf32, #tpu.memory_space<hbm>>
      %dma_wait3A_74 = tpu.memref_squeeze %dma_wait3A_73 : memref<1x2048x8xf32, #tpu.memory_space<hbm>> -> memref<2048x8xf32, #tpu.memory_space<hbm>>
      tpu.wait_dma2 semaphore(%arg18 : memref<!tpu.dma_semaphore, #tpu.memory_space<semaphore_mem>>) src(%dma_wait3A_74 : memref<2048x8xf32, #tpu.memory_space<hbm>>) dst(%arg10 : memref<2048x8xf32, #tpu.memory_space<vmem>>)
      %scan3A_75 = arith.constant 0 : i32
      %scan3A_76 = arith.constant 2 : i32
      %scan3A_77 = arith.addi %scan3A_75, %scan3A_76 : i32
      %scan3A_78 = arith.constant 1 : i32
      scf.for %scan3A_95 = %scan3A_75 to %scan3A_77 step %scan3A_78  : i32 {
        %mul3A_96 = arith.constant 1 : i32
        %mul3A_97 = arith.muli %scan3A_95, %mul3A_96 : i32
        %add3A_98 = arith.constant 0 : i32
        %add3A_99 = arith.addi %add3A_98, %mul3A_97 : i32
        %mul3A_100 = arith.constant 4 : i32
        %mul3A_101 = arith.muli %add3A_99, %mul3A_100 : i32
        %add3A_102 = arith.constant 0 : i32
        %add3A_103 = arith.addi %mul3A_101, %add3A_102 : i32
        %mul3A_104 = arith.constant 256 : i32
        %mul3A_105 = arith.muli %add3A_103, %mul3A_104 : i32
        %add3A_106 = arith.constant 0 : i32
        %add3A_107 = arith.addi %mul3A_105, %add3A_106 : i32
        %mul3A_108 = arith.constant 4 : i32
        %mul3A_109 = arith.muli %add3A_103, %mul3A_108 : i32
        %add3A_110 = arith.constant 0 : i32
        %add3A_111 = arith.addi %mul3A_109, %add3A_110 : i32
        %dma_start3A_112 = arith.constant 0 : i32
        %dma_start3A_113 = tpu.memref_slice %arg10[%add3A_107, %dma_start3A_112] : memref<2048x8xf32, #tpu.memory_space<vmem>> -> memref<128x8xf32, #tpu.memory_space<vmem>>
        %dma_start3A_114 = arith.constant 0 : i32
        %dma_start3A_115 = tpu.memref_slice %arg9[%add3A_111, %dma_start3A_114] : memref<32x128xi32, #tpu.memory_space<vmem>> -> memref<1x128xi32, #tpu.memory_space<vmem>>
        %dma_start3A_116 = tpu.memref_squeeze %dma_start3A_115 : memref<1x128xi32, #tpu.memory_space<vmem>> -> memref<128xi32, #tpu.memory_space<vmem>>
        %dma_start3A_117 = arith.constant 0 : i32
        %dma_start3A_118 = arith.constant 0 : i32
        %dma_start3A_119 = tpu.memref_slice %arg15[%dma_start3A_117, %dma_start3A_118] : memref<65536x8xf32, #tpu.memory_space<vmem_shared>> -> memref<65536x8xf32, #tpu.memory_space<vmem_shared>>
        tpu.enqueue_indirect_dma source(%dma_start3A_113 : memref<128x8xf32, #tpu.memory_space<vmem>>) target(%dma_start3A_119 : memref<65536x8xf32, #tpu.memory_space<vmem_shared>>) offsets(%dma_start3A_116 : memref<128xi32, #tpu.memory_space<vmem>>) semaphore(%arg17 : memref<!tpu.dma_semaphore, #tpu.memory_space<semaphore_mem>>) {add = true}
        %mul3A_120 = arith.constant 256 : i32
        %mul3A_121 = arith.muli %add3A_103, %mul3A_120 : i32
        %add3A_122 = arith.constant 128 : i32
        %add3A_123 = arith.addi %mul3A_121, %add3A_122 : i32
        %mul3A_124 = arith.constant 4 : i32
        %mul3A_125 = arith.muli %add3A_103, %mul3A_124 : i32
        %add3A_126 = arith.constant 1 : i32
        %add3A_127 = arith.addi %mul3A_125, %add3A_126 : i32
        %dma_start3A_128 = arith.constant 0 : i32
        %dma_start3A_129 = tpu.memref_slice %arg10[%add3A_123, %dma_start3A_128] : memref<2048x8xf32, #tpu.memory_space<vmem>> -> memref<128x8xf32, #tpu.memory_space<vmem>>
        %dma_start3A_130 = arith.constant 0 : i32
        %dma_start3A_131 = tpu.memref_slice %arg9[%add3A_127, %dma_start3A_130] : memref<32x128xi32, #tpu.memory_space<vmem>> -> memref<1x128xi32, #tpu.memory_space<vmem>>
        %dma_start3A_132 = tpu.memref_squeeze %dma_start3A_131 : memref<1x128xi32, #tpu.memory_space<vmem>> -> memref<128xi32, #tpu.memory_space<vmem>>
        %dma_start3A_133 = arith.constant 0 : i32
        %dma_start3A_134 = arith.constant 0 : i32
        %dma_start3A_135 = tpu.memref_slice %arg15[%dma_start3A_133, %dma_start3A_134] : memref<65536x8xf32, #tpu.memory_space<vmem_shared>> -> memref<65536x8xf32, #tpu.memory_space<vmem_shared>>
        tpu.enqueue_indirect_dma source(%dma_start3A_129 : memref<128x8xf32, #tpu.memory_space<vmem>>) target(%dma_start3A_135 : memref<65536x8xf32, #tpu.memory_space<vmem_shared>>) offsets(%dma_start3A_132 : memref<128xi32, #tpu.memory_space<vmem>>) semaphore(%arg17 : memref<!tpu.dma_semaphore, #tpu.memory_space<semaphore_mem>>) {add = true}
        %mul3A_136 = arith.constant 4 : i32
        %mul3A_137 = arith.muli %add3A_99, %mul3A_136 : i32
        %add3A_138 = arith.constant 1 : i32
        %add3A_139 = arith.addi %mul3A_137, %add3A_138 : i32
        %mul3A_140 = arith.constant 256 : i32
        %mul3A_141 = arith.muli %add3A_139, %mul3A_140 : i32
        %add3A_142 = arith.constant 0 : i32
        %add3A_143 = arith.addi %mul3A_141, %add3A_142 : i32
        %mul3A_144 = arith.constant 4 : i32
        %mul3A_145 = arith.muli %add3A_139, %mul3A_144 : i32
        %add3A_146 = arith.constant 0 : i32
        %add3A_147 = arith.addi %mul3A_145, %add3A_146 : i32
        %dma_start3A_148 = arith.constant 0 : i32
        %dma_start3A_149 = tpu.memref_slice %arg10[%add3A_143, %dma_start3A_148] : memref<2048x8xf32, #tpu.memory_space<vmem>> -> memref<128x8xf32, #tpu.memory_space<vmem>>
        %dma_start3A_150 = arith.constant 0 : i32
        %dma_start3A_151 = tpu.memref_slice %arg9[%add3A_147, %dma_start3A_150] : memref<32x128xi32, #tpu.memory_space<vmem>> -> memref<1x128xi32, #tpu.memory_space<vmem>>
        %dma_start3A_152 = tpu.memref_squeeze %dma_start3A_151 : memref<1x128xi32, #tpu.memory_space<vmem>> -> memref<128xi32, #tpu.memory_space<vmem>>
        %dma_start3A_153 = arith.constant 0 : i32
        %dma_start3A_154 = arith.constant 0 : i32
        %dma_start3A_155 = tpu.memref_slice %arg15[%dma_start3A_153, %dma_start3A_154] : memref<65536x8xf32, #tpu.memory_space<vmem_shared>> -> memref<65536x8xf32, #tpu.memory_space<vmem_shared>>
        tpu.enqueue_indirect_dma source(%dma_start3A_149 : memref<128x8xf32, #tpu.memory_space<vmem>>) target(%dma_start3A_155 : memref<65536x8xf32, #tpu.memory_space<vmem_shared>>) offsets(%dma_start3A_152 : memref<128xi32, #tpu.memory_space<vmem>>) semaphore(%arg17 : memref<!tpu.dma_semaphore, #tpu.memory_space<semaphore_mem>>) {add = true}
        %mul3A_156 = arith.constant 256 : i32
        %mul3A_157 = arith.muli %add3A_139, %mul3A_156 : i32
        %add3A_158 = arith.constant 128 : i32
        %add3A_159 = arith.addi %mul3A_157, %add3A_158 : i32
        %mul3A_160 = arith.constant 4 : i32
        %mul3A_161 = arith.muli %add3A_139, %mul3A_160 : i32
        %add3A_162 = arith.constant 1 : i32
        %add3A_163 = arith.addi %mul3A_161, %add3A_162 : i32
        %dma_start3A_164 = arith.constant 0 : i32
        %dma_start3A_165 = tpu.memref_slice %arg10[%add3A_159, %dma_start3A_164] : memref<2048x8xf32, #tpu.memory_space<vmem>> -> memref<128x8xf32, #tpu.memory_space<vmem>>
        %dma_start3A_166 = arith.constant 0 : i32
        %dma_start3A_167 = tpu.memref_slice %arg9[%add3A_163, %dma_start3A_166] : memref<32x128xi32, #tpu.memory_space<vmem>> -> memref<1x128xi32, #tpu.memory_space<vmem>>
        %dma_start3A_168 = tpu.memref_squeeze %dma_start3A_167 : memref<1x128xi32, #tpu.memory_space<vmem>> -> memref<128xi32, #tpu.memory_space<vmem>>
        %dma_start3A_169 = arith.constant 0 : i32
        %dma_start3A_170 = arith.constant 0 : i32
        %dma_start3A_171 = tpu.memref_slice %arg15[%dma_start3A_169, %dma_start3A_170] : memref<65536x8xf32, #tpu.memory_space<vmem_shared>> -> memref<65536x8xf32, #tpu.memory_space<vmem_shared>>
        tpu.enqueue_indirect_dma source(%dma_start3A_165 : memref<128x8xf32, #tpu.memory_space<vmem>>) target(%dma_start3A_171 : memref<65536x8xf32, #tpu.memory_space<vmem_shared>>) offsets(%dma_start3A_168 : memref<128xi32, #tpu.memory_space<vmem>>) semaphore(%arg17 : memref<!tpu.dma_semaphore, #tpu.memory_space<semaphore_mem>>) {add = true}
        %mul3A_172 = arith.constant 4 : i32
        %mul3A_173 = arith.muli %add3A_99, %mul3A_172 : i32
        %add3A_174 = arith.constant 2 : i32
        %add3A_175 = arith.addi %mul3A_173, %add3A_174 : i32
        %mul3A_176 = arith.constant 256 : i32
        %mul3A_177 = arith.muli %add3A_175, %mul3A_176 : i32
        %add3A_178 = arith.constant 0 : i32
        %add3A_179 = arith.addi %mul3A_177, %add3A_178 : i32
        %mul3A_180 = arith.constant 4 : i32
        %mul3A_181 = arith.muli %add3A_175, %mul3A_180 : i32
        %add3A_182 = arith.constant 0 : i32
        %add3A_183 = arith.addi %mul3A_181, %add3A_182 : i32
        %dma_start3A_184 = arith.constant 0 : i32
        %dma_start3A_185 = tpu.memref_slice %arg10[%add3A_179, %dma_start3A_184] : memref<2048x8xf32, #tpu.memory_space<vmem>> -> memref<128x8xf32, #tpu.memory_space<vmem>>
        %dma_start3A_186 = arith.constant 0 : i32
        %dma_start3A_187 = tpu.memref_slice %arg9[%add3A_183, %dma_start3A_186] : memref<32x128xi32, #tpu.memory_space<vmem>> -> memref<1x128xi32, #tpu.memory_space<vmem>>
        %dma_start3A_188 = tpu.memref_squeeze %dma_start3A_187 : memref<1x128xi32, #tpu.memory_space<vmem>> -> memref<128xi32, #tpu.memory_space<vmem>>
        %dma_start3A_189 = arith.constant 0 : i32
        %dma_start3A_190 = arith.constant 0 : i32
        %dma_start3A_191 = tpu.memref_slice %arg15[%dma_start3A_189, %dma_start3A_190] : memref<65536x8xf32, #tpu.memory_space<vmem_shared>> -> memref<65536x8xf32, #tpu.memory_space<vmem_shared>>
        tpu.enqueue_indirect_dma source(%dma_start3A_185 : memref<128x8xf32, #tpu.memory_space<vmem>>) target(%dma_start3A_191 : memref<65536x8xf32, #tpu.memory_space<vmem_shared>>) offsets(%dma_start3A_188 : memref<128xi32, #tpu.memory_space<vmem>>) semaphore(%arg17 : memref<!tpu.dma_semaphore, #tpu.memory_space<semaphore_mem>>) {add = true}
        %mul3A_192 = arith.constant 256 : i32
        %mul3A_193 = arith.muli %add3A_175, %mul3A_192 : i32
        %add3A_194 = arith.constant 128 : i32
        %add3A_195 = arith.addi %mul3A_193, %add3A_194 : i32
        %mul3A_196 = arith.constant 4 : i32
        %mul3A_197 = arith.muli %add3A_175, %mul3A_196 : i32
        %add3A_198 = arith.constant 1 : i32
        %add3A_199 = arith.addi %mul3A_197, %add3A_198 : i32
        %dma_start3A_200 = arith.constant 0 : i32
        %dma_start3A_201 = tpu.memref_slice %arg10[%add3A_195, %dma_start3A_200] : memref<2048x8xf32, #tpu.memory_space<vmem>> -> memref<128x8xf32, #tpu.memory_space<vmem>>
        %dma_start3A_202 = arith.constant 0 : i32
        %dma_start3A_203 = tpu.memref_slice %arg9[%add3A_199, %dma_start3A_202] : memref<32x128xi32, #tpu.memory_space<vmem>> -> memref<1x128xi32, #tpu.memory_space<vmem>>
        %dma_start3A_204 = tpu.memref_squeeze %dma_start3A_203 : memref<1x128xi32, #tpu.memory_space<vmem>> -> memref<128xi32, #tpu.memory_space<vmem>>
        %dma_start3A_205 = arith.constant 0 : i32
        %dma_start3A_206 = arith.constant 0 : i32
        %dma_start3A_207 = tpu.memref_slice %arg15[%dma_start3A_205, %dma_start3A_206] : memref<65536x8xf32, #tpu.memory_space<vmem_shared>> -> memref<65536x8xf32, #tpu.memory_space<vmem_shared>>
        tpu.enqueue_indirect_dma source(%dma_start3A_201 : memref<128x8xf32, #tpu.memory_space<vmem>>) target(%dma_start3A_207 : memref<65536x8xf32, #tpu.memory_space<vmem_shared>>) offsets(%dma_start3A_204 : memref<128xi32, #tpu.memory_space<vmem>>) semaphore(%arg17 : memref<!tpu.dma_semaphore, #tpu.memory_space<semaphore_mem>>) {add = true}
        %mul3A_208 = arith.constant 4 : i32
        %mul3A_209 = arith.muli %add3A_99, %mul3A_208 : i32
        %add3A_210 = arith.constant 3 : i32
        %add3A_211 = arith.addi %mul3A_209, %add3A_210 : i32
        %mul3A_212 = arith.constant 256 : i32
        %mul3A_213 = arith.muli %add3A_211, %mul3A_212 : i32
        %add3A_214 = arith.constant 0 : i32
        %add3A_215 = arith.addi %mul3A_213, %add3A_214 : i32
        %mul3A_216 = arith.constant 4 : i32
        %mul3A_217 = arith.muli %add3A_211, %mul3A_216 : i32
        %add3A_218 = arith.constant 0 : i32
        %add3A_219 = arith.addi %mul3A_217, %add3A_218 : i32
        %dma_start3A_220 = arith.constant 0 : i32
        %dma_start3A_221 = tpu.memref_slice %arg10[%add3A_215, %dma_start3A_220] : memref<2048x8xf32, #tpu.memory_space<vmem>> -> memref<128x8xf32, #tpu.memory_space<vmem>>
        %dma_start3A_222 = arith.constant 0 : i32
        %dma_start3A_223 = tpu.memref_slice %arg9[%add3A_219, %dma_start3A_222] : memref<32x128xi32, #tpu.memory_space<vmem>> -> memref<1x128xi32, #tpu.memory_space<vmem>>
        %dma_start3A_224 = tpu.memref_squeeze %dma_start3A_223 : memref<1x128xi32, #tpu.memory_space<vmem>> -> memref<128xi32, #tpu.memory_space<vmem>>
        %dma_start3A_225 = arith.constant 0 : i32
        %dma_start3A_226 = arith.constant 0 : i32
        %dma_start3A_227 = tpu.memref_slice %arg15[%dma_start3A_225, %dma_start3A_226] : memref<65536x8xf32, #tpu.memory_space<vmem_shared>> -> memref<65536x8xf32, #tpu.memory_space<vmem_shared>>
        tpu.enqueue_indirect_dma source(%dma_start3A_221 : memref<128x8xf32, #tpu.memory_space<vmem>>) target(%dma_start3A_227 : memref<65536x8xf32, #tpu.memory_space<vmem_shared>>) offsets(%dma_start3A_224 : memref<128xi32, #tpu.memory_space<vmem>>) semaphore(%arg17 : memref<!tpu.dma_semaphore, #tpu.memory_space<semaphore_mem>>) {add = true}
        %mul3A_228 = arith.constant 256 : i32
        %mul3A_229 = arith.muli %add3A_211, %mul3A_228 : i32
        %add3A_230 = arith.constant 128 : i32
        %add3A_231 = arith.addi %mul3A_229, %add3A_230 : i32
        %mul3A_232 = arith.constant 4 : i32
        %mul3A_233 = arith.muli %add3A_211, %mul3A_232 : i32
        %add3A_234 = arith.constant 1 : i32
        %add3A_235 = arith.addi %mul3A_233, %add3A_234 : i32
        %dma_start3A_236 = arith.constant 0 : i32
        %dma_start3A_237 = tpu.memref_slice %arg10[%add3A_231, %dma_start3A_236] : memref<2048x8xf32, #tpu.memory_space<vmem>> -> memref<128x8xf32, #tpu.memory_space<vmem>>
        %dma_start3A_238 = arith.constant 0 : i32
        %dma_start3A_239 = tpu.memref_slice %arg9[%add3A_235, %dma_start3A_238] : memref<32x128xi32, #tpu.memory_space<vmem>> -> memref<1x128xi32, #tpu.memory_space<vmem>>
        %dma_start3A_240 = tpu.memref_squeeze %dma_start3A_239 : memref<1x128xi32, #tpu.memory_space<vmem>> -> memref<128xi32, #tpu.memory_space<vmem>>
        %dma_start3A_241 = arith.constant 0 : i32
        %dma_start3A_242 = arith.constant 0 : i32
        %dma_start3A_243 = tpu.memref_slice %arg15[%dma_start3A_241, %dma_start3A_242] : memref<65536x8xf32, #tpu.memory_space<vmem_shared>> -> memref<65536x8xf32, #tpu.memory_space<vmem_shared>>
        tpu.enqueue_indirect_dma source(%dma_start3A_237 : memref<128x8xf32, #tpu.memory_space<vmem>>) target(%dma_start3A_243 : memref<65536x8xf32, #tpu.memory_space<vmem_shared>>) offsets(%dma_start3A_240 : memref<128xi32, #tpu.memory_space<vmem>>) semaphore(%arg17 : memref<!tpu.dma_semaphore, #tpu.memory_space<semaphore_mem>>) {add = true}
        %dma_wait3A_244 = arith.constant 0 : i32
        %dma_wait3A_245 = tpu.memref_slice %arg10[%add3A_107, %dma_wait3A_244] : memref<2048x8xf32, #tpu.memory_space<vmem>> -> memref<128x8xf32, #tpu.memory_space<vmem>>
        %dma_wait3A_246 = arith.constant 0 : i32
        %dma_wait3A_247 = tpu.memref_slice %arg9[%add3A_111, %dma_wait3A_246] : memref<32x128xi32, #tpu.memory_space<vmem>> -> memref<1x128xi32, #tpu.memory_space<vmem>>
        %dma_wait3A_248 = tpu.memref_squeeze %dma_wait3A_247 : memref<1x128xi32, #tpu.memory_space<vmem>> -> memref<128xi32, #tpu.memory_space<vmem>>
        %dma_wait3A_249 = arith.constant 0 : i32
        %dma_wait3A_250 = arith.constant 0 : i32
        %dma_wait3A_251 = tpu.memref_slice %arg15[%dma_wait3A_249, %dma_wait3A_250] : memref<65536x8xf32, #tpu.memory_space<vmem_shared>> -> memref<65536x8xf32, #tpu.memory_space<vmem_shared>>
        tpu.wait_indirect_dma semaphore(%arg17 : memref<!tpu.dma_semaphore, #tpu.memory_space<semaphore_mem>>) src(%dma_wait3A_245 : memref<128x8xf32, #tpu.memory_space<vmem>>) dst(%dma_wait3A_251 : memref<65536x8xf32, #tpu.memory_space<vmem_shared>>)
        %dma_wait3A_252 = arith.constant 0 : i32
        %dma_wait3A_253 = tpu.memref_slice %arg10[%add3A_123, %dma_wait3A_252] : memref<2048x8xf32, #tpu.memory_space<vmem>> -> memref<128x8xf32, #tpu.memory_space<vmem>>
        %dma_wait3A_254 = arith.constant 0 : i32
        %dma_wait3A_255 = tpu.memref_slice %arg9[%add3A_127, %dma_wait3A_254] : memref<32x128xi32, #tpu.memory_space<vmem>> -> memref<1x128xi32, #tpu.memory_space<vmem>>
        %dma_wait3A_256 = tpu.memref_squeeze %dma_wait3A_255 : memref<1x128xi32, #tpu.memory_space<vmem>> -> memref<128xi32, #tpu.memory_space<vmem>>
        %dma_wait3A_257 = arith.constant 0 : i32
        %dma_wait3A_258 = arith.constant 0 : i32
        %dma_wait3A_259 = tpu.memref_slice %arg15[%dma_wait3A_257, %dma_wait3A_258] : memref<65536x8xf32, #tpu.memory_space<vmem_shared>> -> memref<65536x8xf32, #tpu.memory_space<vmem_shared>>
        tpu.wait_indirect_dma semaphore(%arg17 : memref<!tpu.dma_semaphore, #tpu.memory_space<semaphore_mem>>) src(%dma_wait3A_253 : memref<128x8xf32, #tpu.memory_space<vmem>>) dst(%dma_wait3A_259 : memref<65536x8xf32, #tpu.memory_space<vmem_shared>>)
        %dma_wait3A_260 = arith.constant 0 : i32
        %dma_wait3A_261 = tpu.memref_slice %arg10[%add3A_143, %dma_wait3A_260] : memref<2048x8xf32, #tpu.memory_space<vmem>> -> memref<128x8xf32, #tpu.memory_space<vmem>>
        %dma_wait3A_262 = arith.constant 0 : i32
        %dma_wait3A_263 = tpu.memref_slice %arg9[%add3A_147, %dma_wait3A_262] : memref<32x128xi32, #tpu.memory_space<vmem>> -> memref<1x128xi32, #tpu.memory_space<vmem>>
        %dma_wait3A_264 = tpu.memref_squeeze %dma_wait3A_263 : memref<1x128xi32, #tpu.memory_space<vmem>> -> memref<128xi32, #tpu.memory_space<vmem>>
        %dma_wait3A_265 = arith.constant 0 : i32
        %dma_wait3A_266 = arith.constant 0 : i32
        %dma_wait3A_267 = tpu.memref_slice %arg15[%dma_wait3A_265, %dma_wait3A_266] : memref<65536x8xf32, #tpu.memory_space<vmem_shared>> -> memref<65536x8xf32, #tpu.memory_space<vmem_shared>>
        tpu.wait_indirect_dma semaphore(%arg17 : memref<!tpu.dma_semaphore, #tpu.memory_space<semaphore_mem>>) src(%dma_wait3A_261 : memref<128x8xf32, #tpu.memory_space<vmem>>) dst(%dma_wait3A_267 : memref<65536x8xf32, #tpu.memory_space<vmem_shared>>)
        %dma_wait3A_268 = arith.constant 0 : i32
        %dma_wait3A_269 = tpu.memref_slice %arg10[%add3A_159, %dma_wait3A_268] : memref<2048x8xf32, #tpu.memory_space<vmem>> -> memref<128x8xf32, #tpu.memory_space<vmem>>
        %dma_wait3A_270 = arith.constant 0 : i32
        %dma_wait3A_271 = tpu.memref_slice %arg9[%add3A_163, %dma_wait3A_270] : memref<32x128xi32, #tpu.memory_space<vmem>> -> memref<1x128xi32, #tpu.memory_space<vmem>>
        %dma_wait3A_272 = tpu.memref_squeeze %dma_wait3A_271 : memref<1x128xi32, #tpu.memory_space<vmem>> -> memref<128xi32, #tpu.memory_space<vmem>>
        %dma_wait3A_273 = arith.constant 0 : i32
        %dma_wait3A_274 = arith.constant 0 : i32
        %dma_wait3A_275 = tpu.memref_slice %arg15[%dma_wait3A_273, %dma_wait3A_274] : memref<65536x8xf32, #tpu.memory_space<vmem_shared>> -> memref<65536x8xf32, #tpu.memory_space<vmem_shared>>
        tpu.wait_indirect_dma semaphore(%arg17 : memref<!tpu.dma_semaphore, #tpu.memory_space<semaphore_mem>>) src(%dma_wait3A_269 : memref<128x8xf32, #tpu.memory_space<vmem>>) dst(%dma_wait3A_275 : memref<65536x8xf32, #tpu.memory_space<vmem_shared>>)
        %dma_wait3A_276 = arith.constant 0 : i32
        %dma_wait3A_277 = tpu.memref_slice %arg10[%add3A_179, %dma_wait3A_276] : memref<2048x8xf32, #tpu.memory_space<vmem>> -> memref<128x8xf32, #tpu.memory_space<vmem>>
        %dma_wait3A_278 = arith.constant 0 : i32
        %dma_wait3A_279 = tpu.memref_slice %arg9[%add3A_183, %dma_wait3A_278] : memref<32x128xi32, #tpu.memory_space<vmem>> -> memref<1x128xi32, #tpu.memory_space<vmem>>
        %dma_wait3A_280 = tpu.memref_squeeze %dma_wait3A_279 : memref<1x128xi32, #tpu.memory_space<vmem>> -> memref<128xi32, #tpu.memory_space<vmem>>
        %dma_wait3A_281 = arith.constant 0 : i32
        %dma_wait3A_282 = arith.constant 0 : i32
        %dma_wait3A_283 = tpu.memref_slice %arg15[%dma_wait3A_281, %dma_wait3A_282] : memref<65536x8xf32, #tpu.memory_space<vmem_shared>> -> memref<65536x8xf32, #tpu.memory_space<vmem_shared>>
        tpu.wait_indirect_dma semaphore(%arg17 : memref<!tpu.dma_semaphore, #tpu.memory_space<semaphore_mem>>) src(%dma_wait3A_277 : memref<128x8xf32, #tpu.memory_space<vmem>>) dst(%dma_wait3A_283 : memref<65536x8xf32, #tpu.memory_space<vmem_shared>>)
        %dma_wait3A_284 = arith.constant 0 : i32
        %dma_wait3A_285 = tpu.memref_slice %arg10[%add3A_195, %dma_wait3A_284] : memref<2048x8xf32, #tpu.memory_space<vmem>> -> memref<128x8xf32, #tpu.memory_space<vmem>>
        %dma_wait3A_286 = arith.constant 0 : i32
        %dma_wait3A_287 = tpu.memref_slice %arg9[%add3A_199, %dma_wait3A_286] : memref<32x128xi32, #tpu.memory_space<vmem>> -> memref<1x128xi32, #tpu.memory_space<vmem>>
        %dma_wait3A_288 = tpu.memref_squeeze %dma_wait3A_287 : memref<1x128xi32, #tpu.memory_space<vmem>> -> memref<128xi32, #tpu.memory_space<vmem>>
        %dma_wait3A_289 = arith.constant 0 : i32
        %dma_wait3A_290 = arith.constant 0 : i32
        %dma_wait3A_291 = tpu.memref_slice %arg15[%dma_wait3A_289, %dma_wait3A_290] : memref<65536x8xf32, #tpu.memory_space<vmem_shared>> -> memref<65536x8xf32, #tpu.memory_space<vmem_shared>>
        tpu.wait_indirect_dma semaphore(%arg17 : memref<!tpu.dma_semaphore, #tpu.memory_space<semaphore_mem>>) src(%dma_wait3A_285 : memref<128x8xf32, #tpu.memory_space<vmem>>) dst(%dma_wait3A_291 : memref<65536x8xf32, #tpu.memory_space<vmem_shared>>)
        %dma_wait3A_292 = arith.constant 0 : i32
        %dma_wait3A_293 = tpu.memref_slice %arg10[%add3A_215, %dma_wait3A_292] : memref<2048x8xf32, #tpu.memory_space<vmem>> -> memref<128x8xf32, #tpu.memory_space<vmem>>
        %dma_wait3A_294 = arith.constant 0 : i32
        %dma_wait3A_295 = tpu.memref_slice %arg9[%add3A_219, %dma_wait3A_294] : memref<32x128xi32, #tpu.memory_space<vmem>> -> memref<1x128xi32, #tpu.memory_space<vmem>>
        %dma_wait3A_296 = tpu.memref_squeeze %dma_wait3A_295 : memref<1x128xi32, #tpu.memory_space<vmem>> -> memref<128xi32, #tpu.memory_space<vmem>>
        %dma_wait3A_297 = arith.constant 0 : i32
        %dma_wait3A_298 = arith.constant 0 : i32
        %dma_wait3A_299 = tpu.memref_slice %arg15[%dma_wait3A_297, %dma_wait3A_298] : memref<65536x8xf32, #tpu.memory_space<vmem_shared>> -> memref<65536x8xf32, #tpu.memory_space<vmem_shared>>
        tpu.wait_indirect_dma semaphore(%arg17 : memref<!tpu.dma_semaphore, #tpu.memory_space<semaphore_mem>>) src(%dma_wait3A_293 : memref<128x8xf32, #tpu.memory_space<vmem>>) dst(%dma_wait3A_299 : memref<65536x8xf32, #tpu.memory_space<vmem_shared>>)
        %dma_wait3A_300 = arith.constant 0 : i32
        %dma_wait3A_301 = tpu.memref_slice %arg10[%add3A_231, %dma_wait3A_300] : memref<2048x8xf32, #tpu.memory_space<vmem>> -> memref<128x8xf32, #tpu.memory_space<vmem>>
        %dma_wait3A_302 = arith.constant 0 : i32
        %dma_wait3A_303 = tpu.memref_slice %arg9[%add3A_235, %dma_wait3A_302] : memref<32x128xi32, #tpu.memory_space<vmem>> -> memref<1x128xi32, #tpu.memory_space<vmem>>
        %dma_wait3A_304 = tpu.memref_squeeze %dma_wait3A_303 : memref<1x128xi32, #tpu.memory_space<vmem>> -> memref<128xi32, #tpu.memory_space<vmem>>
        %dma_wait3A_305 = arith.constant 0 : i32
        %dma_wait3A_306 = arith.constant 0 : i32
        %dma_wait3A_307 = tpu.memref_slice %arg15[%dma_wait3A_305, %dma_wait3A_306] : memref<65536x8xf32, #tpu.memory_space<vmem_shared>> -> memref<65536x8xf32, #tpu.memory_space<vmem_shared>>
        tpu.wait_indirect_dma semaphore(%arg17 : memref<!tpu.dma_semaphore, #tpu.memory_space<semaphore_mem>>) src(%dma_wait3A_301 : memref<128x8xf32, #tpu.memory_space<vmem>>) dst(%dma_wait3A_307 : memref<65536x8xf32, #tpu.memory_space<vmem_shared>>)
      }
      %scan3A_79 = arith.constant 2 : i32
      %dma_wait3A_80 = tpu.memref_slice %arg2[%select_n3A, %mul3A_58, %add3A_67] : memref<4x32768x128xf32, #tpu.memory_space<hbm>> -> memref<1x2048x8xf32, #tpu.memory_space<hbm>>
      %dma_wait3A_81 = tpu.memref_squeeze %dma_wait3A_80 : memref<1x2048x8xf32, #tpu.memory_space<hbm>> -> memref<2048x8xf32, #tpu.memory_space<hbm>>
      %dma_wait3A_82 = tpu.memref_slice %arg2[%select_n3A, %mul3A_58, %add3A_67] : memref<4x32768x128xf32, #tpu.memory_space<hbm>> -> memref<1x2048x8xf32, #tpu.memory_space<hbm>>
      %dma_wait3A_83 = tpu.memref_squeeze %dma_wait3A_82 : memref<1x2048x8xf32, #tpu.memory_space<hbm>> -> memref<2048x8xf32, #tpu.memory_space<hbm>>
      tpu.wait_dma2 semaphore(%arg18 : memref<!tpu.dma_semaphore, #tpu.memory_space<semaphore_mem>>) src(%dma_wait3A_83 : memref<2048x8xf32, #tpu.memory_space<hbm>>) dst(%arg11 : memref<2048x8xf32, #tpu.memory_space<vmem>>)
      %scan3A_84 = arith.constant 0 : i32
      %scan3A_85 = arith.constant 2 : i32
      %scan3A_86 = arith.addi %scan3A_84, %scan3A_85 : i32
      %scan3A_87 = arith.constant 1 : i32
      scf.for %scan3A_95 = %scan3A_84 to %scan3A_86 step %scan3A_87  : i32 {
        %mul3A_96 = arith.constant 1 : i32
        %mul3A_97 = arith.muli %scan3A_95, %mul3A_96 : i32
        %add3A_98 = arith.constant 0 : i32
        %add3A_99 = arith.addi %add3A_98, %mul3A_97 : i32
        %mul3A_100 = arith.constant 4 : i32
        %mul3A_101 = arith.muli %add3A_99, %mul3A_100 : i32
        %add3A_102 = arith.constant 0 : i32
        %add3A_103 = arith.addi %mul3A_101, %add3A_102 : i32
        %mul3A_104 = arith.constant 256 : i32
        %mul3A_105 = arith.muli %add3A_103, %mul3A_104 : i32
        %add3A_106 = arith.constant 0 : i32
        %add3A_107 = arith.addi %mul3A_105, %add3A_106 : i32
        %mul3A_108 = arith.constant 4 : i32
        %mul3A_109 = arith.muli %add3A_103, %mul3A_108 : i32
        %add3A_110 = arith.constant 2 : i32
        %add3A_111 = arith.addi %mul3A_109, %add3A_110 : i32
        %add3A_112 = arith.constant 0 : i32
        %add3A_113 = arith.addi %add3A_111, %add3A_112 : i32
        %dma_start3A_114 = arith.constant 0 : i32
        %dma_start3A_115 = tpu.memref_slice %arg11[%add3A_107, %dma_start3A_114] : memref<2048x8xf32, #tpu.memory_space<vmem>> -> memref<128x8xf32, #tpu.memory_space<vmem>>
        %dma_start3A_116 = arith.constant 0 : i32
        %dma_start3A_117 = tpu.memref_slice %arg9[%add3A_113, %dma_start3A_116] : memref<32x128xi32, #tpu.memory_space<vmem>> -> memref<1x128xi32, #tpu.memory_space<vmem>>
        %dma_start3A_118 = tpu.memref_squeeze %dma_start3A_117 : memref<1x128xi32, #tpu.memory_space<vmem>> -> memref<128xi32, #tpu.memory_space<vmem>>
        %dma_start3A_119 = arith.constant 0 : i32
        %dma_start3A_120 = arith.constant 0 : i32
        %dma_start3A_121 = tpu.memref_slice %arg15[%dma_start3A_119, %dma_start3A_120] : memref<65536x8xf32, #tpu.memory_space<vmem_shared>> -> memref<65536x8xf32, #tpu.memory_space<vmem_shared>>
        tpu.enqueue_indirect_dma source(%dma_start3A_115 : memref<128x8xf32, #tpu.memory_space<vmem>>) target(%dma_start3A_121 : memref<65536x8xf32, #tpu.memory_space<vmem_shared>>) offsets(%dma_start3A_118 : memref<128xi32, #tpu.memory_space<vmem>>) semaphore(%arg17 : memref<!tpu.dma_semaphore, #tpu.memory_space<semaphore_mem>>) {add = true}
        %mul3A_122 = arith.constant 256 : i32
        %mul3A_123 = arith.muli %add3A_103, %mul3A_122 : i32
        %add3A_124 = arith.constant 128 : i32
        %add3A_125 = arith.addi %mul3A_123, %add3A_124 : i32
        %mul3A_126 = arith.constant 4 : i32
        %mul3A_127 = arith.muli %add3A_103, %mul3A_126 : i32
        %add3A_128 = arith.constant 2 : i32
        %add3A_129 = arith.addi %mul3A_127, %add3A_128 : i32
        %add3A_130 = arith.constant 1 : i32
        %add3A_131 = arith.addi %add3A_129, %add3A_130 : i32
        %dma_start3A_132 = arith.constant 0 : i32
        %dma_start3A_133 = tpu.memref_slice %arg11[%add3A_125, %dma_start3A_132] : memref<2048x8xf32, #tpu.memory_space<vmem>> -> memref<128x8xf32, #tpu.memory_space<vmem>>
        %dma_start3A_134 = arith.constant 0 : i32
        %dma_start3A_135 = tpu.memref_slice %arg9[%add3A_131, %dma_start3A_134] : memref<32x128xi32, #tpu.memory_space<vmem>> -> memref<1x128xi32, #tpu.memory_space<vmem>>
        %dma_start3A_136 = tpu.memref_squeeze %dma_start3A_135 : memref<1x128xi32, #tpu.memory_space<vmem>> -> memref<128xi32, #tpu.memory_space<vmem>>
        %dma_start3A_137 = arith.constant 0 : i32
        %dma_start3A_138 = arith.constant 0 : i32
        %dma_start3A_139 = tpu.memref_slice %arg15[%dma_start3A_137, %dma_start3A_138] : memref<65536x8xf32, #tpu.memory_space<vmem_shared>> -> memref<65536x8xf32, #tpu.memory_space<vmem_shared>>
        tpu.enqueue_indirect_dma source(%dma_start3A_133 : memref<128x8xf32, #tpu.memory_space<vmem>>) target(%dma_start3A_139 : memref<65536x8xf32, #tpu.memory_space<vmem_shared>>) offsets(%dma_start3A_136 : memref<128xi32, #tpu.memory_space<vmem>>) semaphore(%arg17 : memref<!tpu.dma_semaphore, #tpu.memory_space<semaphore_mem>>) {add = true}
        %mul3A_140 = arith.constant 4 : i32
        %mul3A_141 = arith.muli %add3A_99, %mul3A_140 : i32
        %add3A_142 = arith.constant 1 : i32
        %add3A_143 = arith.addi %mul3A_141, %add3A_142 : i32
        %mul3A_144 = arith.constant 256 : i32
        %mul3A_145 = arith.muli %add3A_143, %mul3A_144 : i32
        %add3A_146 = arith.constant 0 : i32
        %add3A_147 = arith.addi %mul3A_145, %add3A_146 : i32
        %mul3A_148 = arith.constant 4 : i32
        %mul3A_149 = arith.muli %add3A_143, %mul3A_148 : i32
        %add3A_150 = arith.constant 2 : i32
        %add3A_151 = arith.addi %mul3A_149, %add3A_150 : i32
        %add3A_152 = arith.constant 0 : i32
        %add3A_153 = arith.addi %add3A_151, %add3A_152 : i32
        %dma_start3A_154 = arith.constant 0 : i32
        %dma_start3A_155 = tpu.memref_slice %arg11[%add3A_147, %dma_start3A_154] : memref<2048x8xf32, #tpu.memory_space<vmem>> -> memref<128x8xf32, #tpu.memory_space<vmem>>
        %dma_start3A_156 = arith.constant 0 : i32
        %dma_start3A_157 = tpu.memref_slice %arg9[%add3A_153, %dma_start3A_156] : memref<32x128xi32, #tpu.memory_space<vmem>> -> memref<1x128xi32, #tpu.memory_space<vmem>>
        %dma_start3A_158 = tpu.memref_squeeze %dma_start3A_157 : memref<1x128xi32, #tpu.memory_space<vmem>> -> memref<128xi32, #tpu.memory_space<vmem>>
        %dma_start3A_159 = arith.constant 0 : i32
        %dma_start3A_160 = arith.constant 0 : i32
        %dma_start3A_161 = tpu.memref_slice %arg15[%dma_start3A_159, %dma_start3A_160] : memref<65536x8xf32, #tpu.memory_space<vmem_shared>> -> memref<65536x8xf32, #tpu.memory_space<vmem_shared>>
        tpu.enqueue_indirect_dma source(%dma_start3A_155 : memref<128x8xf32, #tpu.memory_space<vmem>>) target(%dma_start3A_161 : memref<65536x8xf32, #tpu.memory_space<vmem_shared>>) offsets(%dma_start3A_158 : memref<128xi32, #tpu.memory_space<vmem>>) semaphore(%arg17 : memref<!tpu.dma_semaphore, #tpu.memory_space<semaphore_mem>>) {add = true}
        %mul3A_162 = arith.constant 256 : i32
        %mul3A_163 = arith.muli %add3A_143, %mul3A_162 : i32
        %add3A_164 = arith.constant 128 : i32
        %add3A_165 = arith.addi %mul3A_163, %add3A_164 : i32
        %mul3A_166 = arith.constant 4 : i32
        %mul3A_167 = arith.muli %add3A_143, %mul3A_166 : i32
        %add3A_168 = arith.constant 2 : i32
        %add3A_169 = arith.addi %mul3A_167, %add3A_168 : i32
        %add3A_170 = arith.constant 1 : i32
        %add3A_171 = arith.addi %add3A_169, %add3A_170 : i32
        %dma_start3A_172 = arith.constant 0 : i32
        %dma_start3A_173 = tpu.memref_slice %arg11[%add3A_165, %dma_start3A_172] : memref<2048x8xf32, #tpu.memory_space<vmem>> -> memref<128x8xf32, #tpu.memory_space<vmem>>
        %dma_start3A_174 = arith.constant 0 : i32
        %dma_start3A_175 = tpu.memref_slice %arg9[%add3A_171, %dma_start3A_174] : memref<32x128xi32, #tpu.memory_space<vmem>> -> memref<1x128xi32, #tpu.memory_space<vmem>>
        %dma_start3A_176 = tpu.memref_squeeze %dma_start3A_175 : memref<1x128xi32, #tpu.memory_space<vmem>> -> memref<128xi32, #tpu.memory_space<vmem>>
        %dma_start3A_177 = arith.constant 0 : i32
        %dma_start3A_178 = arith.constant 0 : i32
        %dma_start3A_179 = tpu.memref_slice %arg15[%dma_start3A_177, %dma_start3A_178] : memref<65536x8xf32, #tpu.memory_space<vmem_shared>> -> memref<65536x8xf32, #tpu.memory_space<vmem_shared>>
        tpu.enqueue_indirect_dma source(%dma_start3A_173 : memref<128x8xf32, #tpu.memory_space<vmem>>) target(%dma_start3A_179 : memref<65536x8xf32, #tpu.memory_space<vmem_shared>>) offsets(%dma_start3A_176 : memref<128xi32, #tpu.memory_space<vmem>>) semaphore(%arg17 : memref<!tpu.dma_semaphore, #tpu.memory_space<semaphore_mem>>) {add = true}
        %mul3A_180 = arith.constant 4 : i32
        %mul3A_181 = arith.muli %add3A_99, %mul3A_180 : i32
        %add3A_182 = arith.constant 2 : i32
        %add3A_183 = arith.addi %mul3A_181, %add3A_182 : i32
        %mul3A_184 = arith.constant 256 : i32
        %mul3A_185 = arith.muli %add3A_183, %mul3A_184 : i32
        %add3A_186 = arith.constant 0 : i32
        %add3A_187 = arith.addi %mul3A_185, %add3A_186 : i32
        %mul3A_188 = arith.constant 4 : i32
        %mul3A_189 = arith.muli %add3A_183, %mul3A_188 : i32
        %add3A_190 = arith.constant 2 : i32
        %add3A_191 = arith.addi %mul3A_189, %add3A_190 : i32
        %add3A_192 = arith.constant 0 : i32
        %add3A_193 = arith.addi %add3A_191, %add3A_192 : i32
        %dma_start3A_194 = arith.constant 0 : i32
        %dma_start3A_195 = tpu.memref_slice %arg11[%add3A_187, %dma_start3A_194] : memref<2048x8xf32, #tpu.memory_space<vmem>> -> memref<128x8xf32, #tpu.memory_space<vmem>>
        %dma_start3A_196 = arith.constant 0 : i32
        %dma_start3A_197 = tpu.memref_slice %arg9[%add3A_193, %dma_start3A_196] : memref<32x128xi32, #tpu.memory_space<vmem>> -> memref<1x128xi32, #tpu.memory_space<vmem>>
        %dma_start3A_198 = tpu.memref_squeeze %dma_start3A_197 : memref<1x128xi32, #tpu.memory_space<vmem>> -> memref<128xi32, #tpu.memory_space<vmem>>
        %dma_start3A_199 = arith.constant 0 : i32
        %dma_start3A_200 = arith.constant 0 : i32
        %dma_start3A_201 = tpu.memref_slice %arg15[%dma_start3A_199, %dma_start3A_200] : memref<65536x8xf32, #tpu.memory_space<vmem_shared>> -> memref<65536x8xf32, #tpu.memory_space<vmem_shared>>
        tpu.enqueue_indirect_dma source(%dma_start3A_195 : memref<128x8xf32, #tpu.memory_space<vmem>>) target(%dma_start3A_201 : memref<65536x8xf32, #tpu.memory_space<vmem_shared>>) offsets(%dma_start3A_198 : memref<128xi32, #tpu.memory_space<vmem>>) semaphore(%arg17 : memref<!tpu.dma_semaphore, #tpu.memory_space<semaphore_mem>>) {add = true}
        %mul3A_202 = arith.constant 256 : i32
        %mul3A_203 = arith.muli %add3A_183, %mul3A_202 : i32
        %add3A_204 = arith.constant 128 : i32
        %add3A_205 = arith.addi %mul3A_203, %add3A_204 : i32
        %mul3A_206 = arith.constant 4 : i32
        %mul3A_207 = arith.muli %add3A_183, %mul3A_206 : i32
        %add3A_208 = arith.constant 2 : i32
        %add3A_209 = arith.addi %mul3A_207, %add3A_208 : i32
        %add3A_210 = arith.constant 1 : i32
        %add3A_211 = arith.addi %add3A_209, %add3A_210 : i32
        %dma_start3A_212 = arith.constant 0 : i32
        %dma_start3A_213 = tpu.memref_slice %arg11[%add3A_205, %dma_start3A_212] : memref<2048x8xf32, #tpu.memory_space<vmem>> -> memref<128x8xf32, #tpu.memory_space<vmem>>
        %dma_start3A_214 = arith.constant 0 : i32
        %dma_start3A_215 = tpu.memref_slice %arg9[%add3A_211, %dma_start3A_214] : memref<32x128xi32, #tpu.memory_space<vmem>> -> memref<1x128xi32, #tpu.memory_space<vmem>>
        %dma_start3A_216 = tpu.memref_squeeze %dma_start3A_215 : memref<1x128xi32, #tpu.memory_space<vmem>> -> memref<128xi32, #tpu.memory_space<vmem>>
        %dma_start3A_217 = arith.constant 0 : i32
        %dma_start3A_218 = arith.constant 0 : i32
        %dma_start3A_219 = tpu.memref_slice %arg15[%dma_start3A_217, %dma_start3A_218] : memref<65536x8xf32, #tpu.memory_space<vmem_shared>> -> memref<65536x8xf32, #tpu.memory_space<vmem_shared>>
        tpu.enqueue_indirect_dma source(%dma_start3A_213 : memref<128x8xf32, #tpu.memory_space<vmem>>) target(%dma_start3A_219 : memref<65536x8xf32, #tpu.memory_space<vmem_shared>>) offsets(%dma_start3A_216 : memref<128xi32, #tpu.memory_space<vmem>>) semaphore(%arg17 : memref<!tpu.dma_semaphore, #tpu.memory_space<semaphore_mem>>) {add = true}
        %mul3A_220 = arith.constant 4 : i32
        %mul3A_221 = arith.muli %add3A_99, %mul3A_220 : i32
        %add3A_222 = arith.constant 3 : i32
        %add3A_223 = arith.addi %mul3A_221, %add3A_222 : i32
        %mul3A_224 = arith.constant 256 : i32
        %mul3A_225 = arith.muli %add3A_223, %mul3A_224 : i32
        %add3A_226 = arith.constant 0 : i32
        %add3A_227 = arith.addi %mul3A_225, %add3A_226 : i32
        %mul3A_228 = arith.constant 4 : i32
        %mul3A_229 = arith.muli %add3A_223, %mul3A_228 : i32
        %add3A_230 = arith.constant 2 : i32
        %add3A_231 = arith.addi %mul3A_229, %add3A_230 : i32
        %add3A_232 = arith.constant 0 : i32
        %add3A_233 = arith.addi %add3A_231, %add3A_232 : i32
        %dma_start3A_234 = arith.constant 0 : i32
        %dma_start3A_235 = tpu.memref_slice %arg11[%add3A_227, %dma_start3A_234] : memref<2048x8xf32, #tpu.memory_space<vmem>> -> memref<128x8xf32, #tpu.memory_space<vmem>>
        %dma_start3A_236 = arith.constant 0 : i32
        %dma_start3A_237 = tpu.memref_slice %arg9[%add3A_233, %dma_start3A_236] : memref<32x128xi32, #tpu.memory_space<vmem>> -> memref<1x128xi32, #tpu.memory_space<vmem>>
        %dma_start3A_238 = tpu.memref_squeeze %dma_start3A_237 : memref<1x128xi32, #tpu.memory_space<vmem>> -> memref<128xi32, #tpu.memory_space<vmem>>
        %dma_start3A_239 = arith.constant 0 : i32
        %dma_start3A_240 = arith.constant 0 : i32
        %dma_start3A_241 = tpu.memref_slice %arg15[%dma_start3A_239, %dma_start3A_240] : memref<65536x8xf32, #tpu.memory_space<vmem_shared>> -> memref<65536x8xf32, #tpu.memory_space<vmem_shared>>
        tpu.enqueue_indirect_dma source(%dma_start3A_235 : memref<128x8xf32, #tpu.memory_space<vmem>>) target(%dma_start3A_241 : memref<65536x8xf32, #tpu.memory_space<vmem_shared>>) offsets(%dma_start3A_238 : memref<128xi32, #tpu.memory_space<vmem>>) semaphore(%arg17 : memref<!tpu.dma_semaphore, #tpu.memory_space<semaphore_mem>>) {add = true}
        %mul3A_242 = arith.constant 256 : i32
        %mul3A_243 = arith.muli %add3A_223, %mul3A_242 : i32
        %add3A_244 = arith.constant 128 : i32
        %add3A_245 = arith.addi %mul3A_243, %add3A_244 : i32
        %mul3A_246 = arith.constant 4 : i32
        %mul3A_247 = arith.muli %add3A_223, %mul3A_246 : i32
        %add3A_248 = arith.constant 2 : i32
        %add3A_249 = arith.addi %mul3A_247, %add3A_248 : i32
        %add3A_250 = arith.constant 1 : i32
        %add3A_251 = arith.addi %add3A_249, %add3A_250 : i32
        %dma_start3A_252 = arith.constant 0 : i32
        %dma_start3A_253 = tpu.memref_slice %arg11[%add3A_245, %dma_start3A_252] : memref<2048x8xf32, #tpu.memory_space<vmem>> -> memref<128x8xf32, #tpu.memory_space<vmem>>
        %dma_start3A_254 = arith.constant 0 : i32
        %dma_start3A_255 = tpu.memref_slice %arg9[%add3A_251, %dma_start3A_254] : memref<32x128xi32, #tpu.memory_space<vmem>> -> memref<1x128xi32, #tpu.memory_space<vmem>>
        %dma_start3A_256 = tpu.memref_squeeze %dma_start3A_255 : memref<1x128xi32, #tpu.memory_space<vmem>> -> memref<128xi32, #tpu.memory_space<vmem>>
        %dma_start3A_257 = arith.constant 0 : i32
        %dma_start3A_258 = arith.constant 0 : i32
        %dma_start3A_259 = tpu.memref_slice %arg15[%dma_start3A_257, %dma_start3A_258] : memref<65536x8xf32, #tpu.memory_space<vmem_shared>> -> memref<65536x8xf32, #tpu.memory_space<vmem_shared>>
        tpu.enqueue_indirect_dma source(%dma_start3A_253 : memref<128x8xf32, #tpu.memory_space<vmem>>) target(%dma_start3A_259 : memref<65536x8xf32, #tpu.memory_space<vmem_shared>>) offsets(%dma_start3A_256 : memref<128xi32, #tpu.memory_space<vmem>>) semaphore(%arg17 : memref<!tpu.dma_semaphore, #tpu.memory_space<semaphore_mem>>) {add = true}
        %dma_wait3A_260 = arith.constant 0 : i32
        %dma_wait3A_261 = tpu.memref_slice %arg11[%add3A_107, %dma_wait3A_260] : memref<2048x8xf32, #tpu.memory_space<vmem>> -> memref<128x8xf32, #tpu.memory_space<vmem>>
        %dma_wait3A_262 = arith.constant 0 : i32
        %dma_wait3A_263 = tpu.memref_slice %arg9[%add3A_113, %dma_wait3A_262] : memref<32x128xi32, #tpu.memory_space<vmem>> -> memref<1x128xi32, #tpu.memory_space<vmem>>
        %dma_wait3A_264 = tpu.memref_squeeze %dma_wait3A_263 : memref<1x128xi32, #tpu.memory_space<vmem>> -> memref<128xi32, #tpu.memory_space<vmem>>
        %dma_wait3A_265 = arith.constant 0 : i32
        %dma_wait3A_266 = arith.constant 0 : i32
        %dma_wait3A_267 = tpu.memref_slice %arg15[%dma_wait3A_265, %dma_wait3A_266] : memref<65536x8xf32, #tpu.memory_space<vmem_shared>> -> memref<65536x8xf32, #tpu.memory_space<vmem_shared>>
        tpu.wait_indirect_dma semaphore(%arg17 : memref<!tpu.dma_semaphore, #tpu.memory_space<semaphore_mem>>) src(%dma_wait3A_261 : memref<128x8xf32, #tpu.memory_space<vmem>>) dst(%dma_wait3A_267 : memref<65536x8xf32, #tpu.memory_space<vmem_shared>>)
        %dma_wait3A_268 = arith.constant 0 : i32
        %dma_wait3A_269 = tpu.memref_slice %arg11[%add3A_125, %dma_wait3A_268] : memref<2048x8xf32, #tpu.memory_space<vmem>> -> memref<128x8xf32, #tpu.memory_space<vmem>>
        %dma_wait3A_270 = arith.constant 0 : i32
        %dma_wait3A_271 = tpu.memref_slice %arg9[%add3A_131, %dma_wait3A_270] : memref<32x128xi32, #tpu.memory_space<vmem>> -> memref<1x128xi32, #tpu.memory_space<vmem>>
        %dma_wait3A_272 = tpu.memref_squeeze %dma_wait3A_271 : memref<1x128xi32, #tpu.memory_space<vmem>> -> memref<128xi32, #tpu.memory_space<vmem>>
        %dma_wait3A_273 = arith.constant 0 : i32
        %dma_wait3A_274 = arith.constant 0 : i32
        %dma_wait3A_275 = tpu.memref_slice %arg15[%dma_wait3A_273, %dma_wait3A_274] : memref<65536x8xf32, #tpu.memory_space<vmem_shared>> -> memref<65536x8xf32, #tpu.memory_space<vmem_shared>>
        tpu.wait_indirect_dma semaphore(%arg17 : memref<!tpu.dma_semaphore, #tpu.memory_space<semaphore_mem>>) src(%dma_wait3A_269 : memref<128x8xf32, #tpu.memory_space<vmem>>) dst(%dma_wait3A_275 : memref<65536x8xf32, #tpu.memory_space<vmem_shared>>)
        %dma_wait3A_276 = arith.constant 0 : i32
        %dma_wait3A_277 = tpu.memref_slice %arg11[%add3A_147, %dma_wait3A_276] : memref<2048x8xf32, #tpu.memory_space<vmem>> -> memref<128x8xf32, #tpu.memory_space<vmem>>
        %dma_wait3A_278 = arith.constant 0 : i32
        %dma_wait3A_279 = tpu.memref_slice %arg9[%add3A_153, %dma_wait3A_278] : memref<32x128xi32, #tpu.memory_space<vmem>> -> memref<1x128xi32, #tpu.memory_space<vmem>>
        %dma_wait3A_280 = tpu.memref_squeeze %dma_wait3A_279 : memref<1x128xi32, #tpu.memory_space<vmem>> -> memref<128xi32, #tpu.memory_space<vmem>>
        %dma_wait3A_281 = arith.constant 0 : i32
        %dma_wait3A_282 = arith.constant 0 : i32
        %dma_wait3A_283 = tpu.memref_slice %arg15[%dma_wait3A_281, %dma_wait3A_282] : memref<65536x8xf32, #tpu.memory_space<vmem_shared>> -> memref<65536x8xf32, #tpu.memory_space<vmem_shared>>
        tpu.wait_indirect_dma semaphore(%arg17 : memref<!tpu.dma_semaphore, #tpu.memory_space<semaphore_mem>>) src(%dma_wait3A_277 : memref<128x8xf32, #tpu.memory_space<vmem>>) dst(%dma_wait3A_283 : memref<65536x8xf32, #tpu.memory_space<vmem_shared>>)
        %dma_wait3A_284 = arith.constant 0 : i32
        %dma_wait3A_285 = tpu.memref_slice %arg11[%add3A_165, %dma_wait3A_284] : memref<2048x8xf32, #tpu.memory_space<vmem>> -> memref<128x8xf32, #tpu.memory_space<vmem>>
        %dma_wait3A_286 = arith.constant 0 : i32
        %dma_wait3A_287 = tpu.memref_slice %arg9[%add3A_171, %dma_wait3A_286] : memref<32x128xi32, #tpu.memory_space<vmem>> -> memref<1x128xi32, #tpu.memory_space<vmem>>
        %dma_wait3A_288 = tpu.memref_squeeze %dma_wait3A_287 : memref<1x128xi32, #tpu.memory_space<vmem>> -> memref<128xi32, #tpu.memory_space<vmem>>
        %dma_wait3A_289 = arith.constant 0 : i32
        %dma_wait3A_290 = arith.constant 0 : i32
        %dma_wait3A_291 = tpu.memref_slice %arg15[%dma_wait3A_289, %dma_wait3A_290] : memref<65536x8xf32, #tpu.memory_space<vmem_shared>> -> memref<65536x8xf32, #tpu.memory_space<vmem_shared>>
        tpu.wait_indirect_dma semaphore(%arg17 : memref<!tpu.dma_semaphore, #tpu.memory_space<semaphore_mem>>) src(%dma_wait3A_285 : memref<128x8xf32, #tpu.memory_space<vmem>>) dst(%dma_wait3A_291 : memref<65536x8xf32, #tpu.memory_space<vmem_shared>>)
        %dma_wait3A_292 = arith.constant 0 : i32
        %dma_wait3A_293 = tpu.memref_slice %arg11[%add3A_187, %dma_wait3A_292] : memref<2048x8xf32, #tpu.memory_space<vmem>> -> memref<128x8xf32, #tpu.memory_space<vmem>>
        %dma_wait3A_294 = arith.constant 0 : i32
        %dma_wait3A_295 = tpu.memref_slice %arg9[%add3A_193, %dma_wait3A_294] : memref<32x128xi32, #tpu.memory_space<vmem>> -> memref<1x128xi32, #tpu.memory_space<vmem>>
        %dma_wait3A_296 = tpu.memref_squeeze %dma_wait3A_295 : memref<1x128xi32, #tpu.memory_space<vmem>> -> memref<128xi32, #tpu.memory_space<vmem>>
        %dma_wait3A_297 = arith.constant 0 : i32
        %dma_wait3A_298 = arith.constant 0 : i32
        %dma_wait3A_299 = tpu.memref_slice %arg15[%dma_wait3A_297, %dma_wait3A_298] : memref<65536x8xf32, #tpu.memory_space<vmem_shared>> -> memref<65536x8xf32, #tpu.memory_space<vmem_shared>>
        tpu.wait_indirect_dma semaphore(%arg17 : memref<!tpu.dma_semaphore, #tpu.memory_space<semaphore_mem>>) src(%dma_wait3A_293 : memref<128x8xf32, #tpu.memory_space<vmem>>) dst(%dma_wait3A_299 : memref<65536x8xf32, #tpu.memory_space<vmem_shared>>)
        %dma_wait3A_300 = arith.constant 0 : i32
        %dma_wait3A_301 = tpu.memref_slice %arg11[%add3A_205, %dma_wait3A_300] : memref<2048x8xf32, #tpu.memory_space<vmem>> -> memref<128x8xf32, #tpu.memory_space<vmem>>
        %dma_wait3A_302 = arith.constant 0 : i32
        %dma_wait3A_303 = tpu.memref_slice %arg9[%add3A_211, %dma_wait3A_302] : memref<32x128xi32, #tpu.memory_space<vmem>> -> memref<1x128xi32, #tpu.memory_space<vmem>>
        %dma_wait3A_304 = tpu.memref_squeeze %dma_wait3A_303 : memref<1x128xi32, #tpu.memory_space<vmem>> -> memref<128xi32, #tpu.memory_space<vmem>>
        %dma_wait3A_305 = arith.constant 0 : i32
        %dma_wait3A_306 = arith.constant 0 : i32
        %dma_wait3A_307 = tpu.memref_slice %arg15[%dma_wait3A_305, %dma_wait3A_306] : memref<65536x8xf32, #tpu.memory_space<vmem_shared>> -> memref<65536x8xf32, #tpu.memory_space<vmem_shared>>
        tpu.wait_indirect_dma semaphore(%arg17 : memref<!tpu.dma_semaphore, #tpu.memory_space<semaphore_mem>>) src(%dma_wait3A_301 : memref<128x8xf32, #tpu.memory_space<vmem>>) dst(%dma_wait3A_307 : memref<65536x8xf32, #tpu.memory_space<vmem_shared>>)
        %dma_wait3A_308 = arith.constant 0 : i32
        %dma_wait3A_309 = tpu.memref_slice %arg11[%add3A_227, %dma_wait3A_308] : memref<2048x8xf32, #tpu.memory_space<vmem>> -> memref<128x8xf32, #tpu.memory_space<vmem>>
        %dma_wait3A_310 = arith.constant 0 : i32
        %dma_wait3A_311 = tpu.memref_slice %arg9[%add3A_233, %dma_wait3A_310] : memref<32x128xi32, #tpu.memory_space<vmem>> -> memref<1x128xi32, #tpu.memory_space<vmem>>
        %dma_wait3A_312 = tpu.memref_squeeze %dma_wait3A_311 : memref<1x128xi32, #tpu.memory_space<vmem>> -> memref<128xi32, #tpu.memory_space<vmem>>
        %dma_wait3A_313 = arith.constant 0 : i32
        %dma_wait3A_314 = arith.constant 0 : i32
        %dma_wait3A_315 = tpu.memref_slice %arg15[%dma_wait3A_313, %dma_wait3A_314] : memref<65536x8xf32, #tpu.memory_space<vmem_shared>> -> memref<65536x8xf32, #tpu.memory_space<vmem_shared>>
        tpu.wait_indirect_dma semaphore(%arg17 : memref<!tpu.dma_semaphore, #tpu.memory_space<semaphore_mem>>) src(%dma_wait3A_309 : memref<128x8xf32, #tpu.memory_space<vmem>>) dst(%dma_wait3A_315 : memref<65536x8xf32, #tpu.memory_space<vmem_shared>>)
        %dma_wait3A_316 = arith.constant 0 : i32
        %dma_wait3A_317 = tpu.memref_slice %arg11[%add3A_245, %dma_wait3A_316] : memref<2048x8xf32, #tpu.memory_space<vmem>> -> memref<128x8xf32, #tpu.memory_space<vmem>>
        %dma_wait3A_318 = arith.constant 0 : i32
        %dma_wait3A_319 = tpu.memref_slice %arg9[%add3A_251, %dma_wait3A_318] : memref<32x128xi32, #tpu.memory_space<vmem>> -> memref<1x128xi32, #tpu.memory_space<vmem>>
        %dma_wait3A_320 = tpu.memref_squeeze %dma_wait3A_319 : memref<1x128xi32, #tpu.memory_space<vmem>> -> memref<128xi32, #tpu.memory_space<vmem>>
        %dma_wait3A_321 = arith.constant 0 : i32
        %dma_wait3A_322 = arith.constant 0 : i32
        %dma_wait3A_323 = tpu.memref_slice %arg15[%dma_wait3A_321, %dma_wait3A_322] : memref<65536x8xf32, #tpu.memory_space<vmem_shared>> -> memref<65536x8xf32, #tpu.memory_space<vmem_shared>>
        tpu.wait_indirect_dma semaphore(%arg17 : memref<!tpu.dma_semaphore, #tpu.memory_space<semaphore_mem>>) src(%dma_wait3A_317 : memref<128x8xf32, #tpu.memory_space<vmem>>) dst(%dma_wait3A_323 : memref<65536x8xf32, #tpu.memory_space<vmem_shared>>)
      }
      %scan3A_88 = arith.constant 2 : i32
      %barrier3A_89 = arith.constant 0 : index
      tpu.barrier barrier_id(%barrier3A_89)
      %scan3A_90 = arith.constant 0 : i32
      %scan3A_91 = arith.constant 2 : i32
      %scan3A_92 = arith.addi %scan3A_90, %scan3A_91 : i32
      %scan3A_93 = arith.constant 1 : i32
      scf.for %scan3A_95 = %scan3A_90 to %scan3A_92 step %scan3A_93  : i32 {
        %mul3A_96 = arith.constant 1 : i32
        %mul3A_97 = arith.muli %scan3A_95, %mul3A_96 : i32
        %add3A_98 = arith.constant 0 : i32
        %add3A_99 = arith.addi %add3A_98, %mul3A_97 : i32
        %mul3A_100 = arith.constant 4 : i32
        %mul3A_101 = arith.muli %add3A_99, %mul3A_100 : i32
        %add3A_102 = arith.constant 0 : i32
        %add3A_103 = arith.addi %mul3A_101, %add3A_102 : i32
        %mul3A_104 = arith.constant 512 : i32
        %mul3A_105 = arith.muli %add3A_103, %mul3A_104 : i32
        %add3A_106 = arith.addi %mul3A_0, %mul3A_105 : i32
        %add3A_107 = arith.constant 0 : i32
        %add3A_108 = arith.addi %add3A_106, %add3A_107 : i32
        %mul3A_109 = arith.constant 256 : i32
        %mul3A_110 = arith.muli %add3A_103, %mul3A_109 : i32
        %add3A_111 = arith.addi %mul3A_58, %mul3A_110 : i32
        %mul3A_112 = arith.constant 8 : i32
        %mul3A_113 = arith.muli %add3A_46, %mul3A_112 : i32
        %add3A_114 = arith.constant 0 : i32
        %add3A_115 = arith.addi %add3A_114, %mul3A_113 : i32
        %dma_start3A_116 = tpu.memref_slice %arg7[%select_n3A, %add3A_111, %add3A_115] : memref<4x32768x128xf32, #tpu.memory_space<hbm>> -> memref<1x256x8xf32, #tpu.memory_space<hbm>>
        %dma_start3A_117 = tpu.memref_squeeze %dma_start3A_116 : memref<1x256x8xf32, #tpu.memory_space<hbm>> -> memref<256x8xf32, #tpu.memory_space<hbm>>
        %dma_start3A_118 = arith.constant 0 : i32
        %dma_start3A_119 = tpu.memref_slice %arg15[%add3A_108, %dma_start3A_118] : memref<65536x8xf32, #tpu.memory_space<vmem_shared>> -> memref<256x8xf32, #tpu.memory_space<vmem_shared>>
        tpu.enqueue_dma source(%dma_start3A_119 : memref<256x8xf32, #tpu.memory_space<vmem_shared>>) target(%dma_start3A_117 : memref<256x8xf32, #tpu.memory_space<hbm>>) target_semaphore(%arg17 : memref<!tpu.dma_semaphore, #tpu.memory_space<semaphore_mem>>)
        %mul3A_120 = arith.constant 512 : i32
        %mul3A_121 = arith.muli %add3A_103, %mul3A_120 : i32
        %add3A_122 = arith.addi %mul3A_0, %mul3A_121 : i32
        %add3A_123 = arith.constant 256 : i32
        %add3A_124 = arith.addi %add3A_122, %add3A_123 : i32
        %mul3A_125 = arith.constant 256 : i32
        %mul3A_126 = arith.muli %add3A_103, %mul3A_125 : i32
        %add3A_127 = arith.addi %mul3A_58, %mul3A_126 : i32
        %mul3A_128 = arith.constant 8 : i32
        %mul3A_129 = arith.muli %add3A_46, %mul3A_128 : i32
        %add3A_130 = arith.constant 64 : i32
        %add3A_131 = arith.addi %add3A_130, %mul3A_129 : i32
        %dma_start3A_132 = tpu.memref_slice %arg7[%select_n3A, %add3A_127, %add3A_131] : memref<4x32768x128xf32, #tpu.memory_space<hbm>> -> memref<1x256x8xf32, #tpu.memory_space<hbm>>
        %dma_start3A_133 = tpu.memref_squeeze %dma_start3A_132 : memref<1x256x8xf32, #tpu.memory_space<hbm>> -> memref<256x8xf32, #tpu.memory_space<hbm>>
        %dma_start3A_134 = arith.constant 0 : i32
        %dma_start3A_135 = tpu.memref_slice %arg15[%add3A_124, %dma_start3A_134] : memref<65536x8xf32, #tpu.memory_space<vmem_shared>> -> memref<256x8xf32, #tpu.memory_space<vmem_shared>>
        tpu.enqueue_dma source(%dma_start3A_135 : memref<256x8xf32, #tpu.memory_space<vmem_shared>>) target(%dma_start3A_133 : memref<256x8xf32, #tpu.memory_space<hbm>>) target_semaphore(%arg17 : memref<!tpu.dma_semaphore, #tpu.memory_space<semaphore_mem>>)
        %mul3A_136 = arith.constant 4 : i32
        %mul3A_137 = arith.muli %add3A_99, %mul3A_136 : i32
        %add3A_138 = arith.constant 1 : i32
        %add3A_139 = arith.addi %mul3A_137, %add3A_138 : i32
        %mul3A_140 = arith.constant 512 : i32
        %mul3A_141 = arith.muli %add3A_139, %mul3A_140 : i32
        %add3A_142 = arith.addi %mul3A_0, %mul3A_141 : i32
        %add3A_143 = arith.constant 0 : i32
        %add3A_144 = arith.addi %add3A_142, %add3A_143 : i32
        %mul3A_145 = arith.constant 256 : i32
        %mul3A_146 = arith.muli %add3A_139, %mul3A_145 : i32
        %add3A_147 = arith.addi %mul3A_58, %mul3A_146 : i32
        %mul3A_148 = arith.constant 8 : i32
        %mul3A_149 = arith.muli %add3A_46, %mul3A_148 : i32
        %add3A_150 = arith.constant 0 : i32
        %add3A_151 = arith.addi %add3A_150, %mul3A_149 : i32
        %dma_start3A_152 = tpu.memref_slice %arg7[%select_n3A, %add3A_147, %add3A_151] : memref<4x32768x128xf32, #tpu.memory_space<hbm>> -> memref<1x256x8xf32, #tpu.memory_space<hbm>>
        %dma_start3A_153 = tpu.memref_squeeze %dma_start3A_152 : memref<1x256x8xf32, #tpu.memory_space<hbm>> -> memref<256x8xf32, #tpu.memory_space<hbm>>
        %dma_start3A_154 = arith.constant 0 : i32
        %dma_start3A_155 = tpu.memref_slice %arg15[%add3A_144, %dma_start3A_154] : memref<65536x8xf32, #tpu.memory_space<vmem_shared>> -> memref<256x8xf32, #tpu.memory_space<vmem_shared>>
        tpu.enqueue_dma source(%dma_start3A_155 : memref<256x8xf32, #tpu.memory_space<vmem_shared>>) target(%dma_start3A_153 : memref<256x8xf32, #tpu.memory_space<hbm>>) target_semaphore(%arg17 : memref<!tpu.dma_semaphore, #tpu.memory_space<semaphore_mem>>)
        %mul3A_156 = arith.constant 512 : i32
        %mul3A_157 = arith.muli %add3A_139, %mul3A_156 : i32
        %add3A_158 = arith.addi %mul3A_0, %mul3A_157 : i32
        %add3A_159 = arith.constant 256 : i32
        %add3A_160 = arith.addi %add3A_158, %add3A_159 : i32
        %mul3A_161 = arith.constant 256 : i32
        %mul3A_162 = arith.muli %add3A_139, %mul3A_161 : i32
        %add3A_163 = arith.addi %mul3A_58, %mul3A_162 : i32
        %mul3A_164 = arith.constant 8 : i32
        %mul3A_165 = arith.muli %add3A_46, %mul3A_164 : i32
        %add3A_166 = arith.constant 64 : i32
        %add3A_167 = arith.addi %add3A_166, %mul3A_165 : i32
        %dma_start3A_168 = tpu.memref_slice %arg7[%select_n3A, %add3A_163, %add3A_167] : memref<4x32768x128xf32, #tpu.memory_space<hbm>> -> memref<1x256x8xf32, #tpu.memory_space<hbm>>
        %dma_start3A_169 = tpu.memref_squeeze %dma_start3A_168 : memref<1x256x8xf32, #tpu.memory_space<hbm>> -> memref<256x8xf32, #tpu.memory_space<hbm>>
        %dma_start3A_170 = arith.constant 0 : i32
        %dma_start3A_171 = tpu.memref_slice %arg15[%add3A_160, %dma_start3A_170] : memref<65536x8xf32, #tpu.memory_space<vmem_shared>> -> memref<256x8xf32, #tpu.memory_space<vmem_shared>>
        tpu.enqueue_dma source(%dma_start3A_171 : memref<256x8xf32, #tpu.memory_space<vmem_shared>>) target(%dma_start3A_169 : memref<256x8xf32, #tpu.memory_space<hbm>>) target_semaphore(%arg17 : memref<!tpu.dma_semaphore, #tpu.memory_space<semaphore_mem>>)
        %mul3A_172 = arith.constant 4 : i32
        %mul3A_173 = arith.muli %add3A_99, %mul3A_172 : i32
        %add3A_174 = arith.constant 2 : i32
        %add3A_175 = arith.addi %mul3A_173, %add3A_174 : i32
        %mul3A_176 = arith.constant 512 : i32
        %mul3A_177 = arith.muli %add3A_175, %mul3A_176 : i32
        %add3A_178 = arith.addi %mul3A_0, %mul3A_177 : i32
        %add3A_179 = arith.constant 0 : i32
        %add3A_180 = arith.addi %add3A_178, %add3A_179 : i32
        %mul3A_181 = arith.constant 256 : i32
        %mul3A_182 = arith.muli %add3A_175, %mul3A_181 : i32
        %add3A_183 = arith.addi %mul3A_58, %mul3A_182 : i32
        %mul3A_184 = arith.constant 8 : i32
        %mul3A_185 = arith.muli %add3A_46, %mul3A_184 : i32
        %add3A_186 = arith.constant 0 : i32
        %add3A_187 = arith.addi %add3A_186, %mul3A_185 : i32
        %dma_start3A_188 = tpu.memref_slice %arg7[%select_n3A, %add3A_183, %add3A_187] : memref<4x32768x128xf32, #tpu.memory_space<hbm>> -> memref<1x256x8xf32, #tpu.memory_space<hbm>>
        %dma_start3A_189 = tpu.memref_squeeze %dma_start3A_188 : memref<1x256x8xf32, #tpu.memory_space<hbm>> -> memref<256x8xf32, #tpu.memory_space<hbm>>
        %dma_start3A_190 = arith.constant 0 : i32
        %dma_start3A_191 = tpu.memref_slice %arg15[%add3A_180, %dma_start3A_190] : memref<65536x8xf32, #tpu.memory_space<vmem_shared>> -> memref<256x8xf32, #tpu.memory_space<vmem_shared>>
        tpu.enqueue_dma source(%dma_start3A_191 : memref<256x8xf32, #tpu.memory_space<vmem_shared>>) target(%dma_start3A_189 : memref<256x8xf32, #tpu.memory_space<hbm>>) target_semaphore(%arg17 : memref<!tpu.dma_semaphore, #tpu.memory_space<semaphore_mem>>)
        %mul3A_192 = arith.constant 512 : i32
        %mul3A_193 = arith.muli %add3A_175, %mul3A_192 : i32
        %add3A_194 = arith.addi %mul3A_0, %mul3A_193 : i32
        %add3A_195 = arith.constant 256 : i32
        %add3A_196 = arith.addi %add3A_194, %add3A_195 : i32
        %mul3A_197 = arith.constant 256 : i32
        %mul3A_198 = arith.muli %add3A_175, %mul3A_197 : i32
        %add3A_199 = arith.addi %mul3A_58, %mul3A_198 : i32
        %mul3A_200 = arith.constant 8 : i32
        %mul3A_201 = arith.muli %add3A_46, %mul3A_200 : i32
        %add3A_202 = arith.constant 64 : i32
        %add3A_203 = arith.addi %add3A_202, %mul3A_201 : i32
        %dma_start3A_204 = tpu.memref_slice %arg7[%select_n3A, %add3A_199, %add3A_203] : memref<4x32768x128xf32, #tpu.memory_space<hbm>> -> memref<1x256x8xf32, #tpu.memory_space<hbm>>
        %dma_start3A_205 = tpu.memref_squeeze %dma_start3A_204 : memref<1x256x8xf32, #tpu.memory_space<hbm>> -> memref<256x8xf32, #tpu.memory_space<hbm>>
        %dma_start3A_206 = arith.constant 0 : i32
        %dma_start3A_207 = tpu.memref_slice %arg15[%add3A_196, %dma_start3A_206] : memref<65536x8xf32, #tpu.memory_space<vmem_shared>> -> memref<256x8xf32, #tpu.memory_space<vmem_shared>>
        tpu.enqueue_dma source(%dma_start3A_207 : memref<256x8xf32, #tpu.memory_space<vmem_shared>>) target(%dma_start3A_205 : memref<256x8xf32, #tpu.memory_space<hbm>>) target_semaphore(%arg17 : memref<!tpu.dma_semaphore, #tpu.memory_space<semaphore_mem>>)
        %mul3A_208 = arith.constant 4 : i32
        %mul3A_209 = arith.muli %add3A_99, %mul3A_208 : i32
        %add3A_210 = arith.constant 3 : i32
        %add3A_211 = arith.addi %mul3A_209, %add3A_210 : i32
        %mul3A_212 = arith.constant 512 : i32
        %mul3A_213 = arith.muli %add3A_211, %mul3A_212 : i32
        %add3A_214 = arith.addi %mul3A_0, %mul3A_213 : i32
        %add3A_215 = arith.constant 0 : i32
        %add3A_216 = arith.addi %add3A_214, %add3A_215 : i32
        %mul3A_217 = arith.constant 256 : i32
        %mul3A_218 = arith.muli %add3A_211, %mul3A_217 : i32
        %add3A_219 = arith.addi %mul3A_58, %mul3A_218 : i32
        %mul3A_220 = arith.constant 8 : i32
        %mul3A_221 = arith.muli %add3A_46, %mul3A_220 : i32
        %add3A_222 = arith.constant 0 : i32
        %add3A_223 = arith.addi %add3A_222, %mul3A_221 : i32
        %dma_start3A_224 = tpu.memref_slice %arg7[%select_n3A, %add3A_219, %add3A_223] : memref<4x32768x128xf32, #tpu.memory_space<hbm>> -> memref<1x256x8xf32, #tpu.memory_space<hbm>>
        %dma_start3A_225 = tpu.memref_squeeze %dma_start3A_224 : memref<1x256x8xf32, #tpu.memory_space<hbm>> -> memref<256x8xf32, #tpu.memory_space<hbm>>
        %dma_start3A_226 = arith.constant 0 : i32
        %dma_start3A_227 = tpu.memref_slice %arg15[%add3A_216, %dma_start3A_226] : memref<65536x8xf32, #tpu.memory_space<vmem_shared>> -> memref<256x8xf32, #tpu.memory_space<vmem_shared>>
        tpu.enqueue_dma source(%dma_start3A_227 : memref<256x8xf32, #tpu.memory_space<vmem_shared>>) target(%dma_start3A_225 : memref<256x8xf32, #tpu.memory_space<hbm>>) target_semaphore(%arg17 : memref<!tpu.dma_semaphore, #tpu.memory_space<semaphore_mem>>)
        %mul3A_228 = arith.constant 512 : i32
        %mul3A_229 = arith.muli %add3A_211, %mul3A_228 : i32
        %add3A_230 = arith.addi %mul3A_0, %mul3A_229 : i32
        %add3A_231 = arith.constant 256 : i32
        %add3A_232 = arith.addi %add3A_230, %add3A_231 : i32
        %mul3A_233 = arith.constant 256 : i32
        %mul3A_234 = arith.muli %add3A_211, %mul3A_233 : i32
        %add3A_235 = arith.addi %mul3A_58, %mul3A_234 : i32
        %mul3A_236 = arith.constant 8 : i32
        %mul3A_237 = arith.muli %add3A_46, %mul3A_236 : i32
        %add3A_238 = arith.constant 64 : i32
        %add3A_239 = arith.addi %add3A_238, %mul3A_237 : i32
        %dma_start3A_240 = tpu.memref_slice %arg7[%select_n3A, %add3A_235, %add3A_239] : memref<4x32768x128xf32, #tpu.memory_space<hbm>> -> memref<1x256x8xf32, #tpu.memory_space<hbm>>
        %dma_start3A_241 = tpu.memref_squeeze %dma_start3A_240 : memref<1x256x8xf32, #tpu.memory_space<hbm>> -> memref<256x8xf32, #tpu.memory_space<hbm>>
        %dma_start3A_242 = arith.constant 0 : i32
        %dma_start3A_243 = tpu.memref_slice %arg15[%add3A_232, %dma_start3A_242] : memref<65536x8xf32, #tpu.memory_space<vmem_shared>> -> memref<256x8xf32, #tpu.memory_space<vmem_shared>>
        tpu.enqueue_dma source(%dma_start3A_243 : memref<256x8xf32, #tpu.memory_space<vmem_shared>>) target(%dma_start3A_241 : memref<256x8xf32, #tpu.memory_space<hbm>>) target_semaphore(%arg17 : memref<!tpu.dma_semaphore, #tpu.memory_space<semaphore_mem>>)
        %dma_wait3A_244 = tpu.memref_slice %arg7[%select_n3A, %add3A_111, %add3A_115] : memref<4x32768x128xf32, #tpu.memory_space<hbm>> -> memref<1x256x8xf32, #tpu.memory_space<hbm>>
        %dma_wait3A_245 = tpu.memref_squeeze %dma_wait3A_244 : memref<1x256x8xf32, #tpu.memory_space<hbm>> -> memref<256x8xf32, #tpu.memory_space<hbm>>
        %dma_wait3A_246 = arith.constant 0 : i32
        %dma_wait3A_247 = tpu.memref_slice %arg15[%add3A_108, %dma_wait3A_246] : memref<65536x8xf32, #tpu.memory_space<vmem_shared>> -> memref<256x8xf32, #tpu.memory_space<vmem_shared>>
        tpu.wait_dma2 semaphore(%arg17 : memref<!tpu.dma_semaphore, #tpu.memory_space<semaphore_mem>>) src(%dma_wait3A_247 : memref<256x8xf32, #tpu.memory_space<vmem_shared>>) dst(%dma_wait3A_245 : memref<256x8xf32, #tpu.memory_space<hbm>>)
        %dma_wait3A_248 = tpu.memref_slice %arg7[%select_n3A, %add3A_127, %add3A_131] : memref<4x32768x128xf32, #tpu.memory_space<hbm>> -> memref<1x256x8xf32, #tpu.memory_space<hbm>>
        %dma_wait3A_249 = tpu.memref_squeeze %dma_wait3A_248 : memref<1x256x8xf32, #tpu.memory_space<hbm>> -> memref<256x8xf32, #tpu.memory_space<hbm>>
        %dma_wait3A_250 = arith.constant 0 : i32
        %dma_wait3A_251 = tpu.memref_slice %arg15[%add3A_124, %dma_wait3A_250] : memref<65536x8xf32, #tpu.memory_space<vmem_shared>> -> memref<256x8xf32, #tpu.memory_space<vmem_shared>>
        tpu.wait_dma2 semaphore(%arg17 : memref<!tpu.dma_semaphore, #tpu.memory_space<semaphore_mem>>) src(%dma_wait3A_251 : memref<256x8xf32, #tpu.memory_space<vmem_shared>>) dst(%dma_wait3A_249 : memref<256x8xf32, #tpu.memory_space<hbm>>)
        %dma_wait3A_252 = tpu.memref_slice %arg7[%select_n3A, %add3A_147, %add3A_151] : memref<4x32768x128xf32, #tpu.memory_space<hbm>> -> memref<1x256x8xf32, #tpu.memory_space<hbm>>
        %dma_wait3A_253 = tpu.memref_squeeze %dma_wait3A_252 : memref<1x256x8xf32, #tpu.memory_space<hbm>> -> memref<256x8xf32, #tpu.memory_space<hbm>>
        %dma_wait3A_254 = arith.constant 0 : i32
        %dma_wait3A_255 = tpu.memref_slice %arg15[%add3A_144, %dma_wait3A_254] : memref<65536x8xf32, #tpu.memory_space<vmem_shared>> -> memref<256x8xf32, #tpu.memory_space<vmem_shared>>
        tpu.wait_dma2 semaphore(%arg17 : memref<!tpu.dma_semaphore, #tpu.memory_space<semaphore_mem>>) src(%dma_wait3A_255 : memref<256x8xf32, #tpu.memory_space<vmem_shared>>) dst(%dma_wait3A_253 : memref<256x8xf32, #tpu.memory_space<hbm>>)
        %dma_wait3A_256 = tpu.memref_slice %arg7[%select_n3A, %add3A_163, %add3A_167] : memref<4x32768x128xf32, #tpu.memory_space<hbm>> -> memref<1x256x8xf32, #tpu.memory_space<hbm>>
        %dma_wait3A_257 = tpu.memref_squeeze %dma_wait3A_256 : memref<1x256x8xf32, #tpu.memory_space<hbm>> -> memref<256x8xf32, #tpu.memory_space<hbm>>
        %dma_wait3A_258 = arith.constant 0 : i32
        %dma_wait3A_259 = tpu.memref_slice %arg15[%add3A_160, %dma_wait3A_258] : memref<65536x8xf32, #tpu.memory_space<vmem_shared>> -> memref<256x8xf32, #tpu.memory_space<vmem_shared>>
        tpu.wait_dma2 semaphore(%arg17 : memref<!tpu.dma_semaphore, #tpu.memory_space<semaphore_mem>>) src(%dma_wait3A_259 : memref<256x8xf32, #tpu.memory_space<vmem_shared>>) dst(%dma_wait3A_257 : memref<256x8xf32, #tpu.memory_space<hbm>>)
        %dma_wait3A_260 = tpu.memref_slice %arg7[%select_n3A, %add3A_183, %add3A_187] : memref<4x32768x128xf32, #tpu.memory_space<hbm>> -> memref<1x256x8xf32, #tpu.memory_space<hbm>>
        %dma_wait3A_261 = tpu.memref_squeeze %dma_wait3A_260 : memref<1x256x8xf32, #tpu.memory_space<hbm>> -> memref<256x8xf32, #tpu.memory_space<hbm>>
        %dma_wait3A_262 = arith.constant 0 : i32
        %dma_wait3A_263 = tpu.memref_slice %arg15[%add3A_180, %dma_wait3A_262] : memref<65536x8xf32, #tpu.memory_space<vmem_shared>> -> memref<256x8xf32, #tpu.memory_space<vmem_shared>>
        tpu.wait_dma2 semaphore(%arg17 : memref<!tpu.dma_semaphore, #tpu.memory_space<semaphore_mem>>) src(%dma_wait3A_263 : memref<256x8xf32, #tpu.memory_space<vmem_shared>>) dst(%dma_wait3A_261 : memref<256x8xf32, #tpu.memory_space<hbm>>)
        %dma_wait3A_264 = tpu.memref_slice %arg7[%select_n3A, %add3A_199, %add3A_203] : memref<4x32768x128xf32, #tpu.memory_space<hbm>> -> memref<1x256x8xf32, #tpu.memory_space<hbm>>
        %dma_wait3A_265 = tpu.memref_squeeze %dma_wait3A_264 : memref<1x256x8xf32, #tpu.memory_space<hbm>> -> memref<256x8xf32, #tpu.memory_space<hbm>>
        %dma_wait3A_266 = arith.constant 0 : i32
        %dma_wait3A_267 = tpu.memref_slice %arg15[%add3A_196, %dma_wait3A_266] : memref<65536x8xf32, #tpu.memory_space<vmem_shared>> -> memref<256x8xf32, #tpu.memory_space<vmem_shared>>
        tpu.wait_dma2 semaphore(%arg17 : memref<!tpu.dma_semaphore, #tpu.memory_space<semaphore_mem>>) src(%dma_wait3A_267 : memref<256x8xf32, #tpu.memory_space<vmem_shared>>) dst(%dma_wait3A_265 : memref<256x8xf32, #tpu.memory_space<hbm>>)
        %dma_wait3A_268 = tpu.memref_slice %arg7[%select_n3A, %add3A_219, %add3A_223] : memref<4x32768x128xf32, #tpu.memory_space<hbm>> -> memref<1x256x8xf32, #tpu.memory_space<hbm>>
        %dma_wait3A_269 = tpu.memref_squeeze %dma_wait3A_268 : memref<1x256x8xf32, #tpu.memory_space<hbm>> -> memref<256x8xf32, #tpu.memory_space<hbm>>
        %dma_wait3A_270 = arith.constant 0 : i32
        %dma_wait3A_271 = tpu.memref_slice %arg15[%add3A_216, %dma_wait3A_270] : memref<65536x8xf32, #tpu.memory_space<vmem_shared>> -> memref<256x8xf32, #tpu.memory_space<vmem_shared>>
        tpu.wait_dma2 semaphore(%arg17 : memref<!tpu.dma_semaphore, #tpu.memory_space<semaphore_mem>>) src(%dma_wait3A_271 : memref<256x8xf32, #tpu.memory_space<vmem_shared>>) dst(%dma_wait3A_269 : memref<256x8xf32, #tpu.memory_space<hbm>>)
        %dma_wait3A_272 = tpu.memref_slice %arg7[%select_n3A, %add3A_235, %add3A_239] : memref<4x32768x128xf32, #tpu.memory_space<hbm>> -> memref<1x256x8xf32, #tpu.memory_space<hbm>>
        %dma_wait3A_273 = tpu.memref_squeeze %dma_wait3A_272 : memref<1x256x8xf32, #tpu.memory_space<hbm>> -> memref<256x8xf32, #tpu.memory_space<hbm>>
        %dma_wait3A_274 = arith.constant 0 : i32
        %dma_wait3A_275 = tpu.memref_slice %arg15[%add3A_232, %dma_wait3A_274] : memref<65536x8xf32, #tpu.memory_space<vmem_shared>> -> memref<256x8xf32, #tpu.memory_space<vmem_shared>>
        tpu.wait_dma2 semaphore(%arg17 : memref<!tpu.dma_semaphore, #tpu.memory_space<semaphore_mem>>) src(%dma_wait3A_275 : memref<256x8xf32, #tpu.memory_space<vmem_shared>>) dst(%dma_wait3A_273 : memref<256x8xf32, #tpu.memory_space<hbm>>)
      }
      %scan3A_94 = arith.constant 2 : i32
    }
    %scan3A_4 = arith.constant 16 : i32
    %scan3A_5 = arith.constant 0 : i32
    %scan3A_6 = arith.constant 2 : i32
    %scan3A_7 = arith.addi %scan3A_5, %scan3A_6 : i32
    %scan3A_8 = arith.constant 1 : i32
    scf.for %scan3A_10 = %scan3A_5 to %scan3A_7 step %scan3A_8  : i32 {
      %mul3A_11 = arith.constant 1 : i32
      %mul3A_12 = arith.muli %scan3A_10, %mul3A_11 : i32
      %add3A = arith.constant 0 : i32
      %add3A_13 = arith.addi %add3A, %mul3A_12 : i32
      %mul3A_14 = arith.constant 2 : i32
      %mul3A_15 = arith.muli %arg0, %mul3A_14 : i32
      %add3A_16 = arith.addi %mul3A_15, %add3A_13 : i32
      "tpu.region"() ({
        %run_scoped3A = tpu.sem_alloc : memref<!tpu.dma_semaphore, #tpu.memory_space<semaphore_mem>>
        %dma_start3A = tpu.memref_slice %arg16[%mul3A_0] : memref<65536xf32, #tpu.memory_space<vmem_shared>> -> memref<4096xf32, #tpu.memory_space<vmem_shared>>
        %dma_start3A_27 = tpu.memref_slice %arg16[%mul3A_0] : memref<65536xf32, #tpu.memory_space<vmem_shared>> -> memref<4096xf32, #tpu.memory_space<vmem_shared>>
        tpu.enqueue_dma source(%arg14 : memref<4096xf32, #tpu.memory_space<vmem>>) target(%dma_start3A_27 : memref<4096xf32, #tpu.memory_space<vmem_shared>>) target_semaphore(%run_scoped3A : memref<!tpu.dma_semaphore, #tpu.memory_space<semaphore_mem>>)
        %dma_wait3A = tpu.memref_slice %arg16[%mul3A_0] : memref<65536xf32, #tpu.memory_space<vmem_shared>> -> memref<4096xf32, #tpu.memory_space<vmem_shared>>
        %dma_wait3A_28 = tpu.memref_slice %arg16[%mul3A_0] : memref<65536xf32, #tpu.memory_space<vmem_shared>> -> memref<4096xf32, #tpu.memory_space<vmem_shared>>
        tpu.wait_dma2 semaphore(%run_scoped3A : memref<!tpu.dma_semaphore, #tpu.memory_space<semaphore_mem>>) src(%arg14 : memref<4096xf32, #tpu.memory_space<vmem>>) dst(%dma_wait3A_28 : memref<4096xf32, #tpu.memory_space<vmem_shared>>)
        tpu.yield
      }) : () -> ()
      %barrier3A = arith.constant 0 : index
      tpu.barrier barrier_id(%barrier3A)
      %mul3A_17 = arith.constant 32 : i32
      %mul3A_18 = arith.muli %arg1, %mul3A_17 : i32
      "tpu.region"() ({
        %run_scoped3A = tpu.sem_alloc : memref<!tpu.dma_semaphore, #tpu.memory_space<semaphore_mem>>
        %dma_start3A = arith.constant 0 : i32
        %dma_start3A_27 = tpu.memref_slice %arg3[%add3A_16, %mul3A_18, %dma_start3A] : memref<4x512x128xi32, #tpu.memory_space<hbm>> -> memref<1x32x128xi32, #tpu.memory_space<hbm>>
        %dma_start3A_28 = tpu.memref_squeeze %dma_start3A_27 : memref<1x32x128xi32, #tpu.memory_space<hbm>> -> memref<32x128xi32, #tpu.memory_space<hbm>>
        %dma_start3A_29 = arith.constant 0 : i32
        %dma_start3A_30 = tpu.memref_slice %arg3[%add3A_16, %mul3A_18, %dma_start3A_29] : memref<4x512x128xi32, #tpu.memory_space<hbm>> -> memref<1x32x128xi32, #tpu.memory_space<hbm>>
        %dma_start3A_31 = tpu.memref_squeeze %dma_start3A_30 : memref<1x32x128xi32, #tpu.memory_space<hbm>> -> memref<32x128xi32, #tpu.memory_space<hbm>>
        tpu.enqueue_dma source(%dma_start3A_31 : memref<32x128xi32, #tpu.memory_space<hbm>>) target(%arg9 : memref<32x128xi32, #tpu.memory_space<vmem>>) target_semaphore(%run_scoped3A : memref<!tpu.dma_semaphore, #tpu.memory_space<semaphore_mem>>)
        %dma_wait3A = arith.constant 0 : i32
        %dma_wait3A_32 = tpu.memref_slice %arg3[%add3A_16, %mul3A_18, %dma_wait3A] : memref<4x512x128xi32, #tpu.memory_space<hbm>> -> memref<1x32x128xi32, #tpu.memory_space<hbm>>
        %dma_wait3A_33 = tpu.memref_squeeze %dma_wait3A_32 : memref<1x32x128xi32, #tpu.memory_space<hbm>> -> memref<32x128xi32, #tpu.memory_space<hbm>>
        %dma_wait3A_34 = arith.constant 0 : i32
        %dma_wait3A_35 = tpu.memref_slice %arg3[%add3A_16, %mul3A_18, %dma_wait3A_34] : memref<4x512x128xi32, #tpu.memory_space<hbm>> -> memref<1x32x128xi32, #tpu.memory_space<hbm>>
        %dma_wait3A_36 = tpu.memref_squeeze %dma_wait3A_35 : memref<1x32x128xi32, #tpu.memory_space<hbm>> -> memref<32x128xi32, #tpu.memory_space<hbm>>
        tpu.wait_dma2 semaphore(%run_scoped3A : memref<!tpu.dma_semaphore, #tpu.memory_space<semaphore_mem>>) src(%dma_wait3A_36 : memref<32x128xi32, #tpu.memory_space<hbm>>) dst(%arg9 : memref<32x128xi32, #tpu.memory_space<vmem>>)
        tpu.yield
      }) : () -> ()
      %mul3A_19 = arith.constant 32 : i32
      %mul3A_20 = arith.muli %arg1, %mul3A_19 : i32
      "tpu.region"() ({
        %run_scoped3A = tpu.sem_alloc : memref<!tpu.dma_semaphore, #tpu.memory_space<semaphore_mem>>
        %dma_start3A = arith.constant 0 : i32
        %dma_start3A_27 = tpu.memref_slice %arg4[%add3A_16, %mul3A_20, %dma_start3A] : memref<4x512x128xf32, #tpu.memory_space<hbm>> -> memref<1x32x128xf32, #tpu.memory_space<hbm>>
        %dma_start3A_28 = tpu.memref_squeeze %dma_start3A_27 : memref<1x32x128xf32, #tpu.memory_space<hbm>> -> memref<32x128xf32, #tpu.memory_space<hbm>>
        %dma_start3A_29 = arith.constant 0 : i32
        %dma_start3A_30 = tpu.memref_slice %arg4[%add3A_16, %mul3A_20, %dma_start3A_29] : memref<4x512x128xf32, #tpu.memory_space<hbm>> -> memref<1x32x128xf32, #tpu.memory_space<hbm>>
        %dma_start3A_31 = tpu.memref_squeeze %dma_start3A_30 : memref<1x32x128xf32, #tpu.memory_space<hbm>> -> memref<32x128xf32, #tpu.memory_space<hbm>>
        tpu.enqueue_dma source(%dma_start3A_31 : memref<32x128xf32, #tpu.memory_space<hbm>>) target(%arg12 : memref<32x128xf32, #tpu.memory_space<vmem>>) target_semaphore(%run_scoped3A : memref<!tpu.dma_semaphore, #tpu.memory_space<semaphore_mem>>)
        %dma_wait3A = arith.constant 0 : i32
        %dma_wait3A_32 = tpu.memref_slice %arg4[%add3A_16, %mul3A_20, %dma_wait3A] : memref<4x512x128xf32, #tpu.memory_space<hbm>> -> memref<1x32x128xf32, #tpu.memory_space<hbm>>
        %dma_wait3A_33 = tpu.memref_squeeze %dma_wait3A_32 : memref<1x32x128xf32, #tpu.memory_space<hbm>> -> memref<32x128xf32, #tpu.memory_space<hbm>>
        %dma_wait3A_34 = arith.constant 0 : i32
        %dma_wait3A_35 = tpu.memref_slice %arg4[%add3A_16, %mul3A_20, %dma_wait3A_34] : memref<4x512x128xf32, #tpu.memory_space<hbm>> -> memref<1x32x128xf32, #tpu.memory_space<hbm>>
        %dma_wait3A_36 = tpu.memref_squeeze %dma_wait3A_35 : memref<1x32x128xf32, #tpu.memory_space<hbm>> -> memref<32x128xf32, #tpu.memory_space<hbm>>
        tpu.wait_dma2 semaphore(%run_scoped3A : memref<!tpu.dma_semaphore, #tpu.memory_space<semaphore_mem>>) src(%dma_wait3A_36 : memref<32x128xf32, #tpu.memory_space<hbm>>) dst(%arg12 : memref<32x128xf32, #tpu.memory_space<vmem>>)
        tpu.yield
      }) : () -> ()
      %scan3A_21 = arith.constant 0 : i32
      %scan3A_22 = arith.constant 4 : i32
      %scan3A_23 = arith.addi %scan3A_21, %scan3A_22 : i32
      %scan3A_24 = arith.constant 1 : i32
      scf.for %scan3A_27 = %scan3A_21 to %scan3A_23 step %scan3A_24  : i32 {
        %mul3A_28 = arith.constant 1 : i32
        %mul3A_29 = arith.muli %scan3A_27, %mul3A_28 : i32
        %add3A_30 = arith.constant 0 : i32
        %add3A_31 = arith.addi %add3A_30, %mul3A_29 : i32
        %mul3A_32 = arith.constant 8 : i32
        %mul3A_33 = arith.muli %add3A_31, %mul3A_32 : i32
        %add3A_34 = arith.constant 0 : i32
        %add3A_35 = arith.addi %mul3A_33, %add3A_34 : i32
        %mul3A_36 = arith.constant 8 : i32
        %mul3A_37 = arith.muli %add3A_31, %mul3A_36 : i32
        %add3A_38 = arith.constant 0 : i32
        %add3A_39 = arith.addi %mul3A_37, %add3A_38 : i32
        %dma_start3A = arith.constant 0 : i32
        %dma_start3A_40 = tpu.memref_slice %arg12[%add3A_35, %dma_start3A] : memref<32x128xf32, #tpu.memory_space<vmem>> -> memref<1x128xf32, #tpu.memory_space<vmem>>
        %dma_start3A_41 = tpu.memref_squeeze %dma_start3A_40 : memref<1x128xf32, #tpu.memory_space<vmem>> -> memref<128xf32, #tpu.memory_space<vmem>>
        %dma_start3A_42 = arith.constant 0 : i32
        %dma_start3A_43 = tpu.memref_slice %arg9[%add3A_39, %dma_start3A_42] : memref<32x128xi32, #tpu.memory_space<vmem>> -> memref<1x128xi32, #tpu.memory_space<vmem>>
        %dma_start3A_44 = tpu.memref_squeeze %dma_start3A_43 : memref<1x128xi32, #tpu.memory_space<vmem>> -> memref<128xi32, #tpu.memory_space<vmem>>
        %dma_start3A_45 = arith.constant 0 : i32
        %dma_start3A_46 = tpu.memref_slice %arg16[%dma_start3A_45] : memref<65536xf32, #tpu.memory_space<vmem_shared>> -> memref<65536xf32, #tpu.memory_space<vmem_shared>>
        tpu.enqueue_indirect_dma source(%dma_start3A_41 : memref<128xf32, #tpu.memory_space<vmem>>) target(%dma_start3A_46 : memref<65536xf32, #tpu.memory_space<vmem_shared>>) offsets(%dma_start3A_44 : memref<128xi32, #tpu.memory_space<vmem>>) semaphore(%arg17 : memref<!tpu.dma_semaphore, #tpu.memory_space<semaphore_mem>>) {add = true}
        %mul3A_47 = arith.constant 8 : i32
        %mul3A_48 = arith.muli %add3A_31, %mul3A_47 : i32
        %add3A_49 = arith.constant 1 : i32
        %add3A_50 = arith.addi %mul3A_48, %add3A_49 : i32
        %mul3A_51 = arith.constant 8 : i32
        %mul3A_52 = arith.muli %add3A_31, %mul3A_51 : i32
        %add3A_53 = arith.constant 1 : i32
        %add3A_54 = arith.addi %mul3A_52, %add3A_53 : i32
        %dma_start3A_55 = arith.constant 0 : i32
        %dma_start3A_56 = tpu.memref_slice %arg12[%add3A_50, %dma_start3A_55] : memref<32x128xf32, #tpu.memory_space<vmem>> -> memref<1x128xf32, #tpu.memory_space<vmem>>
        %dma_start3A_57 = tpu.memref_squeeze %dma_start3A_56 : memref<1x128xf32, #tpu.memory_space<vmem>> -> memref<128xf32, #tpu.memory_space<vmem>>
        %dma_start3A_58 = arith.constant 0 : i32
        %dma_start3A_59 = tpu.memref_slice %arg9[%add3A_54, %dma_start3A_58] : memref<32x128xi32, #tpu.memory_space<vmem>> -> memref<1x128xi32, #tpu.memory_space<vmem>>
        %dma_start3A_60 = tpu.memref_squeeze %dma_start3A_59 : memref<1x128xi32, #tpu.memory_space<vmem>> -> memref<128xi32, #tpu.memory_space<vmem>>
        %dma_start3A_61 = arith.constant 0 : i32
        %dma_start3A_62 = tpu.memref_slice %arg16[%dma_start3A_61] : memref<65536xf32, #tpu.memory_space<vmem_shared>> -> memref<65536xf32, #tpu.memory_space<vmem_shared>>
        tpu.enqueue_indirect_dma source(%dma_start3A_57 : memref<128xf32, #tpu.memory_space<vmem>>) target(%dma_start3A_62 : memref<65536xf32, #tpu.memory_space<vmem_shared>>) offsets(%dma_start3A_60 : memref<128xi32, #tpu.memory_space<vmem>>) semaphore(%arg17 : memref<!tpu.dma_semaphore, #tpu.memory_space<semaphore_mem>>) {add = true}
        %mul3A_63 = arith.constant 8 : i32
        %mul3A_64 = arith.muli %add3A_31, %mul3A_63 : i32
        %add3A_65 = arith.constant 2 : i32
        %add3A_66 = arith.addi %mul3A_64, %add3A_65 : i32
        %mul3A_67 = arith.constant 8 : i32
        %mul3A_68 = arith.muli %add3A_31, %mul3A_67 : i32
        %add3A_69 = arith.constant 2 : i32
        %add3A_70 = arith.addi %mul3A_68, %add3A_69 : i32
        %dma_start3A_71 = arith.constant 0 : i32
        %dma_start3A_72 = tpu.memref_slice %arg12[%add3A_66, %dma_start3A_71] : memref<32x128xf32, #tpu.memory_space<vmem>> -> memref<1x128xf32, #tpu.memory_space<vmem>>
        %dma_start3A_73 = tpu.memref_squeeze %dma_start3A_72 : memref<1x128xf32, #tpu.memory_space<vmem>> -> memref<128xf32, #tpu.memory_space<vmem>>
        %dma_start3A_74 = arith.constant 0 : i32
        %dma_start3A_75 = tpu.memref_slice %arg9[%add3A_70, %dma_start3A_74] : memref<32x128xi32, #tpu.memory_space<vmem>> -> memref<1x128xi32, #tpu.memory_space<vmem>>
        %dma_start3A_76 = tpu.memref_squeeze %dma_start3A_75 : memref<1x128xi32, #tpu.memory_space<vmem>> -> memref<128xi32, #tpu.memory_space<vmem>>
        %dma_start3A_77 = arith.constant 0 : i32
        %dma_start3A_78 = tpu.memref_slice %arg16[%dma_start3A_77] : memref<65536xf32, #tpu.memory_space<vmem_shared>> -> memref<65536xf32, #tpu.memory_space<vmem_shared>>
        tpu.enqueue_indirect_dma source(%dma_start3A_73 : memref<128xf32, #tpu.memory_space<vmem>>) target(%dma_start3A_78 : memref<65536xf32, #tpu.memory_space<vmem_shared>>) offsets(%dma_start3A_76 : memref<128xi32, #tpu.memory_space<vmem>>) semaphore(%arg17 : memref<!tpu.dma_semaphore, #tpu.memory_space<semaphore_mem>>) {add = true}
        %mul3A_79 = arith.constant 8 : i32
        %mul3A_80 = arith.muli %add3A_31, %mul3A_79 : i32
        %add3A_81 = arith.constant 3 : i32
        %add3A_82 = arith.addi %mul3A_80, %add3A_81 : i32
        %mul3A_83 = arith.constant 8 : i32
        %mul3A_84 = arith.muli %add3A_31, %mul3A_83 : i32
        %add3A_85 = arith.constant 3 : i32
        %add3A_86 = arith.addi %mul3A_84, %add3A_85 : i32
        %dma_start3A_87 = arith.constant 0 : i32
        %dma_start3A_88 = tpu.memref_slice %arg12[%add3A_82, %dma_start3A_87] : memref<32x128xf32, #tpu.memory_space<vmem>> -> memref<1x128xf32, #tpu.memory_space<vmem>>
        %dma_start3A_89 = tpu.memref_squeeze %dma_start3A_88 : memref<1x128xf32, #tpu.memory_space<vmem>> -> memref<128xf32, #tpu.memory_space<vmem>>
        %dma_start3A_90 = arith.constant 0 : i32
        %dma_start3A_91 = tpu.memref_slice %arg9[%add3A_86, %dma_start3A_90] : memref<32x128xi32, #tpu.memory_space<vmem>> -> memref<1x128xi32, #tpu.memory_space<vmem>>
        %dma_start3A_92 = tpu.memref_squeeze %dma_start3A_91 : memref<1x128xi32, #tpu.memory_space<vmem>> -> memref<128xi32, #tpu.memory_space<vmem>>
        %dma_start3A_93 = arith.constant 0 : i32
        %dma_start3A_94 = tpu.memref_slice %arg16[%dma_start3A_93] : memref<65536xf32, #tpu.memory_space<vmem_shared>> -> memref<65536xf32, #tpu.memory_space<vmem_shared>>
        tpu.enqueue_indirect_dma source(%dma_start3A_89 : memref<128xf32, #tpu.memory_space<vmem>>) target(%dma_start3A_94 : memref<65536xf32, #tpu.memory_space<vmem_shared>>) offsets(%dma_start3A_92 : memref<128xi32, #tpu.memory_space<vmem>>) semaphore(%arg17 : memref<!tpu.dma_semaphore, #tpu.memory_space<semaphore_mem>>) {add = true}
        %mul3A_95 = arith.constant 8 : i32
        %mul3A_96 = arith.muli %add3A_31, %mul3A_95 : i32
        %add3A_97 = arith.constant 4 : i32
        %add3A_98 = arith.addi %mul3A_96, %add3A_97 : i32
        %mul3A_99 = arith.constant 8 : i32
        %mul3A_100 = arith.muli %add3A_31, %mul3A_99 : i32
        %add3A_101 = arith.constant 4 : i32
        %add3A_102 = arith.addi %mul3A_100, %add3A_101 : i32
        %dma_start3A_103 = arith.constant 0 : i32
        %dma_start3A_104 = tpu.memref_slice %arg12[%add3A_98, %dma_start3A_103] : memref<32x128xf32, #tpu.memory_space<vmem>> -> memref<1x128xf32, #tpu.memory_space<vmem>>
        %dma_start3A_105 = tpu.memref_squeeze %dma_start3A_104 : memref<1x128xf32, #tpu.memory_space<vmem>> -> memref<128xf32, #tpu.memory_space<vmem>>
        %dma_start3A_106 = arith.constant 0 : i32
        %dma_start3A_107 = tpu.memref_slice %arg9[%add3A_102, %dma_start3A_106] : memref<32x128xi32, #tpu.memory_space<vmem>> -> memref<1x128xi32, #tpu.memory_space<vmem>>
        %dma_start3A_108 = tpu.memref_squeeze %dma_start3A_107 : memref<1x128xi32, #tpu.memory_space<vmem>> -> memref<128xi32, #tpu.memory_space<vmem>>
        %dma_start3A_109 = arith.constant 0 : i32
        %dma_start3A_110 = tpu.memref_slice %arg16[%dma_start3A_109] : memref<65536xf32, #tpu.memory_space<vmem_shared>> -> memref<65536xf32, #tpu.memory_space<vmem_shared>>
        tpu.enqueue_indirect_dma source(%dma_start3A_105 : memref<128xf32, #tpu.memory_space<vmem>>) target(%dma_start3A_110 : memref<65536xf32, #tpu.memory_space<vmem_shared>>) offsets(%dma_start3A_108 : memref<128xi32, #tpu.memory_space<vmem>>) semaphore(%arg17 : memref<!tpu.dma_semaphore, #tpu.memory_space<semaphore_mem>>) {add = true}
        %mul3A_111 = arith.constant 8 : i32
        %mul3A_112 = arith.muli %add3A_31, %mul3A_111 : i32
        %add3A_113 = arith.constant 5 : i32
        %add3A_114 = arith.addi %mul3A_112, %add3A_113 : i32
        %mul3A_115 = arith.constant 8 : i32
        %mul3A_116 = arith.muli %add3A_31, %mul3A_115 : i32
        %add3A_117 = arith.constant 5 : i32
        %add3A_118 = arith.addi %mul3A_116, %add3A_117 : i32
        %dma_start3A_119 = arith.constant 0 : i32
        %dma_start3A_120 = tpu.memref_slice %arg12[%add3A_114, %dma_start3A_119] : memref<32x128xf32, #tpu.memory_space<vmem>> -> memref<1x128xf32, #tpu.memory_space<vmem>>
        %dma_start3A_121 = tpu.memref_squeeze %dma_start3A_120 : memref<1x128xf32, #tpu.memory_space<vmem>> -> memref<128xf32, #tpu.memory_space<vmem>>
        %dma_start3A_122 = arith.constant 0 : i32
        %dma_start3A_123 = tpu.memref_slice %arg9[%add3A_118, %dma_start3A_122] : memref<32x128xi32, #tpu.memory_space<vmem>> -> memref<1x128xi32, #tpu.memory_space<vmem>>
        %dma_start3A_124 = tpu.memref_squeeze %dma_start3A_123 : memref<1x128xi32, #tpu.memory_space<vmem>> -> memref<128xi32, #tpu.memory_space<vmem>>
        %dma_start3A_125 = arith.constant 0 : i32
        %dma_start3A_126 = tpu.memref_slice %arg16[%dma_start3A_125] : memref<65536xf32, #tpu.memory_space<vmem_shared>> -> memref<65536xf32, #tpu.memory_space<vmem_shared>>
        tpu.enqueue_indirect_dma source(%dma_start3A_121 : memref<128xf32, #tpu.memory_space<vmem>>) target(%dma_start3A_126 : memref<65536xf32, #tpu.memory_space<vmem_shared>>) offsets(%dma_start3A_124 : memref<128xi32, #tpu.memory_space<vmem>>) semaphore(%arg17 : memref<!tpu.dma_semaphore, #tpu.memory_space<semaphore_mem>>) {add = true}
        %mul3A_127 = arith.constant 8 : i32
        %mul3A_128 = arith.muli %add3A_31, %mul3A_127 : i32
        %add3A_129 = arith.constant 6 : i32
        %add3A_130 = arith.addi %mul3A_128, %add3A_129 : i32
        %mul3A_131 = arith.constant 8 : i32
        %mul3A_132 = arith.muli %add3A_31, %mul3A_131 : i32
        %add3A_133 = arith.constant 6 : i32
        %add3A_134 = arith.addi %mul3A_132, %add3A_133 : i32
        %dma_start3A_135 = arith.constant 0 : i32
        %dma_start3A_136 = tpu.memref_slice %arg12[%add3A_130, %dma_start3A_135] : memref<32x128xf32, #tpu.memory_space<vmem>> -> memref<1x128xf32, #tpu.memory_space<vmem>>
        %dma_start3A_137 = tpu.memref_squeeze %dma_start3A_136 : memref<1x128xf32, #tpu.memory_space<vmem>> -> memref<128xf32, #tpu.memory_space<vmem>>
        %dma_start3A_138 = arith.constant 0 : i32
        %dma_start3A_139 = tpu.memref_slice %arg9[%add3A_134, %dma_start3A_138] : memref<32x128xi32, #tpu.memory_space<vmem>> -> memref<1x128xi32, #tpu.memory_space<vmem>>
        %dma_start3A_140 = tpu.memref_squeeze %dma_start3A_139 : memref<1x128xi32, #tpu.memory_space<vmem>> -> memref<128xi32, #tpu.memory_space<vmem>>
        %dma_start3A_141 = arith.constant 0 : i32
        %dma_start3A_142 = tpu.memref_slice %arg16[%dma_start3A_141] : memref<65536xf32, #tpu.memory_space<vmem_shared>> -> memref<65536xf32, #tpu.memory_space<vmem_shared>>
        tpu.enqueue_indirect_dma source(%dma_start3A_137 : memref<128xf32, #tpu.memory_space<vmem>>) target(%dma_start3A_142 : memref<65536xf32, #tpu.memory_space<vmem_shared>>) offsets(%dma_start3A_140 : memref<128xi32, #tpu.memory_space<vmem>>) semaphore(%arg17 : memref<!tpu.dma_semaphore, #tpu.memory_space<semaphore_mem>>) {add = true}
        %mul3A_143 = arith.constant 8 : i32
        %mul3A_144 = arith.muli %add3A_31, %mul3A_143 : i32
        %add3A_145 = arith.constant 7 : i32
        %add3A_146 = arith.addi %mul3A_144, %add3A_145 : i32
        %mul3A_147 = arith.constant 8 : i32
        %mul3A_148 = arith.muli %add3A_31, %mul3A_147 : i32
        %add3A_149 = arith.constant 7 : i32
        %add3A_150 = arith.addi %mul3A_148, %add3A_149 : i32
        %dma_start3A_151 = arith.constant 0 : i32
        %dma_start3A_152 = tpu.memref_slice %arg12[%add3A_146, %dma_start3A_151] : memref<32x128xf32, #tpu.memory_space<vmem>> -> memref<1x128xf32, #tpu.memory_space<vmem>>
        %dma_start3A_153 = tpu.memref_squeeze %dma_start3A_152 : memref<1x128xf32, #tpu.memory_space<vmem>> -> memref<128xf32, #tpu.memory_space<vmem>>
        %dma_start3A_154 = arith.constant 0 : i32
        %dma_start3A_155 = tpu.memref_slice %arg9[%add3A_150, %dma_start3A_154] : memref<32x128xi32, #tpu.memory_space<vmem>> -> memref<1x128xi32, #tpu.memory_space<vmem>>
        %dma_start3A_156 = tpu.memref_squeeze %dma_start3A_155 : memref<1x128xi32, #tpu.memory_space<vmem>> -> memref<128xi32, #tpu.memory_space<vmem>>
        %dma_start3A_157 = arith.constant 0 : i32
        %dma_start3A_158 = tpu.memref_slice %arg16[%dma_start3A_157] : memref<65536xf32, #tpu.memory_space<vmem_shared>> -> memref<65536xf32, #tpu.memory_space<vmem_shared>>
        tpu.enqueue_indirect_dma source(%dma_start3A_153 : memref<128xf32, #tpu.memory_space<vmem>>) target(%dma_start3A_158 : memref<65536xf32, #tpu.memory_space<vmem_shared>>) offsets(%dma_start3A_156 : memref<128xi32, #tpu.memory_space<vmem>>) semaphore(%arg17 : memref<!tpu.dma_semaphore, #tpu.memory_space<semaphore_mem>>) {add = true}
        %dma_wait3A = arith.constant 0 : i32
        %dma_wait3A_159 = tpu.memref_slice %arg12[%add3A_35, %dma_wait3A] : memref<32x128xf32, #tpu.memory_space<vmem>> -> memref<1x128xf32, #tpu.memory_space<vmem>>
        %dma_wait3A_160 = tpu.memref_squeeze %dma_wait3A_159 : memref<1x128xf32, #tpu.memory_space<vmem>> -> memref<128xf32, #tpu.memory_space<vmem>>
        %dma_wait3A_161 = arith.constant 0 : i32
        %dma_wait3A_162 = tpu.memref_slice %arg9[%add3A_39, %dma_wait3A_161] : memref<32x128xi32, #tpu.memory_space<vmem>> -> memref<1x128xi32, #tpu.memory_space<vmem>>
        %dma_wait3A_163 = tpu.memref_squeeze %dma_wait3A_162 : memref<1x128xi32, #tpu.memory_space<vmem>> -> memref<128xi32, #tpu.memory_space<vmem>>
        %dma_wait3A_164 = arith.constant 0 : i32
        %dma_wait3A_165 = tpu.memref_slice %arg16[%dma_wait3A_164] : memref<65536xf32, #tpu.memory_space<vmem_shared>> -> memref<65536xf32, #tpu.memory_space<vmem_shared>>
        tpu.wait_indirect_dma semaphore(%arg17 : memref<!tpu.dma_semaphore, #tpu.memory_space<semaphore_mem>>) src(%dma_wait3A_160 : memref<128xf32, #tpu.memory_space<vmem>>) dst(%dma_wait3A_165 : memref<65536xf32, #tpu.memory_space<vmem_shared>>)
        %dma_wait3A_166 = arith.constant 0 : i32
        %dma_wait3A_167 = tpu.memref_slice %arg12[%add3A_50, %dma_wait3A_166] : memref<32x128xf32, #tpu.memory_space<vmem>> -> memref<1x128xf32, #tpu.memory_space<vmem>>
        %dma_wait3A_168 = tpu.memref_squeeze %dma_wait3A_167 : memref<1x128xf32, #tpu.memory_space<vmem>> -> memref<128xf32, #tpu.memory_space<vmem>>
        %dma_wait3A_169 = arith.constant 0 : i32
        %dma_wait3A_170 = tpu.memref_slice %arg9[%add3A_54, %dma_wait3A_169] : memref<32x128xi32, #tpu.memory_space<vmem>> -> memref<1x128xi32, #tpu.memory_space<vmem>>
        %dma_wait3A_171 = tpu.memref_squeeze %dma_wait3A_170 : memref<1x128xi32, #tpu.memory_space<vmem>> -> memref<128xi32, #tpu.memory_space<vmem>>
        %dma_wait3A_172 = arith.constant 0 : i32
        %dma_wait3A_173 = tpu.memref_slice %arg16[%dma_wait3A_172] : memref<65536xf32, #tpu.memory_space<vmem_shared>> -> memref<65536xf32, #tpu.memory_space<vmem_shared>>
        tpu.wait_indirect_dma semaphore(%arg17 : memref<!tpu.dma_semaphore, #tpu.memory_space<semaphore_mem>>) src(%dma_wait3A_168 : memref<128xf32, #tpu.memory_space<vmem>>) dst(%dma_wait3A_173 : memref<65536xf32, #tpu.memory_space<vmem_shared>>)
        %dma_wait3A_174 = arith.constant 0 : i32
        %dma_wait3A_175 = tpu.memref_slice %arg12[%add3A_66, %dma_wait3A_174] : memref<32x128xf32, #tpu.memory_space<vmem>> -> memref<1x128xf32, #tpu.memory_space<vmem>>
        %dma_wait3A_176 = tpu.memref_squeeze %dma_wait3A_175 : memref<1x128xf32, #tpu.memory_space<vmem>> -> memref<128xf32, #tpu.memory_space<vmem>>
        %dma_wait3A_177 = arith.constant 0 : i32
        %dma_wait3A_178 = tpu.memref_slice %arg9[%add3A_70, %dma_wait3A_177] : memref<32x128xi32, #tpu.memory_space<vmem>> -> memref<1x128xi32, #tpu.memory_space<vmem>>
        %dma_wait3A_179 = tpu.memref_squeeze %dma_wait3A_178 : memref<1x128xi32, #tpu.memory_space<vmem>> -> memref<128xi32, #tpu.memory_space<vmem>>
        %dma_wait3A_180 = arith.constant 0 : i32
        %dma_wait3A_181 = tpu.memref_slice %arg16[%dma_wait3A_180] : memref<65536xf32, #tpu.memory_space<vmem_shared>> -> memref<65536xf32, #tpu.memory_space<vmem_shared>>
        tpu.wait_indirect_dma semaphore(%arg17 : memref<!tpu.dma_semaphore, #tpu.memory_space<semaphore_mem>>) src(%dma_wait3A_176 : memref<128xf32, #tpu.memory_space<vmem>>) dst(%dma_wait3A_181 : memref<65536xf32, #tpu.memory_space<vmem_shared>>)
        %dma_wait3A_182 = arith.constant 0 : i32
        %dma_wait3A_183 = tpu.memref_slice %arg12[%add3A_82, %dma_wait3A_182] : memref<32x128xf32, #tpu.memory_space<vmem>> -> memref<1x128xf32, #tpu.memory_space<vmem>>
        %dma_wait3A_184 = tpu.memref_squeeze %dma_wait3A_183 : memref<1x128xf32, #tpu.memory_space<vmem>> -> memref<128xf32, #tpu.memory_space<vmem>>
        %dma_wait3A_185 = arith.constant 0 : i32
        %dma_wait3A_186 = tpu.memref_slice %arg9[%add3A_86, %dma_wait3A_185] : memref<32x128xi32, #tpu.memory_space<vmem>> -> memref<1x128xi32, #tpu.memory_space<vmem>>
        %dma_wait3A_187 = tpu.memref_squeeze %dma_wait3A_186 : memref<1x128xi32, #tpu.memory_space<vmem>> -> memref<128xi32, #tpu.memory_space<vmem>>
        %dma_wait3A_188 = arith.constant 0 : i32
        %dma_wait3A_189 = tpu.memref_slice %arg16[%dma_wait3A_188] : memref<65536xf32, #tpu.memory_space<vmem_shared>> -> memref<65536xf32, #tpu.memory_space<vmem_shared>>
        tpu.wait_indirect_dma semaphore(%arg17 : memref<!tpu.dma_semaphore, #tpu.memory_space<semaphore_mem>>) src(%dma_wait3A_184 : memref<128xf32, #tpu.memory_space<vmem>>) dst(%dma_wait3A_189 : memref<65536xf32, #tpu.memory_space<vmem_shared>>)
        %dma_wait3A_190 = arith.constant 0 : i32
        %dma_wait3A_191 = tpu.memref_slice %arg12[%add3A_98, %dma_wait3A_190] : memref<32x128xf32, #tpu.memory_space<vmem>> -> memref<1x128xf32, #tpu.memory_space<vmem>>
        %dma_wait3A_192 = tpu.memref_squeeze %dma_wait3A_191 : memref<1x128xf32, #tpu.memory_space<vmem>> -> memref<128xf32, #tpu.memory_space<vmem>>
        %dma_wait3A_193 = arith.constant 0 : i32
        %dma_wait3A_194 = tpu.memref_slice %arg9[%add3A_102, %dma_wait3A_193] : memref<32x128xi32, #tpu.memory_space<vmem>> -> memref<1x128xi32, #tpu.memory_space<vmem>>
        %dma_wait3A_195 = tpu.memref_squeeze %dma_wait3A_194 : memref<1x128xi32, #tpu.memory_space<vmem>> -> memref<128xi32, #tpu.memory_space<vmem>>
        %dma_wait3A_196 = arith.constant 0 : i32
        %dma_wait3A_197 = tpu.memref_slice %arg16[%dma_wait3A_196] : memref<65536xf32, #tpu.memory_space<vmem_shared>> -> memref<65536xf32, #tpu.memory_space<vmem_shared>>
        tpu.wait_indirect_dma semaphore(%arg17 : memref<!tpu.dma_semaphore, #tpu.memory_space<semaphore_mem>>) src(%dma_wait3A_192 : memref<128xf32, #tpu.memory_space<vmem>>) dst(%dma_wait3A_197 : memref<65536xf32, #tpu.memory_space<vmem_shared>>)
        %dma_wait3A_198 = arith.constant 0 : i32
        %dma_wait3A_199 = tpu.memref_slice %arg12[%add3A_114, %dma_wait3A_198] : memref<32x128xf32, #tpu.memory_space<vmem>> -> memref<1x128xf32, #tpu.memory_space<vmem>>
        %dma_wait3A_200 = tpu.memref_squeeze %dma_wait3A_199 : memref<1x128xf32, #tpu.memory_space<vmem>> -> memref<128xf32, #tpu.memory_space<vmem>>
        %dma_wait3A_201 = arith.constant 0 : i32
        %dma_wait3A_202 = tpu.memref_slice %arg9[%add3A_118, %dma_wait3A_201] : memref<32x128xi32, #tpu.memory_space<vmem>> -> memref<1x128xi32, #tpu.memory_space<vmem>>
        %dma_wait3A_203 = tpu.memref_squeeze %dma_wait3A_202 : memref<1x128xi32, #tpu.memory_space<vmem>> -> memref<128xi32, #tpu.memory_space<vmem>>
        %dma_wait3A_204 = arith.constant 0 : i32
        %dma_wait3A_205 = tpu.memref_slice %arg16[%dma_wait3A_204] : memref<65536xf32, #tpu.memory_space<vmem_shared>> -> memref<65536xf32, #tpu.memory_space<vmem_shared>>
        tpu.wait_indirect_dma semaphore(%arg17 : memref<!tpu.dma_semaphore, #tpu.memory_space<semaphore_mem>>) src(%dma_wait3A_200 : memref<128xf32, #tpu.memory_space<vmem>>) dst(%dma_wait3A_205 : memref<65536xf32, #tpu.memory_space<vmem_shared>>)
        %dma_wait3A_206 = arith.constant 0 : i32
        %dma_wait3A_207 = tpu.memref_slice %arg12[%add3A_130, %dma_wait3A_206] : memref<32x128xf32, #tpu.memory_space<vmem>> -> memref<1x128xf32, #tpu.memory_space<vmem>>
        %dma_wait3A_208 = tpu.memref_squeeze %dma_wait3A_207 : memref<1x128xf32, #tpu.memory_space<vmem>> -> memref<128xf32, #tpu.memory_space<vmem>>
        %dma_wait3A_209 = arith.constant 0 : i32
        %dma_wait3A_210 = tpu.memref_slice %arg9[%add3A_134, %dma_wait3A_209] : memref<32x128xi32, #tpu.memory_space<vmem>> -> memref<1x128xi32, #tpu.memory_space<vmem>>
        %dma_wait3A_211 = tpu.memref_squeeze %dma_wait3A_210 : memref<1x128xi32, #tpu.memory_space<vmem>> -> memref<128xi32, #tpu.memory_space<vmem>>
        %dma_wait3A_212 = arith.constant 0 : i32
        %dma_wait3A_213 = tpu.memref_slice %arg16[%dma_wait3A_212] : memref<65536xf32, #tpu.memory_space<vmem_shared>> -> memref<65536xf32, #tpu.memory_space<vmem_shared>>
        tpu.wait_indirect_dma semaphore(%arg17 : memref<!tpu.dma_semaphore, #tpu.memory_space<semaphore_mem>>) src(%dma_wait3A_208 : memref<128xf32, #tpu.memory_space<vmem>>) dst(%dma_wait3A_213 : memref<65536xf32, #tpu.memory_space<vmem_shared>>)
        %dma_wait3A_214 = arith.constant 0 : i32
        %dma_wait3A_215 = tpu.memref_slice %arg12[%add3A_146, %dma_wait3A_214] : memref<32x128xf32, #tpu.memory_space<vmem>> -> memref<1x128xf32, #tpu.memory_space<vmem>>
        %dma_wait3A_216 = tpu.memref_squeeze %dma_wait3A_215 : memref<1x128xf32, #tpu.memory_space<vmem>> -> memref<128xf32, #tpu.memory_space<vmem>>
        %dma_wait3A_217 = arith.constant 0 : i32
        %dma_wait3A_218 = tpu.memref_slice %arg9[%add3A_150, %dma_wait3A_217] : memref<32x128xi32, #tpu.memory_space<vmem>> -> memref<1x128xi32, #tpu.memory_space<vmem>>
        %dma_wait3A_219 = tpu.memref_squeeze %dma_wait3A_218 : memref<1x128xi32, #tpu.memory_space<vmem>> -> memref<128xi32, #tpu.memory_space<vmem>>
        %dma_wait3A_220 = arith.constant 0 : i32
        %dma_wait3A_221 = tpu.memref_slice %arg16[%dma_wait3A_220] : memref<65536xf32, #tpu.memory_space<vmem_shared>> -> memref<65536xf32, #tpu.memory_space<vmem_shared>>
        tpu.wait_indirect_dma semaphore(%arg17 : memref<!tpu.dma_semaphore, #tpu.memory_space<semaphore_mem>>) src(%dma_wait3A_216 : memref<128xf32, #tpu.memory_space<vmem>>) dst(%dma_wait3A_221 : memref<65536xf32, #tpu.memory_space<vmem_shared>>)
      }
      %scan3A_25 = arith.constant 4 : i32
      %barrier3A_26 = arith.constant 0 : index
      tpu.barrier barrier_id(%barrier3A_26)
      "tpu.region"() ({
        %run_scoped3A = tpu.sem_alloc : memref<!tpu.dma_semaphore, #tpu.memory_space<semaphore_mem>>
        %dma_start3A = tpu.memref_slice %arg8[%add3A_16, %mul3A_0] : memref<4x65536xf32, #tpu.memory_space<hbm>> -> memref<1x4096xf32, #tpu.memory_space<hbm>>
        %dma_start3A_27 = tpu.memref_squeeze %dma_start3A : memref<1x4096xf32, #tpu.memory_space<hbm>> -> memref<4096xf32, #tpu.memory_space<hbm>>
        %dma_start3A_28 = tpu.memref_slice %arg16[%mul3A_0] : memref<65536xf32, #tpu.memory_space<vmem_shared>> -> memref<4096xf32, #tpu.memory_space<vmem_shared>>
        tpu.enqueue_dma source(%dma_start3A_28 : memref<4096xf32, #tpu.memory_space<vmem_shared>>) target(%dma_start3A_27 : memref<4096xf32, #tpu.memory_space<hbm>>) target_semaphore(%run_scoped3A : memref<!tpu.dma_semaphore, #tpu.memory_space<semaphore_mem>>)
        %dma_wait3A = tpu.memref_slice %arg8[%add3A_16, %mul3A_0] : memref<4x65536xf32, #tpu.memory_space<hbm>> -> memref<1x4096xf32, #tpu.memory_space<hbm>>
        %dma_wait3A_29 = tpu.memref_squeeze %dma_wait3A : memref<1x4096xf32, #tpu.memory_space<hbm>> -> memref<4096xf32, #tpu.memory_space<hbm>>
        %dma_wait3A_30 = tpu.memref_slice %arg16[%mul3A_0] : memref<65536xf32, #tpu.memory_space<vmem_shared>> -> memref<4096xf32, #tpu.memory_space<vmem_shared>>
        tpu.wait_dma2 semaphore(%run_scoped3A : memref<!tpu.dma_semaphore, #tpu.memory_space<semaphore_mem>>) src(%dma_wait3A_30 : memref<4096xf32, #tpu.memory_space<vmem_shared>>) dst(%dma_wait3A_29 : memref<4096xf32, #tpu.memory_space<hbm>>)
        tpu.yield
      }) : () -> ()
    }
    %scan3A_9 = arith.constant 2 : i32
    return
  }
}

module attributes {stable_mosaic.version = 14 : i64} {
  func.func @_proj_body(%arg0: i32, %arg1: i32, %arg2: memref<1x4x4xf32, #tpu.memory_space<smem>>, %arg3: memref<1x4x4xf32, #tpu.memory_space<smem>>, %arg4: memref<1x4x4xf32, #tpu.memory_space<smem>>, %arg5: memref<1x4x4xf32, #tpu.memory_space<smem>>, %arg6: memref<1x16x128xf32, #tpu.memory_space<vmem>>, %arg7: memref<1x16x128xf32, #tpu.memory_space<vmem>>, %arg8: memref<16x128xi32, #tpu.memory_space<vmem>>, %arg9: memref<16x128xf32, #tpu.memory_space<vmem>>) attributes {dimension_semantics = [#tpu.dimension_semantics<arbitrary>, #tpu.dimension_semantics<arbitrary>], iteration_bounds = array<i64: 4, 32>, scalar_prefetch = 0 : i64, scratch_operands = 0 : i64, tpu.core_type = #tpu.core_type<tc>, window_params = [{transform_indices = @transform_0, window_bounds = array<i64: 1, 4, 4>}, {transform_indices = @transform_1, window_bounds = array<i64: 1, 4, 4>}, {transform_indices = @transform_2, window_bounds = array<i64: 1, 4, 4>}, {transform_indices = @transform_3, window_bounds = array<i64: 1, 4, 4>}, {transform_indices = @transform_4, window_bounds = array<i64: 1, 16, 128>}, {transform_indices = @transform_5, window_bounds = array<i64: 1, 16, 128>}, {transform_indices = @transform_6, window_bounds = array<i64: 16, 128>}, {transform_indices = @transform_7, window_bounds = array<i64: 16, 128>}]} {
    %get3A = arith.constant 0 : index
    %get3A_0 = arith.constant 0 : index
    %get3A_1 = arith.constant 0 : index
    %get3A_2 = memref.load %arg2[%get3A, %get3A_0, %get3A_1] : memref<1x4x4xf32, #tpu.memory_space<smem>>
    %convert_element_type3A = arith.truncf %get3A_2 : f32 to bf16
    %convert_element_type3A_3 = arith.extf %convert_element_type3A : bf16 to f32
    %get3A_4 = arith.constant 0 : index
    %get3A_5 = arith.constant 0 : index
    %get3A_6 = arith.constant 1 : index
    %get3A_7 = memref.load %arg2[%get3A_4, %get3A_5, %get3A_6] : memref<1x4x4xf32, #tpu.memory_space<smem>>
    %convert_element_type3A_8 = arith.truncf %get3A_7 : f32 to bf16
    %convert_element_type3A_9 = arith.extf %convert_element_type3A_8 : bf16 to f32
    %get3A_10 = arith.constant 0 : index
    %get3A_11 = arith.constant 0 : index
    %get3A_12 = arith.constant 2 : index
    %get3A_13 = memref.load %arg2[%get3A_10, %get3A_11, %get3A_12] : memref<1x4x4xf32, #tpu.memory_space<smem>>
    %convert_element_type3A_14 = arith.truncf %get3A_13 : f32 to bf16
    %convert_element_type3A_15 = arith.extf %convert_element_type3A_14 : bf16 to f32
    %get3A_16 = arith.constant 0 : index
    %get3A_17 = arith.constant 0 : index
    %get3A_18 = arith.constant 3 : index
    %get3A_19 = memref.load %arg2[%get3A_16, %get3A_17, %get3A_18] : memref<1x4x4xf32, #tpu.memory_space<smem>>
    %convert_element_type3A_20 = arith.truncf %get3A_19 : f32 to bf16
    %convert_element_type3A_21 = arith.extf %convert_element_type3A_20 : bf16 to f32
    %get3A_22 = arith.constant 0 : index
    %get3A_23 = arith.constant 1 : index
    %get3A_24 = arith.constant 0 : index
    %get3A_25 = memref.load %arg2[%get3A_22, %get3A_23, %get3A_24] : memref<1x4x4xf32, #tpu.memory_space<smem>>
    %convert_element_type3A_26 = arith.truncf %get3A_25 : f32 to bf16
    %convert_element_type3A_27 = arith.extf %convert_element_type3A_26 : bf16 to f32
    %get3A_28 = arith.constant 0 : index
    %get3A_29 = arith.constant 1 : index
    %get3A_30 = arith.constant 1 : index
    %get3A_31 = memref.load %arg2[%get3A_28, %get3A_29, %get3A_30] : memref<1x4x4xf32, #tpu.memory_space<smem>>
    %convert_element_type3A_32 = arith.truncf %get3A_31 : f32 to bf16
    %convert_element_type3A_33 = arith.extf %convert_element_type3A_32 : bf16 to f32
    %get3A_34 = arith.constant 0 : index
    %get3A_35 = arith.constant 1 : index
    %get3A_36 = arith.constant 2 : index
    %get3A_37 = memref.load %arg2[%get3A_34, %get3A_35, %get3A_36] : memref<1x4x4xf32, #tpu.memory_space<smem>>
    %convert_element_type3A_38 = arith.truncf %get3A_37 : f32 to bf16
    %convert_element_type3A_39 = arith.extf %convert_element_type3A_38 : bf16 to f32
    %get3A_40 = arith.constant 0 : index
    %get3A_41 = arith.constant 1 : index
    %get3A_42 = arith.constant 3 : index
    %get3A_43 = memref.load %arg2[%get3A_40, %get3A_41, %get3A_42] : memref<1x4x4xf32, #tpu.memory_space<smem>>
    %convert_element_type3A_44 = arith.truncf %get3A_43 : f32 to bf16
    %convert_element_type3A_45 = arith.extf %convert_element_type3A_44 : bf16 to f32
    %get3A_46 = arith.constant 0 : index
    %get3A_47 = arith.constant 2 : index
    %get3A_48 = arith.constant 0 : index
    %get3A_49 = memref.load %arg2[%get3A_46, %get3A_47, %get3A_48] : memref<1x4x4xf32, #tpu.memory_space<smem>>
    %convert_element_type3A_50 = arith.truncf %get3A_49 : f32 to bf16
    %convert_element_type3A_51 = arith.extf %convert_element_type3A_50 : bf16 to f32
    %get3A_52 = arith.constant 0 : index
    %get3A_53 = arith.constant 2 : index
    %get3A_54 = arith.constant 1 : index
    %get3A_55 = memref.load %arg2[%get3A_52, %get3A_53, %get3A_54] : memref<1x4x4xf32, #tpu.memory_space<smem>>
    %convert_element_type3A_56 = arith.truncf %get3A_55 : f32 to bf16
    %convert_element_type3A_57 = arith.extf %convert_element_type3A_56 : bf16 to f32
    %get3A_58 = arith.constant 0 : index
    %get3A_59 = arith.constant 2 : index
    %get3A_60 = arith.constant 2 : index
    %get3A_61 = memref.load %arg2[%get3A_58, %get3A_59, %get3A_60] : memref<1x4x4xf32, #tpu.memory_space<smem>>
    %convert_element_type3A_62 = arith.truncf %get3A_61 : f32 to bf16
    %convert_element_type3A_63 = arith.extf %convert_element_type3A_62 : bf16 to f32
    %get3A_64 = arith.constant 0 : index
    %get3A_65 = arith.constant 2 : index
    %get3A_66 = arith.constant 3 : index
    %get3A_67 = memref.load %arg2[%get3A_64, %get3A_65, %get3A_66] : memref<1x4x4xf32, #tpu.memory_space<smem>>
    %convert_element_type3A_68 = arith.truncf %get3A_67 : f32 to bf16
    %convert_element_type3A_69 = arith.extf %convert_element_type3A_68 : bf16 to f32
    %get3A_70 = arith.constant 0 : index
    %get3A_71 = arith.constant 0 : index
    %get3A_72 = arith.constant 0 : index
    %get3A_73 = memref.load %arg3[%get3A_70, %get3A_71, %get3A_72] : memref<1x4x4xf32, #tpu.memory_space<smem>>
    %convert_element_type3A_74 = arith.truncf %get3A_73 : f32 to bf16
    %convert_element_type3A_75 = arith.extf %convert_element_type3A_74 : bf16 to f32
    %get3A_76 = arith.constant 0 : index
    %get3A_77 = arith.constant 0 : index
    %get3A_78 = arith.constant 1 : index
    %get3A_79 = memref.load %arg3[%get3A_76, %get3A_77, %get3A_78] : memref<1x4x4xf32, #tpu.memory_space<smem>>
    %convert_element_type3A_80 = arith.truncf %get3A_79 : f32 to bf16
    %convert_element_type3A_81 = arith.extf %convert_element_type3A_80 : bf16 to f32
    %get3A_82 = arith.constant 0 : index
    %get3A_83 = arith.constant 0 : index
    %get3A_84 = arith.constant 2 : index
    %get3A_85 = memref.load %arg3[%get3A_82, %get3A_83, %get3A_84] : memref<1x4x4xf32, #tpu.memory_space<smem>>
    %convert_element_type3A_86 = arith.truncf %get3A_85 : f32 to bf16
    %convert_element_type3A_87 = arith.extf %convert_element_type3A_86 : bf16 to f32
    %get3A_88 = arith.constant 0 : index
    %get3A_89 = arith.constant 0 : index
    %get3A_90 = arith.constant 3 : index
    %get3A_91 = memref.load %arg3[%get3A_88, %get3A_89, %get3A_90] : memref<1x4x4xf32, #tpu.memory_space<smem>>
    %convert_element_type3A_92 = arith.truncf %get3A_91 : f32 to bf16
    %convert_element_type3A_93 = arith.extf %convert_element_type3A_92 : bf16 to f32
    %get3A_94 = arith.constant 0 : index
    %get3A_95 = arith.constant 1 : index
    %get3A_96 = arith.constant 0 : index
    %get3A_97 = memref.load %arg3[%get3A_94, %get3A_95, %get3A_96] : memref<1x4x4xf32, #tpu.memory_space<smem>>
    %convert_element_type3A_98 = arith.truncf %get3A_97 : f32 to bf16
    %convert_element_type3A_99 = arith.extf %convert_element_type3A_98 : bf16 to f32
    %get3A_100 = arith.constant 0 : index
    %get3A_101 = arith.constant 1 : index
    %get3A_102 = arith.constant 1 : index
    %get3A_103 = memref.load %arg3[%get3A_100, %get3A_101, %get3A_102] : memref<1x4x4xf32, #tpu.memory_space<smem>>
    %convert_element_type3A_104 = arith.truncf %get3A_103 : f32 to bf16
    %convert_element_type3A_105 = arith.extf %convert_element_type3A_104 : bf16 to f32
    %get3A_106 = arith.constant 0 : index
    %get3A_107 = arith.constant 1 : index
    %get3A_108 = arith.constant 2 : index
    %get3A_109 = memref.load %arg3[%get3A_106, %get3A_107, %get3A_108] : memref<1x4x4xf32, #tpu.memory_space<smem>>
    %convert_element_type3A_110 = arith.truncf %get3A_109 : f32 to bf16
    %convert_element_type3A_111 = arith.extf %convert_element_type3A_110 : bf16 to f32
    %get3A_112 = arith.constant 0 : index
    %get3A_113 = arith.constant 1 : index
    %get3A_114 = arith.constant 3 : index
    %get3A_115 = memref.load %arg3[%get3A_112, %get3A_113, %get3A_114] : memref<1x4x4xf32, #tpu.memory_space<smem>>
    %convert_element_type3A_116 = arith.truncf %get3A_115 : f32 to bf16
    %convert_element_type3A_117 = arith.extf %convert_element_type3A_116 : bf16 to f32
    %get3A_118 = arith.constant 0 : index
    %get3A_119 = arith.constant 2 : index
    %get3A_120 = arith.constant 0 : index
    %get3A_121 = memref.load %arg3[%get3A_118, %get3A_119, %get3A_120] : memref<1x4x4xf32, #tpu.memory_space<smem>>
    %convert_element_type3A_122 = arith.truncf %get3A_121 : f32 to bf16
    %convert_element_type3A_123 = arith.extf %convert_element_type3A_122 : bf16 to f32
    %get3A_124 = arith.constant 0 : index
    %get3A_125 = arith.constant 2 : index
    %get3A_126 = arith.constant 1 : index
    %get3A_127 = memref.load %arg3[%get3A_124, %get3A_125, %get3A_126] : memref<1x4x4xf32, #tpu.memory_space<smem>>
    %convert_element_type3A_128 = arith.truncf %get3A_127 : f32 to bf16
    %convert_element_type3A_129 = arith.extf %convert_element_type3A_128 : bf16 to f32
    %get3A_130 = arith.constant 0 : index
    %get3A_131 = arith.constant 2 : index
    %get3A_132 = arith.constant 2 : index
    %get3A_133 = memref.load %arg3[%get3A_130, %get3A_131, %get3A_132] : memref<1x4x4xf32, #tpu.memory_space<smem>>
    %convert_element_type3A_134 = arith.truncf %get3A_133 : f32 to bf16
    %convert_element_type3A_135 = arith.extf %convert_element_type3A_134 : bf16 to f32
    %get3A_136 = arith.constant 0 : index
    %get3A_137 = arith.constant 2 : index
    %get3A_138 = arith.constant 3 : index
    %get3A_139 = memref.load %arg3[%get3A_136, %get3A_137, %get3A_138] : memref<1x4x4xf32, #tpu.memory_space<smem>>
    %convert_element_type3A_140 = arith.truncf %get3A_139 : f32 to bf16
    %convert_element_type3A_141 = arith.extf %convert_element_type3A_140 : bf16 to f32
    %get3A_142 = arith.constant 0 : index
    %get3A_143 = arith.constant 3 : index
    %get3A_144 = arith.constant 0 : index
    %get3A_145 = memref.load %arg3[%get3A_142, %get3A_143, %get3A_144] : memref<1x4x4xf32, #tpu.memory_space<smem>>
    %convert_element_type3A_146 = arith.truncf %get3A_145 : f32 to bf16
    %convert_element_type3A_147 = arith.extf %convert_element_type3A_146 : bf16 to f32
    %get3A_148 = arith.constant 0 : index
    %get3A_149 = arith.constant 3 : index
    %get3A_150 = arith.constant 1 : index
    %get3A_151 = memref.load %arg3[%get3A_148, %get3A_149, %get3A_150] : memref<1x4x4xf32, #tpu.memory_space<smem>>
    %convert_element_type3A_152 = arith.truncf %get3A_151 : f32 to bf16
    %convert_element_type3A_153 = arith.extf %convert_element_type3A_152 : bf16 to f32
    %get3A_154 = arith.constant 0 : index
    %get3A_155 = arith.constant 3 : index
    %get3A_156 = arith.constant 2 : index
    %get3A_157 = memref.load %arg3[%get3A_154, %get3A_155, %get3A_156] : memref<1x4x4xf32, #tpu.memory_space<smem>>
    %convert_element_type3A_158 = arith.truncf %get3A_157 : f32 to bf16
    %convert_element_type3A_159 = arith.extf %convert_element_type3A_158 : bf16 to f32
    %get3A_160 = arith.constant 0 : index
    %get3A_161 = arith.constant 3 : index
    %get3A_162 = arith.constant 3 : index
    %get3A_163 = memref.load %arg3[%get3A_160, %get3A_161, %get3A_162] : memref<1x4x4xf32, #tpu.memory_space<smem>>
    %convert_element_type3A_164 = arith.truncf %get3A_163 : f32 to bf16
    %convert_element_type3A_165 = arith.extf %convert_element_type3A_164 : bf16 to f32
    %get3A_166 = arith.constant 0 : index
    %get3A_167 = arith.constant 0 : index
    %get3A_168 = arith.constant 0 : index
    %get3A_169 = memref.load %arg5[%get3A_166, %get3A_167, %get3A_168] : memref<1x4x4xf32, #tpu.memory_space<smem>>
    %convert_element_type3A_170 = arith.truncf %get3A_169 : f32 to bf16
    %convert_element_type3A_171 = arith.extf %convert_element_type3A_170 : bf16 to f32
    %get3A_172 = arith.constant 0 : index
    %get3A_173 = arith.constant 0 : index
    %get3A_174 = arith.constant 1 : index
    %get3A_175 = memref.load %arg5[%get3A_172, %get3A_173, %get3A_174] : memref<1x4x4xf32, #tpu.memory_space<smem>>
    %convert_element_type3A_176 = arith.truncf %get3A_175 : f32 to bf16
    %convert_element_type3A_177 = arith.extf %convert_element_type3A_176 : bf16 to f32
    %get3A_178 = arith.constant 0 : index
    %get3A_179 = arith.constant 0 : index
    %get3A_180 = arith.constant 2 : index
    %get3A_181 = memref.load %arg5[%get3A_178, %get3A_179, %get3A_180] : memref<1x4x4xf32, #tpu.memory_space<smem>>
    %convert_element_type3A_182 = arith.truncf %get3A_181 : f32 to bf16
    %convert_element_type3A_183 = arith.extf %convert_element_type3A_182 : bf16 to f32
    %get3A_184 = arith.constant 0 : index
    %get3A_185 = arith.constant 0 : index
    %get3A_186 = arith.constant 3 : index
    %get3A_187 = memref.load %arg5[%get3A_184, %get3A_185, %get3A_186] : memref<1x4x4xf32, #tpu.memory_space<smem>>
    %convert_element_type3A_188 = arith.truncf %get3A_187 : f32 to bf16
    %convert_element_type3A_189 = arith.extf %convert_element_type3A_188 : bf16 to f32
    %get3A_190 = arith.constant 0 : index
    %get3A_191 = arith.constant 1 : index
    %get3A_192 = arith.constant 0 : index
    %get3A_193 = memref.load %arg5[%get3A_190, %get3A_191, %get3A_192] : memref<1x4x4xf32, #tpu.memory_space<smem>>
    %convert_element_type3A_194 = arith.truncf %get3A_193 : f32 to bf16
    %convert_element_type3A_195 = arith.extf %convert_element_type3A_194 : bf16 to f32
    %get3A_196 = arith.constant 0 : index
    %get3A_197 = arith.constant 1 : index
    %get3A_198 = arith.constant 1 : index
    %get3A_199 = memref.load %arg5[%get3A_196, %get3A_197, %get3A_198] : memref<1x4x4xf32, #tpu.memory_space<smem>>
    %convert_element_type3A_200 = arith.truncf %get3A_199 : f32 to bf16
    %convert_element_type3A_201 = arith.extf %convert_element_type3A_200 : bf16 to f32
    %get3A_202 = arith.constant 0 : index
    %get3A_203 = arith.constant 1 : index
    %get3A_204 = arith.constant 2 : index
    %get3A_205 = memref.load %arg5[%get3A_202, %get3A_203, %get3A_204] : memref<1x4x4xf32, #tpu.memory_space<smem>>
    %convert_element_type3A_206 = arith.truncf %get3A_205 : f32 to bf16
    %convert_element_type3A_207 = arith.extf %convert_element_type3A_206 : bf16 to f32
    %get3A_208 = arith.constant 0 : index
    %get3A_209 = arith.constant 1 : index
    %get3A_210 = arith.constant 3 : index
    %get3A_211 = memref.load %arg5[%get3A_208, %get3A_209, %get3A_210] : memref<1x4x4xf32, #tpu.memory_space<smem>>
    %convert_element_type3A_212 = arith.truncf %get3A_211 : f32 to bf16
    %convert_element_type3A_213 = arith.extf %convert_element_type3A_212 : bf16 to f32
    %get3A_214 = arith.constant 0 : index
    %get3A_215 = arith.constant 2 : index
    %get3A_216 = arith.constant 0 : index
    %get3A_217 = memref.load %arg5[%get3A_214, %get3A_215, %get3A_216] : memref<1x4x4xf32, #tpu.memory_space<smem>>
    %convert_element_type3A_218 = arith.truncf %get3A_217 : f32 to bf16
    %convert_element_type3A_219 = arith.extf %convert_element_type3A_218 : bf16 to f32
    %get3A_220 = arith.constant 0 : index
    %get3A_221 = arith.constant 2 : index
    %get3A_222 = arith.constant 1 : index
    %get3A_223 = memref.load %arg5[%get3A_220, %get3A_221, %get3A_222] : memref<1x4x4xf32, #tpu.memory_space<smem>>
    %convert_element_type3A_224 = arith.truncf %get3A_223 : f32 to bf16
    %convert_element_type3A_225 = arith.extf %convert_element_type3A_224 : bf16 to f32
    %get3A_226 = arith.constant 0 : index
    %get3A_227 = arith.constant 2 : index
    %get3A_228 = arith.constant 2 : index
    %get3A_229 = memref.load %arg5[%get3A_226, %get3A_227, %get3A_228] : memref<1x4x4xf32, #tpu.memory_space<smem>>
    %convert_element_type3A_230 = arith.truncf %get3A_229 : f32 to bf16
    %convert_element_type3A_231 = arith.extf %convert_element_type3A_230 : bf16 to f32
    %get3A_232 = arith.constant 0 : index
    %get3A_233 = arith.constant 2 : index
    %get3A_234 = arith.constant 3 : index
    %get3A_235 = memref.load %arg5[%get3A_232, %get3A_233, %get3A_234] : memref<1x4x4xf32, #tpu.memory_space<smem>>
    %convert_element_type3A_236 = arith.truncf %get3A_235 : f32 to bf16
    %convert_element_type3A_237 = arith.extf %convert_element_type3A_236 : bf16 to f32
    %get3A_238 = arith.constant 0 : index
    %get3A_239 = arith.constant 3 : index
    %get3A_240 = arith.constant 0 : index
    %get3A_241 = memref.load %arg5[%get3A_238, %get3A_239, %get3A_240] : memref<1x4x4xf32, #tpu.memory_space<smem>>
    %convert_element_type3A_242 = arith.truncf %get3A_241 : f32 to bf16
    %convert_element_type3A_243 = arith.extf %convert_element_type3A_242 : bf16 to f32
    %get3A_244 = arith.constant 0 : index
    %get3A_245 = arith.constant 3 : index
    %get3A_246 = arith.constant 1 : index
    %get3A_247 = memref.load %arg5[%get3A_244, %get3A_245, %get3A_246] : memref<1x4x4xf32, #tpu.memory_space<smem>>
    %convert_element_type3A_248 = arith.truncf %get3A_247 : f32 to bf16
    %convert_element_type3A_249 = arith.extf %convert_element_type3A_248 : bf16 to f32
    %get3A_250 = arith.constant 0 : index
    %get3A_251 = arith.constant 3 : index
    %get3A_252 = arith.constant 2 : index
    %get3A_253 = memref.load %arg5[%get3A_250, %get3A_251, %get3A_252] : memref<1x4x4xf32, #tpu.memory_space<smem>>
    %convert_element_type3A_254 = arith.truncf %get3A_253 : f32 to bf16
    %convert_element_type3A_255 = arith.extf %convert_element_type3A_254 : bf16 to f32
    %get3A_256 = arith.constant 0 : index
    %get3A_257 = arith.constant 3 : index
    %get3A_258 = arith.constant 3 : index
    %get3A_259 = memref.load %arg5[%get3A_256, %get3A_257, %get3A_258] : memref<1x4x4xf32, #tpu.memory_space<smem>>
    %convert_element_type3A_260 = arith.truncf %get3A_259 : f32 to bf16
    %convert_element_type3A_261 = arith.extf %convert_element_type3A_260 : bf16 to f32
    %get3A_262 = arith.constant 0 : index
    %get3A_263 = arith.constant 0 : index
    %get3A_264 = arith.constant 0 : index
    %get3A_265 = memref.load %arg4[%get3A_262, %get3A_263, %get3A_264] : memref<1x4x4xf32, #tpu.memory_space<smem>>
    %convert_element_type3A_266 = arith.truncf %get3A_265 : f32 to bf16
    %convert_element_type3A_267 = arith.extf %convert_element_type3A_266 : bf16 to f32
    %get3A_268 = arith.constant 0 : index
    %get3A_269 = arith.constant 0 : index
    %get3A_270 = arith.constant 1 : index
    %get3A_271 = memref.load %arg4[%get3A_268, %get3A_269, %get3A_270] : memref<1x4x4xf32, #tpu.memory_space<smem>>
    %convert_element_type3A_272 = arith.truncf %get3A_271 : f32 to bf16
    %convert_element_type3A_273 = arith.extf %convert_element_type3A_272 : bf16 to f32
    %get3A_274 = arith.constant 0 : index
    %get3A_275 = arith.constant 0 : index
    %get3A_276 = arith.constant 2 : index
    %get3A_277 = memref.load %arg4[%get3A_274, %get3A_275, %get3A_276] : memref<1x4x4xf32, #tpu.memory_space<smem>>
    %convert_element_type3A_278 = arith.truncf %get3A_277 : f32 to bf16
    %convert_element_type3A_279 = arith.extf %convert_element_type3A_278 : bf16 to f32
    %get3A_280 = arith.constant 0 : index
    %get3A_281 = arith.constant 0 : index
    %get3A_282 = arith.constant 3 : index
    %get3A_283 = memref.load %arg4[%get3A_280, %get3A_281, %get3A_282] : memref<1x4x4xf32, #tpu.memory_space<smem>>
    %convert_element_type3A_284 = arith.truncf %get3A_283 : f32 to bf16
    %convert_element_type3A_285 = arith.extf %convert_element_type3A_284 : bf16 to f32
    %get3A_286 = arith.constant 0 : index
    %get3A_287 = arith.constant 1 : index
    %get3A_288 = arith.constant 0 : index
    %get3A_289 = memref.load %arg4[%get3A_286, %get3A_287, %get3A_288] : memref<1x4x4xf32, #tpu.memory_space<smem>>
    %convert_element_type3A_290 = arith.truncf %get3A_289 : f32 to bf16
    %convert_element_type3A_291 = arith.extf %convert_element_type3A_290 : bf16 to f32
    %get3A_292 = arith.constant 0 : index
    %get3A_293 = arith.constant 1 : index
    %get3A_294 = arith.constant 1 : index
    %get3A_295 = memref.load %arg4[%get3A_292, %get3A_293, %get3A_294] : memref<1x4x4xf32, #tpu.memory_space<smem>>
    %convert_element_type3A_296 = arith.truncf %get3A_295 : f32 to bf16
    %convert_element_type3A_297 = arith.extf %convert_element_type3A_296 : bf16 to f32
    %get3A_298 = arith.constant 0 : index
    %get3A_299 = arith.constant 1 : index
    %get3A_300 = arith.constant 2 : index
    %get3A_301 = memref.load %arg4[%get3A_298, %get3A_299, %get3A_300] : memref<1x4x4xf32, #tpu.memory_space<smem>>
    %convert_element_type3A_302 = arith.truncf %get3A_301 : f32 to bf16
    %convert_element_type3A_303 = arith.extf %convert_element_type3A_302 : bf16 to f32
    %get3A_304 = arith.constant 0 : index
    %get3A_305 = arith.constant 1 : index
    %get3A_306 = arith.constant 3 : index
    %get3A_307 = memref.load %arg4[%get3A_304, %get3A_305, %get3A_306] : memref<1x4x4xf32, #tpu.memory_space<smem>>
    %convert_element_type3A_308 = arith.truncf %get3A_307 : f32 to bf16
    %convert_element_type3A_309 = arith.extf %convert_element_type3A_308 : bf16 to f32
    %get3A_310 = arith.constant 0 : index
    %get3A_311 = arith.constant 2 : index
    %get3A_312 = arith.constant 0 : index
    %get3A_313 = memref.load %arg4[%get3A_310, %get3A_311, %get3A_312] : memref<1x4x4xf32, #tpu.memory_space<smem>>
    %convert_element_type3A_314 = arith.truncf %get3A_313 : f32 to bf16
    %convert_element_type3A_315 = arith.extf %convert_element_type3A_314 : bf16 to f32
    %get3A_316 = arith.constant 0 : index
    %get3A_317 = arith.constant 2 : index
    %get3A_318 = arith.constant 1 : index
    %get3A_319 = memref.load %arg4[%get3A_316, %get3A_317, %get3A_318] : memref<1x4x4xf32, #tpu.memory_space<smem>>
    %convert_element_type3A_320 = arith.truncf %get3A_319 : f32 to bf16
    %convert_element_type3A_321 = arith.extf %convert_element_type3A_320 : bf16 to f32
    %get3A_322 = arith.constant 0 : index
    %get3A_323 = arith.constant 2 : index
    %get3A_324 = arith.constant 2 : index
    %get3A_325 = memref.load %arg4[%get3A_322, %get3A_323, %get3A_324] : memref<1x4x4xf32, #tpu.memory_space<smem>>
    %convert_element_type3A_326 = arith.truncf %get3A_325 : f32 to bf16
    %convert_element_type3A_327 = arith.extf %convert_element_type3A_326 : bf16 to f32
    %get3A_328 = arith.constant 0 : index
    %get3A_329 = arith.constant 2 : index
    %get3A_330 = arith.constant 3 : index
    %get3A_331 = memref.load %arg4[%get3A_328, %get3A_329, %get3A_330] : memref<1x4x4xf32, #tpu.memory_space<smem>>
    %convert_element_type3A_332 = arith.truncf %get3A_331 : f32 to bf16
    %convert_element_type3A_333 = arith.extf %convert_element_type3A_332 : bf16 to f32
    %get3A_334 = arith.constant 0 : index
    %get3A_335 = arith.constant 3 : index
    %get3A_336 = arith.constant 0 : index
    %get3A_337 = memref.load %arg4[%get3A_334, %get3A_335, %get3A_336] : memref<1x4x4xf32, #tpu.memory_space<smem>>
    %convert_element_type3A_338 = arith.truncf %get3A_337 : f32 to bf16
    %convert_element_type3A_339 = arith.extf %convert_element_type3A_338 : bf16 to f32
    %get3A_340 = arith.constant 0 : index
    %get3A_341 = arith.constant 3 : index
    %get3A_342 = arith.constant 1 : index
    %get3A_343 = memref.load %arg4[%get3A_340, %get3A_341, %get3A_342] : memref<1x4x4xf32, #tpu.memory_space<smem>>
    %convert_element_type3A_344 = arith.truncf %get3A_343 : f32 to bf16
    %convert_element_type3A_345 = arith.extf %convert_element_type3A_344 : bf16 to f32
    %get3A_346 = arith.constant 0 : index
    %get3A_347 = arith.constant 3 : index
    %get3A_348 = arith.constant 2 : index
    %get3A_349 = memref.load %arg4[%get3A_346, %get3A_347, %get3A_348] : memref<1x4x4xf32, #tpu.memory_space<smem>>
    %convert_element_type3A_350 = arith.truncf %get3A_349 : f32 to bf16
    %convert_element_type3A_351 = arith.extf %convert_element_type3A_350 : bf16 to f32
    %get3A_352 = arith.constant 0 : index
    %get3A_353 = arith.constant 3 : index
    %get3A_354 = arith.constant 3 : index
    %get3A_355 = memref.load %arg4[%get3A_352, %get3A_353, %get3A_354] : memref<1x4x4xf32, #tpu.memory_space<smem>>
    %convert_element_type3A_356 = arith.truncf %get3A_355 : f32 to bf16
    %convert_element_type3A_357 = arith.extf %convert_element_type3A_356 : bf16 to f32
    %mul3A = arith.mulf %convert_element_type3A_171, %convert_element_type3A_267 : f32
    %add3A = arith.constant 0.000000e+00 : f32
    %add3A_358 = arith.addf %add3A, %mul3A : f32
    %mul3A_359 = arith.mulf %convert_element_type3A_177, %convert_element_type3A_291 : f32
    %add3A_360 = arith.addf %add3A_358, %mul3A_359 : f32
    %mul3A_361 = arith.mulf %convert_element_type3A_183, %convert_element_type3A_315 : f32
    %add3A_362 = arith.addf %add3A_360, %mul3A_361 : f32
    %mul3A_363 = arith.mulf %convert_element_type3A_189, %convert_element_type3A_339 : f32
    %add3A_364 = arith.addf %add3A_362, %mul3A_363 : f32
    %mul3A_365 = arith.mulf %convert_element_type3A_171, %convert_element_type3A_273 : f32
    %add3A_366 = arith.constant 0.000000e+00 : f32
    %add3A_367 = arith.addf %add3A_366, %mul3A_365 : f32
    %mul3A_368 = arith.mulf %convert_element_type3A_177, %convert_element_type3A_297 : f32
    %add3A_369 = arith.addf %add3A_367, %mul3A_368 : f32
    %mul3A_370 = arith.mulf %convert_element_type3A_183, %convert_element_type3A_321 : f32
    %add3A_371 = arith.addf %add3A_369, %mul3A_370 : f32
    %mul3A_372 = arith.mulf %convert_element_type3A_189, %convert_element_type3A_345 : f32
    %add3A_373 = arith.addf %add3A_371, %mul3A_372 : f32
    %mul3A_374 = arith.mulf %convert_element_type3A_171, %convert_element_type3A_279 : f32
    %add3A_375 = arith.constant 0.000000e+00 : f32
    %add3A_376 = arith.addf %add3A_375, %mul3A_374 : f32
    %mul3A_377 = arith.mulf %convert_element_type3A_177, %convert_element_type3A_303 : f32
    %add3A_378 = arith.addf %add3A_376, %mul3A_377 : f32
    %mul3A_379 = arith.mulf %convert_element_type3A_183, %convert_element_type3A_327 : f32
    %add3A_380 = arith.addf %add3A_378, %mul3A_379 : f32
    %mul3A_381 = arith.mulf %convert_element_type3A_189, %convert_element_type3A_351 : f32
    %add3A_382 = arith.addf %add3A_380, %mul3A_381 : f32
    %mul3A_383 = arith.mulf %convert_element_type3A_171, %convert_element_type3A_285 : f32
    %add3A_384 = arith.constant 0.000000e+00 : f32
    %add3A_385 = arith.addf %add3A_384, %mul3A_383 : f32
    %mul3A_386 = arith.mulf %convert_element_type3A_177, %convert_element_type3A_309 : f32
    %add3A_387 = arith.addf %add3A_385, %mul3A_386 : f32
    %mul3A_388 = arith.mulf %convert_element_type3A_183, %convert_element_type3A_333 : f32
    %add3A_389 = arith.addf %add3A_387, %mul3A_388 : f32
    %mul3A_390 = arith.mulf %convert_element_type3A_189, %convert_element_type3A_357 : f32
    %add3A_391 = arith.addf %add3A_389, %mul3A_390 : f32
    %mul3A_392 = arith.mulf %convert_element_type3A_195, %convert_element_type3A_267 : f32
    %add3A_393 = arith.constant 0.000000e+00 : f32
    %add3A_394 = arith.addf %add3A_393, %mul3A_392 : f32
    %mul3A_395 = arith.mulf %convert_element_type3A_201, %convert_element_type3A_291 : f32
    %add3A_396 = arith.addf %add3A_394, %mul3A_395 : f32
    %mul3A_397 = arith.mulf %convert_element_type3A_207, %convert_element_type3A_315 : f32
    %add3A_398 = arith.addf %add3A_396, %mul3A_397 : f32
    %mul3A_399 = arith.mulf %convert_element_type3A_213, %convert_element_type3A_339 : f32
    %add3A_400 = arith.addf %add3A_398, %mul3A_399 : f32
    %mul3A_401 = arith.mulf %convert_element_type3A_195, %convert_element_type3A_273 : f32
    %add3A_402 = arith.constant 0.000000e+00 : f32
    %add3A_403 = arith.addf %add3A_402, %mul3A_401 : f32
    %mul3A_404 = arith.mulf %convert_element_type3A_201, %convert_element_type3A_297 : f32
    %add3A_405 = arith.addf %add3A_403, %mul3A_404 : f32
    %mul3A_406 = arith.mulf %convert_element_type3A_207, %convert_element_type3A_321 : f32
    %add3A_407 = arith.addf %add3A_405, %mul3A_406 : f32
    %mul3A_408 = arith.mulf %convert_element_type3A_213, %convert_element_type3A_345 : f32
    %add3A_409 = arith.addf %add3A_407, %mul3A_408 : f32
    %mul3A_410 = arith.mulf %convert_element_type3A_195, %convert_element_type3A_279 : f32
    %add3A_411 = arith.constant 0.000000e+00 : f32
    %add3A_412 = arith.addf %add3A_411, %mul3A_410 : f32
    %mul3A_413 = arith.mulf %convert_element_type3A_201, %convert_element_type3A_303 : f32
    %add3A_414 = arith.addf %add3A_412, %mul3A_413 : f32
    %mul3A_415 = arith.mulf %convert_element_type3A_207, %convert_element_type3A_327 : f32
    %add3A_416 = arith.addf %add3A_414, %mul3A_415 : f32
    %mul3A_417 = arith.mulf %convert_element_type3A_213, %convert_element_type3A_351 : f32
    %add3A_418 = arith.addf %add3A_416, %mul3A_417 : f32
    %mul3A_419 = arith.mulf %convert_element_type3A_195, %convert_element_type3A_285 : f32
    %add3A_420 = arith.constant 0.000000e+00 : f32
    %add3A_421 = arith.addf %add3A_420, %mul3A_419 : f32
    %mul3A_422 = arith.mulf %convert_element_type3A_201, %convert_element_type3A_309 : f32
    %add3A_423 = arith.addf %add3A_421, %mul3A_422 : f32
    %mul3A_424 = arith.mulf %convert_element_type3A_207, %convert_element_type3A_333 : f32
    %add3A_425 = arith.addf %add3A_423, %mul3A_424 : f32
    %mul3A_426 = arith.mulf %convert_element_type3A_213, %convert_element_type3A_357 : f32
    %add3A_427 = arith.addf %add3A_425, %mul3A_426 : f32
    %mul3A_428 = arith.mulf %convert_element_type3A_219, %convert_element_type3A_267 : f32
    %add3A_429 = arith.constant 0.000000e+00 : f32
    %add3A_430 = arith.addf %add3A_429, %mul3A_428 : f32
    %mul3A_431 = arith.mulf %convert_element_type3A_225, %convert_element_type3A_291 : f32
    %add3A_432 = arith.addf %add3A_430, %mul3A_431 : f32
    %mul3A_433 = arith.mulf %convert_element_type3A_231, %convert_element_type3A_315 : f32
    %add3A_434 = arith.addf %add3A_432, %mul3A_433 : f32
    %mul3A_435 = arith.mulf %convert_element_type3A_237, %convert_element_type3A_339 : f32
    %add3A_436 = arith.addf %add3A_434, %mul3A_435 : f32
    %mul3A_437 = arith.mulf %convert_element_type3A_219, %convert_element_type3A_273 : f32
    %add3A_438 = arith.constant 0.000000e+00 : f32
    %add3A_439 = arith.addf %add3A_438, %mul3A_437 : f32
    %mul3A_440 = arith.mulf %convert_element_type3A_225, %convert_element_type3A_297 : f32
    %add3A_441 = arith.addf %add3A_439, %mul3A_440 : f32
    %mul3A_442 = arith.mulf %convert_element_type3A_231, %convert_element_type3A_321 : f32
    %add3A_443 = arith.addf %add3A_441, %mul3A_442 : f32
    %mul3A_444 = arith.mulf %convert_element_type3A_237, %convert_element_type3A_345 : f32
    %add3A_445 = arith.addf %add3A_443, %mul3A_444 : f32
    %mul3A_446 = arith.mulf %convert_element_type3A_219, %convert_element_type3A_279 : f32
    %add3A_447 = arith.constant 0.000000e+00 : f32
    %add3A_448 = arith.addf %add3A_447, %mul3A_446 : f32
    %mul3A_449 = arith.mulf %convert_element_type3A_225, %convert_element_type3A_303 : f32
    %add3A_450 = arith.addf %add3A_448, %mul3A_449 : f32
    %mul3A_451 = arith.mulf %convert_element_type3A_231, %convert_element_type3A_327 : f32
    %add3A_452 = arith.addf %add3A_450, %mul3A_451 : f32
    %mul3A_453 = arith.mulf %convert_element_type3A_237, %convert_element_type3A_351 : f32
    %add3A_454 = arith.addf %add3A_452, %mul3A_453 : f32
    %mul3A_455 = arith.mulf %convert_element_type3A_219, %convert_element_type3A_285 : f32
    %add3A_456 = arith.constant 0.000000e+00 : f32
    %add3A_457 = arith.addf %add3A_456, %mul3A_455 : f32
    %mul3A_458 = arith.mulf %convert_element_type3A_225, %convert_element_type3A_309 : f32
    %add3A_459 = arith.addf %add3A_457, %mul3A_458 : f32
    %mul3A_460 = arith.mulf %convert_element_type3A_231, %convert_element_type3A_333 : f32
    %add3A_461 = arith.addf %add3A_459, %mul3A_460 : f32
    %mul3A_462 = arith.mulf %convert_element_type3A_237, %convert_element_type3A_357 : f32
    %add3A_463 = arith.addf %add3A_461, %mul3A_462 : f32
    %mul3A_464 = arith.mulf %convert_element_type3A_243, %convert_element_type3A_267 : f32
    %add3A_465 = arith.constant 0.000000e+00 : f32
    %add3A_466 = arith.addf %add3A_465, %mul3A_464 : f32
    %mul3A_467 = arith.mulf %convert_element_type3A_249, %convert_element_type3A_291 : f32
    %add3A_468 = arith.addf %add3A_466, %mul3A_467 : f32
    %mul3A_469 = arith.mulf %convert_element_type3A_255, %convert_element_type3A_315 : f32
    %add3A_470 = arith.addf %add3A_468, %mul3A_469 : f32
    %mul3A_471 = arith.mulf %convert_element_type3A_261, %convert_element_type3A_339 : f32
    %add3A_472 = arith.addf %add3A_470, %mul3A_471 : f32
    %mul3A_473 = arith.mulf %convert_element_type3A_243, %convert_element_type3A_273 : f32
    %add3A_474 = arith.constant 0.000000e+00 : f32
    %add3A_475 = arith.addf %add3A_474, %mul3A_473 : f32
    %mul3A_476 = arith.mulf %convert_element_type3A_249, %convert_element_type3A_297 : f32
    %add3A_477 = arith.addf %add3A_475, %mul3A_476 : f32
    %mul3A_478 = arith.mulf %convert_element_type3A_255, %convert_element_type3A_321 : f32
    %add3A_479 = arith.addf %add3A_477, %mul3A_478 : f32
    %mul3A_480 = arith.mulf %convert_element_type3A_261, %convert_element_type3A_345 : f32
    %add3A_481 = arith.addf %add3A_479, %mul3A_480 : f32
    %mul3A_482 = arith.mulf %convert_element_type3A_243, %convert_element_type3A_279 : f32
    %add3A_483 = arith.constant 0.000000e+00 : f32
    %add3A_484 = arith.addf %add3A_483, %mul3A_482 : f32
    %mul3A_485 = arith.mulf %convert_element_type3A_249, %convert_element_type3A_303 : f32
    %add3A_486 = arith.addf %add3A_484, %mul3A_485 : f32
    %mul3A_487 = arith.mulf %convert_element_type3A_255, %convert_element_type3A_327 : f32
    %add3A_488 = arith.addf %add3A_486, %mul3A_487 : f32
    %mul3A_489 = arith.mulf %convert_element_type3A_261, %convert_element_type3A_351 : f32
    %add3A_490 = arith.addf %add3A_488, %mul3A_489 : f32
    %mul3A_491 = arith.mulf %convert_element_type3A_243, %convert_element_type3A_285 : f32
    %add3A_492 = arith.constant 0.000000e+00 : f32
    %add3A_493 = arith.addf %add3A_492, %mul3A_491 : f32
    %mul3A_494 = arith.mulf %convert_element_type3A_249, %convert_element_type3A_309 : f32
    %add3A_495 = arith.addf %add3A_493, %mul3A_494 : f32
    %mul3A_496 = arith.mulf %convert_element_type3A_255, %convert_element_type3A_333 : f32
    %add3A_497 = arith.addf %add3A_495, %mul3A_496 : f32
    %mul3A_498 = arith.mulf %convert_element_type3A_261, %convert_element_type3A_357 : f32
    %add3A_499 = arith.addf %add3A_497, %mul3A_498 : f32
    %convert_element_type3A_500 = arith.truncf %add3A_364 : f32 to bf16
    %convert_element_type3A_501 = arith.extf %convert_element_type3A_500 : bf16 to f32
    %convert_element_type3A_502 = arith.truncf %add3A_373 : f32 to bf16
    %convert_element_type3A_503 = arith.extf %convert_element_type3A_502 : bf16 to f32
    %convert_element_type3A_504 = arith.truncf %add3A_382 : f32 to bf16
    %convert_element_type3A_505 = arith.extf %convert_element_type3A_504 : bf16 to f32
    %convert_element_type3A_506 = arith.truncf %add3A_391 : f32 to bf16
    %convert_element_type3A_507 = arith.extf %convert_element_type3A_506 : bf16 to f32
    %convert_element_type3A_508 = arith.truncf %add3A_400 : f32 to bf16
    %convert_element_type3A_509 = arith.extf %convert_element_type3A_508 : bf16 to f32
    %convert_element_type3A_510 = arith.truncf %add3A_409 : f32 to bf16
    %convert_element_type3A_511 = arith.extf %convert_element_type3A_510 : bf16 to f32
    %convert_element_type3A_512 = arith.truncf %add3A_418 : f32 to bf16
    %convert_element_type3A_513 = arith.extf %convert_element_type3A_512 : bf16 to f32
    %convert_element_type3A_514 = arith.truncf %add3A_427 : f32 to bf16
    %convert_element_type3A_515 = arith.extf %convert_element_type3A_514 : bf16 to f32
    %convert_element_type3A_516 = arith.truncf %add3A_436 : f32 to bf16
    %convert_element_type3A_517 = arith.extf %convert_element_type3A_516 : bf16 to f32
    %convert_element_type3A_518 = arith.truncf %add3A_445 : f32 to bf16
    %convert_element_type3A_519 = arith.extf %convert_element_type3A_518 : bf16 to f32
    %convert_element_type3A_520 = arith.truncf %add3A_454 : f32 to bf16
    %convert_element_type3A_521 = arith.extf %convert_element_type3A_520 : bf16 to f32
    %convert_element_type3A_522 = arith.truncf %add3A_463 : f32 to bf16
    %convert_element_type3A_523 = arith.extf %convert_element_type3A_522 : bf16 to f32
    %convert_element_type3A_524 = arith.truncf %add3A_472 : f32 to bf16
    %convert_element_type3A_525 = arith.extf %convert_element_type3A_524 : bf16 to f32
    %convert_element_type3A_526 = arith.truncf %add3A_481 : f32 to bf16
    %convert_element_type3A_527 = arith.extf %convert_element_type3A_526 : bf16 to f32
    %convert_element_type3A_528 = arith.truncf %add3A_490 : f32 to bf16
    %convert_element_type3A_529 = arith.extf %convert_element_type3A_528 : bf16 to f32
    %convert_element_type3A_530 = arith.truncf %add3A_499 : f32 to bf16
    %convert_element_type3A_531 = arith.extf %convert_element_type3A_530 : bf16 to f32
    %iota3A = tpu.iota {dimensions = array<i32: 1>} : vector<1x16x128xi32>
    %iota3A_532 = tpu.iota {dimensions = array<i32: 2>} : vector<1x16x128xi32>
    %mul3A_533 = arith.constant 2048 : i32
    %mul3A_534 = arith.muli %arg1, %mul3A_533 : i32
    %mul3A_535 = arith.constant 128 : i32
    %mul3A_536 = vector.broadcast %mul3A_535 : i32 to vector<1x16x128xi32>
    %mul3A_537 = arith.muli %iota3A, %mul3A_536 : vector<1x16x128xi32>
    %add3A_538 = vector.broadcast %mul3A_534 : i32 to vector<1x16x128xi32>
    %add3A_539 = arith.addi %add3A_538, %mul3A_537 : vector<1x16x128xi32>
    %add3A_540 = arith.addi %add3A_539, %iota3A_532 : vector<1x16x128xi32>
    %and3A = arith.constant 255 : i32
    %and3A_541 = vector.broadcast %and3A : i32 to vector<1x16x128xi32>
    %and3A_542 = arith.andi %add3A_540, %and3A_541 : vector<1x16x128xi32>
    %convert_element_type3A_543 = arith.sitofp %and3A_542 : vector<1x16x128xi32> to vector<1x16x128xf32>
    %shift_right_arithmetic3A = arith.constant 8 : i32
    %shift_right_arithmetic3A_544 = vector.broadcast %shift_right_arithmetic3A : i32 to vector<1x16x128xi32>
    %shift_right_arithmetic3A_545 = arith.shrsi %add3A_540, %shift_right_arithmetic3A_544 : vector<1x16x128xi32>
    %convert_element_type3A_546 = arith.sitofp %shift_right_arithmetic3A_545 : vector<1x16x128xi32> to vector<1x16x128xf32>
    %div3A = arith.constant 2.550000e+02 : f32
    %div3A_547 = vector.broadcast %div3A : f32 to vector<1x16x128xf32>
    %div3A_548 = arith.divf %convert_element_type3A_543, %div3A_547 : vector<1x16x128xf32>
    %mul3A_549 = arith.constant 2.000000e+00 : f32
    %mul3A_550 = vector.broadcast %mul3A_549 : f32 to vector<1x16x128xf32>
    %mul3A_551 = arith.mulf %div3A_548, %mul3A_550 : vector<1x16x128xf32>
    %sub3A = arith.constant 1.000000e+00 : f32
    %sub3A_552 = vector.broadcast %sub3A : f32 to vector<1x16x128xf32>
    %sub3A_553 = arith.subf %mul3A_551, %sub3A_552 : vector<1x16x128xf32>
    %div3A_554 = arith.constant 2.550000e+02 : f32
    %div3A_555 = vector.broadcast %div3A_554 : f32 to vector<1x16x128xf32>
    %div3A_556 = arith.divf %convert_element_type3A_546, %div3A_555 : vector<1x16x128xf32>
    %mul3A_557 = arith.constant 2.000000e+00 : f32
    %mul3A_558 = vector.broadcast %mul3A_557 : f32 to vector<1x16x128xf32>
    %mul3A_559 = arith.mulf %div3A_556, %mul3A_558 : vector<1x16x128xf32>
    %sub3A_560 = arith.constant 1.000000e+00 : f32
    %sub3A_561 = vector.broadcast %sub3A_560 : f32 to vector<1x16x128xf32>
    %sub3A_562 = arith.subf %mul3A_559, %sub3A_561 : vector<1x16x128xf32>
    %get3A_563 = arith.constant 0 : index
    %get3A_564 = arith.constant 0 : index
    %get3A_565 = arith.constant 0 : index
    %get3A_566 = vector.load %arg6[%get3A_563, %get3A_564, %get3A_565] : memref<1x16x128xf32, #tpu.memory_space<vmem>>, vector<1x16x128xf32>
    %get3A_567 = vector.shape_cast %get3A_566 : vector<1x16x128xf32> to vector<16x128xf32>
    %broadcast_in_dim3A = vector.shape_cast %get3A_567 : vector<16x128xf32> to vector<1x16x128xf32>
    %mul3A_568 = arith.mulf %sub3A_553, %broadcast_in_dim3A : vector<1x16x128xf32>
    %convert_element_type3A_569 = arith.truncf %mul3A_568 : vector<1x16x128xf32> to vector<1x16x128xbf16>
    %convert_element_type3A_570 = arith.extf %convert_element_type3A_569 : vector<1x16x128xbf16> to vector<1x16x128xf32>
    %neg3A = arith.constant 0.000000e+00 : f32
    %neg3A_571 = vector.broadcast %neg3A : f32 to vector<1x16x128xf32>
    %neg3A_572 = arith.subf %neg3A_571, %sub3A_562 : vector<1x16x128xf32>
    %broadcast_in_dim3A_573 = vector.shape_cast %get3A_567 : vector<16x128xf32> to vector<1x16x128xf32>
    %mul3A_574 = arith.mulf %neg3A_572, %broadcast_in_dim3A_573 : vector<1x16x128xf32>
    %convert_element_type3A_575 = arith.truncf %mul3A_574 : vector<1x16x128xf32> to vector<1x16x128xbf16>
    %convert_element_type3A_576 = arith.extf %convert_element_type3A_575 : vector<1x16x128xbf16> to vector<1x16x128xf32>
    %neg3A_577 = arith.constant 0.000000e+00 : f32
    %neg3A_578 = vector.broadcast %neg3A_577 : f32 to vector<16x128xf32>
    %neg3A_579 = arith.subf %neg3A_578, %get3A_567 : vector<16x128xf32>
    %convert_element_type3A_580 = arith.truncf %neg3A_579 : vector<16x128xf32> to vector<16x128xbf16>
    %convert_element_type3A_581 = arith.extf %convert_element_type3A_580 : vector<16x128xbf16> to vector<16x128xf32>
    %mul3A_582 = vector.broadcast %convert_element_type3A_75 : f32 to vector<1x16x128xf32>
    %mul3A_583 = arith.mulf %mul3A_582, %convert_element_type3A_570 : vector<1x16x128xf32>
    %mul3A_584 = vector.broadcast %convert_element_type3A_81 : f32 to vector<1x16x128xf32>
    %mul3A_585 = arith.mulf %mul3A_584, %convert_element_type3A_576 : vector<1x16x128xf32>
    %add3A_586 = arith.addf %mul3A_583, %mul3A_585 : vector<1x16x128xf32>
    %mul3A_587 = vector.broadcast %convert_element_type3A_87 : f32 to vector<16x128xf32>
    %mul3A_588 = arith.mulf %mul3A_587, %convert_element_type3A_581 : vector<16x128xf32>
    %broadcast_in_dim3A_589 = vector.shape_cast %mul3A_588 : vector<16x128xf32> to vector<1x16x128xf32>
    %add3A_590 = arith.addf %add3A_586, %broadcast_in_dim3A_589 : vector<1x16x128xf32>
    %add3A_591 = vector.broadcast %convert_element_type3A_93 : f32 to vector<1x16x128xf32>
    %add3A_592 = arith.addf %add3A_590, %add3A_591 : vector<1x16x128xf32>
    %mul3A_593 = vector.broadcast %convert_element_type3A_99 : f32 to vector<1x16x128xf32>
    %mul3A_594 = arith.mulf %mul3A_593, %convert_element_type3A_570 : vector<1x16x128xf32>
    %mul3A_595 = vector.broadcast %convert_element_type3A_105 : f32 to vector<1x16x128xf32>
    %mul3A_596 = arith.mulf %mul3A_595, %convert_element_type3A_576 : vector<1x16x128xf32>
    %add3A_597 = arith.addf %mul3A_594, %mul3A_596 : vector<1x16x128xf32>
    %mul3A_598 = vector.broadcast %convert_element_type3A_111 : f32 to vector<16x128xf32>
    %mul3A_599 = arith.mulf %mul3A_598, %convert_element_type3A_581 : vector<16x128xf32>
    %broadcast_in_dim3A_600 = vector.shape_cast %mul3A_599 : vector<16x128xf32> to vector<1x16x128xf32>
    %add3A_601 = arith.addf %add3A_597, %broadcast_in_dim3A_600 : vector<1x16x128xf32>
    %add3A_602 = vector.broadcast %convert_element_type3A_117 : f32 to vector<1x16x128xf32>
    %add3A_603 = arith.addf %add3A_601, %add3A_602 : vector<1x16x128xf32>
    %mul3A_604 = vector.broadcast %convert_element_type3A_123 : f32 to vector<1x16x128xf32>
    %mul3A_605 = arith.mulf %mul3A_604, %convert_element_type3A_570 : vector<1x16x128xf32>
    %mul3A_606 = vector.broadcast %convert_element_type3A_129 : f32 to vector<1x16x128xf32>
    %mul3A_607 = arith.mulf %mul3A_606, %convert_element_type3A_576 : vector<1x16x128xf32>
    %add3A_608 = arith.addf %mul3A_605, %mul3A_607 : vector<1x16x128xf32>
    %mul3A_609 = vector.broadcast %convert_element_type3A_135 : f32 to vector<16x128xf32>
    %mul3A_610 = arith.mulf %mul3A_609, %convert_element_type3A_581 : vector<16x128xf32>
    %broadcast_in_dim3A_611 = vector.shape_cast %mul3A_610 : vector<16x128xf32> to vector<1x16x128xf32>
    %add3A_612 = arith.addf %add3A_608, %broadcast_in_dim3A_611 : vector<1x16x128xf32>
    %add3A_613 = vector.broadcast %convert_element_type3A_141 : f32 to vector<1x16x128xf32>
    %add3A_614 = arith.addf %add3A_612, %add3A_613 : vector<1x16x128xf32>
    %mul3A_615 = vector.broadcast %convert_element_type3A_147 : f32 to vector<1x16x128xf32>
    %mul3A_616 = arith.mulf %mul3A_615, %convert_element_type3A_570 : vector<1x16x128xf32>
    %mul3A_617 = vector.broadcast %convert_element_type3A_153 : f32 to vector<1x16x128xf32>
    %mul3A_618 = arith.mulf %mul3A_617, %convert_element_type3A_576 : vector<1x16x128xf32>
    %add3A_619 = arith.addf %mul3A_616, %mul3A_618 : vector<1x16x128xf32>
    %mul3A_620 = vector.broadcast %convert_element_type3A_159 : f32 to vector<16x128xf32>
    %mul3A_621 = arith.mulf %mul3A_620, %convert_element_type3A_581 : vector<16x128xf32>
    %broadcast_in_dim3A_622 = vector.shape_cast %mul3A_621 : vector<16x128xf32> to vector<1x16x128xf32>
    %add3A_623 = arith.addf %add3A_619, %broadcast_in_dim3A_622 : vector<1x16x128xf32>
    %add3A_624 = vector.broadcast %convert_element_type3A_165 : f32 to vector<1x16x128xf32>
    %add3A_625 = arith.addf %add3A_623, %add3A_624 : vector<1x16x128xf32>
    %convert_element_type3A_626 = arith.truncf %add3A_592 : vector<1x16x128xf32> to vector<1x16x128xbf16>
    %convert_element_type3A_627 = arith.extf %convert_element_type3A_626 : vector<1x16x128xbf16> to vector<1x16x128xf32>
    %convert_element_type3A_628 = arith.truncf %add3A_603 : vector<1x16x128xf32> to vector<1x16x128xbf16>
    %convert_element_type3A_629 = arith.extf %convert_element_type3A_628 : vector<1x16x128xbf16> to vector<1x16x128xf32>
    %convert_element_type3A_630 = arith.truncf %add3A_614 : vector<1x16x128xf32> to vector<1x16x128xbf16>
    %convert_element_type3A_631 = arith.extf %convert_element_type3A_630 : vector<1x16x128xbf16> to vector<1x16x128xf32>
    %convert_element_type3A_632 = arith.truncf %add3A_625 : vector<1x16x128xf32> to vector<1x16x128xbf16>
    %convert_element_type3A_633 = arith.extf %convert_element_type3A_632 : vector<1x16x128xbf16> to vector<1x16x128xf32>
    %mul3A_634 = vector.broadcast %convert_element_type3A_501 : f32 to vector<1x16x128xf32>
    %mul3A_635 = arith.mulf %mul3A_634, %convert_element_type3A_627 : vector<1x16x128xf32>
    %mul3A_636 = vector.broadcast %convert_element_type3A_503 : f32 to vector<1x16x128xf32>
    %mul3A_637 = arith.mulf %mul3A_636, %convert_element_type3A_629 : vector<1x16x128xf32>
    %add3A_638 = arith.addf %mul3A_635, %mul3A_637 : vector<1x16x128xf32>
    %mul3A_639 = vector.broadcast %convert_element_type3A_505 : f32 to vector<1x16x128xf32>
    %mul3A_640 = arith.mulf %mul3A_639, %convert_element_type3A_631 : vector<1x16x128xf32>
    %add3A_641 = arith.addf %add3A_638, %mul3A_640 : vector<1x16x128xf32>
    %mul3A_642 = vector.broadcast %convert_element_type3A_507 : f32 to vector<1x16x128xf32>
    %mul3A_643 = arith.mulf %mul3A_642, %convert_element_type3A_633 : vector<1x16x128xf32>
    %add3A_644 = arith.addf %add3A_641, %mul3A_643 : vector<1x16x128xf32>
    %mul3A_645 = vector.broadcast %convert_element_type3A_509 : f32 to vector<1x16x128xf32>
    %mul3A_646 = arith.mulf %mul3A_645, %convert_element_type3A_627 : vector<1x16x128xf32>
    %mul3A_647 = vector.broadcast %convert_element_type3A_511 : f32 to vector<1x16x128xf32>
    %mul3A_648 = arith.mulf %mul3A_647, %convert_element_type3A_629 : vector<1x16x128xf32>
    %add3A_649 = arith.addf %mul3A_646, %mul3A_648 : vector<1x16x128xf32>
    %mul3A_650 = vector.broadcast %convert_element_type3A_513 : f32 to vector<1x16x128xf32>
    %mul3A_651 = arith.mulf %mul3A_650, %convert_element_type3A_631 : vector<1x16x128xf32>
    %add3A_652 = arith.addf %add3A_649, %mul3A_651 : vector<1x16x128xf32>
    %mul3A_653 = vector.broadcast %convert_element_type3A_515 : f32 to vector<1x16x128xf32>
    %mul3A_654 = arith.mulf %mul3A_653, %convert_element_type3A_633 : vector<1x16x128xf32>
    %add3A_655 = arith.addf %add3A_652, %mul3A_654 : vector<1x16x128xf32>
    %mul3A_656 = vector.broadcast %convert_element_type3A_517 : f32 to vector<1x16x128xf32>
    %mul3A_657 = arith.mulf %mul3A_656, %convert_element_type3A_627 : vector<1x16x128xf32>
    %mul3A_658 = vector.broadcast %convert_element_type3A_519 : f32 to vector<1x16x128xf32>
    %mul3A_659 = arith.mulf %mul3A_658, %convert_element_type3A_629 : vector<1x16x128xf32>
    %add3A_660 = arith.addf %mul3A_657, %mul3A_659 : vector<1x16x128xf32>
    %mul3A_661 = vector.broadcast %convert_element_type3A_521 : f32 to vector<1x16x128xf32>
    %mul3A_662 = arith.mulf %mul3A_661, %convert_element_type3A_631 : vector<1x16x128xf32>
    %add3A_663 = arith.addf %add3A_660, %mul3A_662 : vector<1x16x128xf32>
    %mul3A_664 = vector.broadcast %convert_element_type3A_523 : f32 to vector<1x16x128xf32>
    %mul3A_665 = arith.mulf %mul3A_664, %convert_element_type3A_633 : vector<1x16x128xf32>
    %add3A_666 = arith.addf %add3A_663, %mul3A_665 : vector<1x16x128xf32>
    %mul3A_667 = vector.broadcast %convert_element_type3A_525 : f32 to vector<1x16x128xf32>
    %mul3A_668 = arith.mulf %mul3A_667, %convert_element_type3A_627 : vector<1x16x128xf32>
    %mul3A_669 = vector.broadcast %convert_element_type3A_527 : f32 to vector<1x16x128xf32>
    %mul3A_670 = arith.mulf %mul3A_669, %convert_element_type3A_629 : vector<1x16x128xf32>
    %add3A_671 = arith.addf %mul3A_668, %mul3A_670 : vector<1x16x128xf32>
    %mul3A_672 = vector.broadcast %convert_element_type3A_529 : f32 to vector<1x16x128xf32>
    %mul3A_673 = arith.mulf %mul3A_672, %convert_element_type3A_631 : vector<1x16x128xf32>
    %add3A_674 = arith.addf %add3A_671, %mul3A_673 : vector<1x16x128xf32>
    %mul3A_675 = vector.broadcast %convert_element_type3A_531 : f32 to vector<1x16x128xf32>
    %mul3A_676 = arith.mulf %mul3A_675, %convert_element_type3A_633 : vector<1x16x128xf32>
    %add3A_677 = arith.addf %add3A_674, %mul3A_676 : vector<1x16x128xf32>
    %convert_element_type3A_678 = arith.truncf %add3A_644 : vector<1x16x128xf32> to vector<1x16x128xbf16>
    %convert_element_type3A_679 = arith.extf %convert_element_type3A_678 : vector<1x16x128xbf16> to vector<1x16x128xf32>
    %convert_element_type3A_680 = arith.truncf %add3A_655 : vector<1x16x128xf32> to vector<1x16x128xbf16>
    %convert_element_type3A_681 = arith.extf %convert_element_type3A_680 : vector<1x16x128xbf16> to vector<1x16x128xf32>
    %convert_element_type3A_682 = arith.truncf %add3A_666 : vector<1x16x128xf32> to vector<1x16x128xbf16>
    %convert_element_type3A_683 = arith.extf %convert_element_type3A_682 : vector<1x16x128xbf16> to vector<1x16x128xf32>
    %convert_element_type3A_684 = arith.truncf %add3A_677 : vector<1x16x128xf32> to vector<1x16x128xbf16>
    %convert_element_type3A_685 = arith.extf %convert_element_type3A_684 : vector<1x16x128xbf16> to vector<1x16x128xf32>
    %mul3A_686 = vector.broadcast %convert_element_type3A_3 : f32 to vector<1x16x128xf32>
    %mul3A_687 = arith.mulf %mul3A_686, %convert_element_type3A_679 : vector<1x16x128xf32>
    %mul3A_688 = vector.broadcast %convert_element_type3A_9 : f32 to vector<1x16x128xf32>
    %mul3A_689 = arith.mulf %mul3A_688, %convert_element_type3A_681 : vector<1x16x128xf32>
    %add3A_690 = arith.addf %mul3A_687, %mul3A_689 : vector<1x16x128xf32>
    %mul3A_691 = vector.broadcast %convert_element_type3A_15 : f32 to vector<1x16x128xf32>
    %mul3A_692 = arith.mulf %mul3A_691, %convert_element_type3A_683 : vector<1x16x128xf32>
    %add3A_693 = arith.addf %add3A_690, %mul3A_692 : vector<1x16x128xf32>
    %mul3A_694 = vector.broadcast %convert_element_type3A_21 : f32 to vector<1x16x128xf32>
    %mul3A_695 = arith.mulf %mul3A_694, %convert_element_type3A_685 : vector<1x16x128xf32>
    %add3A_696 = arith.addf %add3A_693, %mul3A_695 : vector<1x16x128xf32>
    %mul3A_697 = vector.broadcast %convert_element_type3A_27 : f32 to vector<1x16x128xf32>
    %mul3A_698 = arith.mulf %mul3A_697, %convert_element_type3A_679 : vector<1x16x128xf32>
    %mul3A_699 = vector.broadcast %convert_element_type3A_33 : f32 to vector<1x16x128xf32>
    %mul3A_700 = arith.mulf %mul3A_699, %convert_element_type3A_681 : vector<1x16x128xf32>
    %add3A_701 = arith.addf %mul3A_698, %mul3A_700 : vector<1x16x128xf32>
    %mul3A_702 = vector.broadcast %convert_element_type3A_39 : f32 to vector<1x16x128xf32>
    %mul3A_703 = arith.mulf %mul3A_702, %convert_element_type3A_683 : vector<1x16x128xf32>
    %add3A_704 = arith.addf %add3A_701, %mul3A_703 : vector<1x16x128xf32>
    %mul3A_705 = vector.broadcast %convert_element_type3A_45 : f32 to vector<1x16x128xf32>
    %mul3A_706 = arith.mulf %mul3A_705, %convert_element_type3A_685 : vector<1x16x128xf32>
    %add3A_707 = arith.addf %add3A_704, %mul3A_706 : vector<1x16x128xf32>
    %mul3A_708 = vector.broadcast %convert_element_type3A_51 : f32 to vector<1x16x128xf32>
    %mul3A_709 = arith.mulf %mul3A_708, %convert_element_type3A_679 : vector<1x16x128xf32>
    %mul3A_710 = vector.broadcast %convert_element_type3A_57 : f32 to vector<1x16x128xf32>
    %mul3A_711 = arith.mulf %mul3A_710, %convert_element_type3A_681 : vector<1x16x128xf32>
    %add3A_712 = arith.addf %mul3A_709, %mul3A_711 : vector<1x16x128xf32>
    %mul3A_713 = vector.broadcast %convert_element_type3A_63 : f32 to vector<1x16x128xf32>
    %mul3A_714 = arith.mulf %mul3A_713, %convert_element_type3A_683 : vector<1x16x128xf32>
    %add3A_715 = arith.addf %add3A_712, %mul3A_714 : vector<1x16x128xf32>
    %mul3A_716 = vector.broadcast %convert_element_type3A_69 : f32 to vector<1x16x128xf32>
    %mul3A_717 = arith.mulf %mul3A_716, %convert_element_type3A_685 : vector<1x16x128xf32>
    %add3A_718 = arith.addf %add3A_715, %mul3A_717 : vector<1x16x128xf32>
    %abs3A = math.absf %add3A_718 : vector<1x16x128xf32>
    %lt3A = arith.constant 0.00999999977 : f32
    %lt3A_719 = vector.broadcast %lt3A : f32 to vector<1x16x128xf32>
    %lt3A_720 = arith.cmpf olt, %abs3A, %lt3A_719 : vector<1x16x128xf32>
    %jit3A = arith.constant 0.00999999977 : f32
    %broadcast_in_dim3A_721 = vector.broadcast %jit3A : f32 to vector<1x16x128xf32>
    %select_n3A = arith.select %lt3A_720, %broadcast_in_dim3A_721, %add3A_718 : vector<1x16x128xi1>, vector<1x16x128xf32>
    %neg3A_722 = arith.constant 0.000000e+00 : f32
    %neg3A_723 = vector.broadcast %neg3A_722 : f32 to vector<1x16x128xf32>
    %neg3A_724 = arith.subf %neg3A_723, %select_n3A : vector<1x16x128xf32>
    %div3A_725 = arith.divf %add3A_696, %neg3A_724 : vector<1x16x128xf32>
    %jit3A_726 = arith.constant -1.000000e+01 : f32
    %broadcast_in_dim3A_727 = vector.broadcast %jit3A_726 : f32 to vector<1x16x128xf32>
    %select_n3A_728 = arith.select %lt3A_720, %broadcast_in_dim3A_727, %div3A_725 : vector<1x16x128xi1>, vector<1x16x128xf32>
    %neg3A_729 = arith.constant 0.000000e+00 : f32
    %neg3A_730 = vector.broadcast %neg3A_729 : f32 to vector<1x16x128xf32>
    %neg3A_731 = arith.subf %neg3A_730, %select_n3A : vector<1x16x128xf32>
    %div3A_732 = arith.divf %add3A_707, %neg3A_731 : vector<1x16x128xf32>
    %jit3A_733 = arith.constant -1.000000e+01 : f32
    %broadcast_in_dim3A_734 = vector.broadcast %jit3A_733 : f32 to vector<1x16x128xf32>
    %select_n3A_735 = arith.select %lt3A_720, %broadcast_in_dim3A_734, %div3A_732 : vector<1x16x128xi1>, vector<1x16x128xf32>
    %mul3A_736 = arith.constant -1.000000e+00 : f32
    %mul3A_737 = vector.broadcast %mul3A_736 : f32 to vector<1x16x128xf32>
    %mul3A_738 = arith.mulf %select_n3A_735, %mul3A_737 : vector<1x16x128xf32>
    %abs3A_739 = math.absf %select_n3A_728 : vector<1x16x128xf32>
    %le3A = arith.constant 1.000000e+00 : f32
    %le3A_740 = vector.broadcast %le3A : f32 to vector<1x16x128xf32>
    %le3A_741 = arith.cmpf ole, %abs3A_739, %le3A_740 : vector<1x16x128xf32>
    %abs3A_742 = math.absf %mul3A_738 : vector<1x16x128xf32>
    %le3A_743 = arith.constant 1.000000e+00 : f32
    %le3A_744 = vector.broadcast %le3A_743 : f32 to vector<1x16x128xf32>
    %le3A_745 = arith.cmpf ole, %abs3A_742, %le3A_744 : vector<1x16x128xf32>
    %and3A_746 = arith.andi %le3A_741, %le3A_745 : vector<1x16x128xi1>
    %add3A_747 = arith.constant 1.000000e+00 : f32
    %add3A_748 = vector.broadcast %add3A_747 : f32 to vector<1x16x128xf32>
    %add3A_749 = arith.addf %select_n3A_728, %add3A_748 : vector<1x16x128xf32>
    %mul3A_750 = arith.constant 5.000000e-01 : f32
    %mul3A_751 = vector.broadcast %mul3A_750 : f32 to vector<1x16x128xf32>
    %mul3A_752 = arith.mulf %add3A_749, %mul3A_751 : vector<1x16x128xf32>
    %mul3A_753 = arith.constant 2.550000e+02 : f32
    %mul3A_754 = vector.broadcast %mul3A_753 : f32 to vector<1x16x128xf32>
    %mul3A_755 = arith.mulf %mul3A_752, %mul3A_754 : vector<1x16x128xf32>
    %jit3A_756 = arith.constant 0 : i32
    %jit3A_757 = arith.constant 255 : i32
    %convert_element_type3A_758 = arith.sitofp %jit3A_756 : i32 to f32
    %max3A = vector.broadcast %convert_element_type3A_758 : f32 to vector<1x16x128xf32>
    %max3A_759 = arith.maximumf %max3A, %mul3A_755 : vector<1x16x128xf32>
    %convert_element_type3A_760 = arith.sitofp %jit3A_757 : i32 to f32
    %min3A = vector.broadcast %convert_element_type3A_760 : f32 to vector<1x16x128xf32>
    %min3A_761 = arith.minimumf %min3A, %max3A_759 : vector<1x16x128xf32>
    %convert_element_type3A_762 = arith.fptosi %min3A_761 : vector<1x16x128xf32> to vector<1x16x128xi32>
    %sub3A_763 = arith.constant 1.000000e+00 : f32
    %sub3A_764 = vector.broadcast %sub3A_763 : f32 to vector<1x16x128xf32>
    %sub3A_765 = arith.subf %sub3A_764, %mul3A_738 : vector<1x16x128xf32>
    %mul3A_766 = arith.constant 5.000000e-01 : f32
    %mul3A_767 = vector.broadcast %mul3A_766 : f32 to vector<1x16x128xf32>
    %mul3A_768 = arith.mulf %sub3A_765, %mul3A_767 : vector<1x16x128xf32>
    %mul3A_769 = arith.constant 2.550000e+02 : f32
    %mul3A_770 = vector.broadcast %mul3A_769 : f32 to vector<1x16x128xf32>
    %mul3A_771 = arith.mulf %mul3A_768, %mul3A_770 : vector<1x16x128xf32>
    %jit3A_772 = arith.constant 0 : i32
    %jit3A_773 = arith.constant 255 : i32
    %convert_element_type3A_774 = arith.sitofp %jit3A_772 : i32 to f32
    %max3A_775 = vector.broadcast %convert_element_type3A_774 : f32 to vector<1x16x128xf32>
    %max3A_776 = arith.maximumf %max3A_775, %mul3A_771 : vector<1x16x128xf32>
    %convert_element_type3A_777 = arith.sitofp %jit3A_773 : i32 to f32
    %min3A_778 = vector.broadcast %convert_element_type3A_777 : f32 to vector<1x16x128xf32>
    %min3A_779 = arith.minimumf %min3A_778, %max3A_776 : vector<1x16x128xf32>
    %convert_element_type3A_780 = arith.fptosi %min3A_779 : vector<1x16x128xf32> to vector<1x16x128xi32>
    %mul3A_781 = arith.constant 256 : i32
    %mul3A_782 = vector.broadcast %mul3A_781 : i32 to vector<1x16x128xi32>
    %mul3A_783 = arith.muli %convert_element_type3A_780, %mul3A_782 : vector<1x16x128xi32>
    %add3A_784 = arith.addi %mul3A_783, %convert_element_type3A_762 : vector<1x16x128xi32>
    %squeeze3A = vector.shape_cast %add3A_784 : vector<1x16x128xi32> to vector<16x128xi32>
    %swap3A = arith.constant 0 : index
    %swap3A_785 = arith.constant 0 : index
    %swap3A_786 = vector.load %arg8[%swap3A, %swap3A_785] : memref<16x128xi32, #tpu.memory_space<vmem>>, vector<16x128xi32>
    tpu.vector_store %arg8[%swap3A, %swap3A_785], %squeeze3A {strides = array<i32>} : memref<16x128xi32, #tpu.memory_space<vmem>>, vector<16x128xi32>,
    %get3A_787 = arith.constant 0 : index
    %get3A_788 = arith.constant 0 : index
    %get3A_789 = arith.constant 0 : index
    %get3A_790 = vector.load %arg7[%get3A_787, %get3A_788, %get3A_789] : memref<1x16x128xf32, #tpu.memory_space<vmem>>, vector<1x16x128xf32>
    %get3A_791 = vector.shape_cast %get3A_790 : vector<1x16x128xf32> to vector<16x128xf32>
    %convert_element_type3A_792 = arith.extui %and3A_746 : vector<1x16x128xi1> to vector<1x16x128xi32>
    %convert_element_type3A_793 = arith.sitofp %convert_element_type3A_792 : vector<1x16x128xi32> to vector<1x16x128xf32>
    %broadcast_in_dim3A_794 = vector.shape_cast %get3A_791 : vector<16x128xf32> to vector<1x16x128xf32>
    %mul3A_795 = arith.mulf %broadcast_in_dim3A_794, %convert_element_type3A_793 : vector<1x16x128xf32>
    %squeeze3A_796 = vector.shape_cast %mul3A_795 : vector<1x16x128xf32> to vector<16x128xf32>
    %swap3A_797 = arith.constant 0 : index
    %swap3A_798 = arith.constant 0 : index
    %swap3A_799 = vector.load %arg9[%swap3A_797, %swap3A_798] : memref<16x128xf32, #tpu.memory_space<vmem>>, vector<16x128xf32>
    tpu.vector_store %arg9[%swap3A_797, %swap3A_798], %squeeze3A_796 {strides = array<i32>} : memref<16x128xf32, #tpu.memory_space<vmem>>, vector<16x128xf32>,
    return
  }
  func.func @transform_0(%arg0: i32, %arg1: i32) -> (i32, i32, i32) {
    %c0_i32 = arith.constant 0 : i32
    %c0_i32_0 = arith.constant 0 : i32
    %c0_i32_1 = arith.constant 0 : i32
    return %arg0, %c0_i32, %c0_i32_0 : i32, i32, i32
  }
  func.func @transform_1(%arg0: i32, %arg1: i32) -> (i32, i32, i32) {
    %c0_i32 = arith.constant 0 : i32
    %c0_i32_0 = arith.constant 0 : i32
    %c0_i32_1 = arith.constant 0 : i32
    return %arg0, %c0_i32, %c0_i32_0 : i32, i32, i32
  }
  func.func @transform_2(%arg0: i32, %arg1: i32) -> (i32, i32, i32) {
    %c0_i32 = arith.constant 0 : i32
    %c0_i32_0 = arith.constant 0 : i32
    %c0_i32_1 = arith.constant 0 : i32
    return %arg0, %c0_i32, %c0_i32_0 : i32, i32, i32
  }
  func.func @transform_3(%arg0: i32, %arg1: i32) -> (i32, i32, i32) {
    %c0_i32 = arith.constant 0 : i32
    %c0_i32_0 = arith.constant 0 : i32
    %c0_i32_1 = arith.constant 0 : i32
    return %arg0, %c0_i32, %c0_i32_0 : i32, i32, i32
  }
  func.func @transform_4(%arg0: i32, %arg1: i32) -> (i32, i32, i32) {
    %mul3A = arith.constant 32 : i32
    %mul3A_0 = arith.muli %arg0, %mul3A : i32
    %add3A = arith.addi %mul3A_0, %arg1 : i32
    %c0_i32 = arith.constant 0 : i32
    %c0_i32_1 = arith.constant 0 : i32
    %c0_i32_2 = arith.constant 0 : i32
    return %add3A, %c0_i32, %c0_i32_1 : i32, i32, i32
  }
  func.func @transform_5(%arg0: i32, %arg1: i32) -> (i32, i32, i32) {
    %mul3A = arith.constant 32 : i32
    %mul3A_0 = arith.muli %arg0, %mul3A : i32
    %add3A = arith.addi %mul3A_0, %arg1 : i32
    %c0_i32 = arith.constant 0 : i32
    %c0_i32_1 = arith.constant 0 : i32
    %c0_i32_2 = arith.constant 0 : i32
    return %add3A, %c0_i32, %c0_i32_1 : i32, i32, i32
  }
  func.func @transform_6(%arg0: i32, %arg1: i32) -> (i32, i32) {
    %mul3A = arith.constant 32 : i32
    %mul3A_0 = arith.muli %arg0, %mul3A : i32
    %add3A = arith.addi %mul3A_0, %arg1 : i32
    %c0_i32 = arith.constant 0 : i32
    %c0_i32_1 = arith.constant 0 : i32
    return %add3A, %c0_i32 : i32, i32
  }
  func.func @transform_7(%arg0: i32, %arg1: i32) -> (i32, i32) {
    %mul3A = arith.constant 32 : i32
    %mul3A_0 = arith.muli %arg0, %mul3A : i32
    %add3A = arith.addi %mul3A_0, %arg1 : i32
    %c0_i32 = arith.constant 0 : i32
    %c0_i32_1 = arith.constant 0 : i32
    return %add3A, %c0_i32 : i32, i32
  }
}

module attributes {stable_mosaic.version = 14 : i64} {
  func.func @_wt_body(%arg0: i32, %arg1: i32, %arg2: memref<1x64x512xf32, #tpu.memory_space<vmem>>, %arg3: memref<1x1x512xf32, #tpu.memory_space<vmem>>, %arg4: memref<1x256x128xf32, #tpu.memory_space<vmem>>) attributes {dimension_semantics = [#tpu.dimension_semantics<arbitrary>, #tpu.dimension_semantics<arbitrary>], iteration_bounds = array<i64: 4, 128>, scalar_prefetch = 0 : i64, scratch_operands = 0 : i64, tpu.core_type = #tpu.core_type<tc>, window_params = [{transform_indices = @transform_0, window_bounds = array<i64: 1, 64, 512>}, {transform_indices = @transform_1, window_bounds = array<i64: 1, 1, 512>}, {transform_indices = @transform_2, window_bounds = array<i64: 1, 256, 128>}]} {
    %get3A = arith.constant 0 : index
    %get3A_0 = arith.constant 0 : index
    %get3A_1 = arith.constant 0 : index
    %get3A_2 = vector.load %arg2[%get3A, %get3A_0, %get3A_1] : memref<1x64x512xf32, #tpu.memory_space<vmem>>, vector<1x64x512xf32>
    %get3A_3 = vector.shape_cast %get3A_2 : vector<1x64x512xf32> to vector<64x512xf32>
    %get3A_4 = arith.constant 0 : index
    %get3A_5 = arith.constant 0 : index
    %get3A_6 = arith.constant 0 : index
    %get3A_7 = vector.load %arg3[%get3A_4, %get3A_5, %get3A_6] : memref<1x1x512xf32, #tpu.memory_space<vmem>>, vector<1x1x512xf32>
    %get3A_8 = vector.shape_cast %get3A_7 : vector<1x1x512xf32> to vector<1x512xf32>
    %mul3A = vector.broadcast %get3A_8 : vector<1x512xf32> to vector<64x512xf32>
    %mul3A_9 = arith.mulf %get3A_3, %mul3A : vector<64x512xf32>
    %slice3A = vector.extract_strided_slice %mul3A_9 {offsets = [0, 0], sizes = [64, 256], strides = [1, 1]} : vector<64x512xf32> to vector<64x256xf32>
    %transpose3A = tpu.transpose %slice3A, [1, 0] : vector<64x256xf32> -> vector<256x64xf32>
    %slice3A_10 = vector.extract_strided_slice %mul3A_9 {offsets = [0, 256], sizes = [64, 256], strides = [1, 1]} : vector<64x512xf32> to vector<64x256xf32>
    %transpose3A_11 = tpu.transpose %slice3A_10, [1, 0] : vector<64x256xf32> -> vector<256x64xf32>
    %concatenate3A = tpu.concatenate %transpose3A, %transpose3A_11 in 1 : vector<256x64xf32>, vector<256x64xf32> -> vector<256x128xf32>
    %swap3A = arith.constant 0 : index
    %swap3A_12 = arith.constant 0 : index
    %swap3A_13 = arith.constant 0 : index
    %swap3A_14 = vector.load %arg4[%swap3A, %swap3A_12, %swap3A_13] : memref<1x256x128xf32, #tpu.memory_space<vmem>>, vector<1x256x128xf32>
    %swap3A_15 = vector.shape_cast %swap3A_14 : vector<1x256x128xf32> to vector<256x128xf32>
    %swap3A_16 = vector.shape_cast %concatenate3A : vector<256x128xf32> to vector<1x256x128xf32>
    tpu.vector_store %arg4[%swap3A, %swap3A_12, %swap3A_13], %swap3A_16 {strides = array<i32>} : memref<1x256x128xf32, #tpu.memory_space<vmem>>, vector<1x256x128xf32>,
    return
  }
  func.func @transform_0(%arg0: i32, %arg1: i32) -> (i32, i32, i32) {
    %c0_i32 = arith.constant 0 : i32
    %c0_i32_0 = arith.constant 0 : i32
    return %arg0, %c0_i32, %arg1 : i32, i32, i32
  }
  func.func @transform_1(%arg0: i32, %arg1: i32) -> (i32, i32, i32) {
    %mul3A = arith.constant 128 : i32
    %mul3A_0 = arith.muli %arg0, %mul3A : i32
    %add3A = arith.addi %mul3A_0, %arg1 : i32
    %c0_i32 = arith.constant 0 : i32
    %c0_i32_1 = arith.constant 0 : i32
    %c0_i32_2 = arith.constant 0 : i32
    return %add3A, %c0_i32, %c0_i32_1 : i32, i32, i32
  }
  func.func @transform_2(%arg0: i32, %arg1: i32) -> (i32, i32, i32) {
    %c0_i32 = arith.constant 0 : i32
    %c0_i32_0 = arith.constant 0 : i32
    return %arg0, %arg1, %c0_i32 : i32, i32, i32
  }
}

module attributes {stable_mosaic.version = 14 : i64} {
  func.func @_stage_c_body(%arg0: i32, %arg1: i32, %arg2: memref<1x256x128xf32, #tpu.memory_space<vmem>>, %arg3: memref<1x1x512xf32, #tpu.memory_space<vmem>>, %arg4: memref<1x64x512xf32, #tpu.memory_space<vmem>>) attributes {dimension_semantics = [#tpu.dimension_semantics<arbitrary>, #tpu.dimension_semantics<arbitrary>], iteration_bounds = array<i64: 4, 128>, scalar_prefetch = 0 : i64, scratch_operands = 0 : i64, tpu.core_type = #tpu.core_type<tc>, window_params = [{transform_indices = @transform_0, window_bounds = array<i64: 1, 256, 128>}, {transform_indices = @transform_1, window_bounds = array<i64: 1, 1, 512>}, {transform_indices = @transform_2, window_bounds = array<i64: 1, 64, 512>}]} {
    %get3A = arith.constant 0 : index
    %get3A_0 = arith.constant 0 : index
    %get3A_1 = arith.constant 0 : index
    %get3A_2 = vector.load %arg2[%get3A, %get3A_0, %get3A_1] : memref<1x256x128xf32, #tpu.memory_space<vmem>>, vector<1x256x128xf32>
    %get3A_3 = vector.shape_cast %get3A_2 : vector<1x256x128xf32> to vector<256x128xf32>
    %get3A_4 = arith.constant 0 : index
    %get3A_5 = arith.constant 0 : index
    %get3A_6 = arith.constant 0 : index
    %get3A_7 = vector.load %arg3[%get3A_4, %get3A_5, %get3A_6] : memref<1x1x512xf32, #tpu.memory_space<vmem>>, vector<1x1x512xf32>
    %get3A_8 = vector.shape_cast %get3A_7 : vector<1x1x512xf32> to vector<1x512xf32>
    %slice3A = vector.extract_strided_slice %get3A_8 {offsets = [0, 0], sizes = [1, 256], strides = [1, 1]} : vector<1x512xf32> to vector<1x256xf32>
    %transpose3A = tpu.transpose %slice3A, [1, 0] : vector<1x256xf32> -> vector<256x1xf32>
    %broadcast_in_dim3A = vector.shape_cast %transpose3A : vector<256x1xf32> to vector<256x1xf32>
    %broadcast_in_dim3A_9 = vector.broadcast %broadcast_in_dim3A : vector<256x1xf32> to vector<256x64xf32>
    %slice3A_10 = vector.extract_strided_slice %get3A_8 {offsets = [0, 256], sizes = [1, 256], strides = [1, 1]} : vector<1x512xf32> to vector<1x256xf32>
    %transpose3A_11 = tpu.transpose %slice3A_10, [1, 0] : vector<1x256xf32> -> vector<256x1xf32>
    %broadcast_in_dim3A_12 = vector.shape_cast %transpose3A_11 : vector<256x1xf32> to vector<256x1xf32>
    %broadcast_in_dim3A_13 = vector.broadcast %broadcast_in_dim3A_12 : vector<256x1xf32> to vector<256x64xf32>
    %concatenate3A = tpu.concatenate %broadcast_in_dim3A_9, %broadcast_in_dim3A_13 in 1 : vector<256x64xf32>, vector<256x64xf32> -> vector<256x128xf32>
    %add3A = arith.constant 9.99999993E-9 : f32
    %add3A_14 = vector.broadcast %add3A : f32 to vector<256x128xf32>
    %add3A_15 = arith.addf %concatenate3A, %add3A_14 : vector<256x128xf32>
    %div3A = arith.divf %get3A_3, %add3A_15 : vector<256x128xf32>
    %slice3A_16 = vector.extract_strided_slice %div3A {offsets = [0, 0], sizes = [256, 64], strides = [1, 1]} : vector<256x128xf32> to vector<256x64xf32>
    %transpose3A_17 = tpu.transpose %slice3A_16, [1, 0] : vector<256x64xf32> -> vector<64x256xf32>
    %slice3A_18 = vector.extract_strided_slice %div3A {offsets = [0, 64], sizes = [256, 64], strides = [1, 1]} : vector<256x128xf32> to vector<256x64xf32>
    %transpose3A_19 = tpu.transpose %slice3A_18, [1, 0] : vector<256x64xf32> -> vector<64x256xf32>
    %concatenate3A_20 = tpu.concatenate %transpose3A_17, %transpose3A_19 in 1 : vector<64x256xf32>, vector<64x256xf32> -> vector<64x512xf32>
    %swap3A = arith.constant 0 : index
    %swap3A_21 = arith.constant 0 : index
    %swap3A_22 = arith.constant 0 : index
    %swap3A_23 = vector.load %arg4[%swap3A, %swap3A_21, %swap3A_22] : memref<1x64x512xf32, #tpu.memory_space<vmem>>, vector<1x64x512xf32>
    %swap3A_24 = vector.shape_cast %swap3A_23 : vector<1x64x512xf32> to vector<64x512xf32>
    %swap3A_25 = vector.shape_cast %concatenate3A_20 : vector<64x512xf32> to vector<1x64x512xf32>
    tpu.vector_store %arg4[%swap3A, %swap3A_21, %swap3A_22], %swap3A_25 {strides = array<i32>} : memref<1x64x512xf32, #tpu.memory_space<vmem>>, vector<1x64x512xf32>,
    return
  }
  func.func @transform_0(%arg0: i32, %arg1: i32) -> (i32, i32, i32) {
    %c0_i32 = arith.constant 0 : i32
    %c0_i32_0 = arith.constant 0 : i32
    return %arg0, %arg1, %c0_i32 : i32, i32, i32
  }
  func.func @transform_1(%arg0: i32, %arg1: i32) -> (i32, i32, i32) {
    %mul3A = arith.constant 128 : i32
    %mul3A_0 = arith.muli %arg0, %mul3A : i32
    %add3A = arith.addi %mul3A_0, %arg1 : i32
    %c0_i32 = arith.constant 0 : i32
    %c0_i32_1 = arith.constant 0 : i32
    %c0_i32_2 = arith.constant 0 : i32
    return %add3A, %c0_i32, %c0_i32_1 : i32, i32, i32
  }
  func.func @transform_2(%arg0: i32, %arg1: i32) -> (i32, i32, i32) {
    %c0_i32 = arith.constant 0 : i32
    %c0_i32_0 = arith.constant 0 : i32
    return %arg0, %c0_i32, %arg1 : i32, i32, i32
  }
}

</mosaic_0001>

<sc_bundles>
// kernel: kernel.6.cloned.1.call-start
scs
__scs_entry_jumppad:
0x0: {  	(pc) =	sbr.rel $0x88, $3  }
0x1: {  	(tag) =	ssettag $0x0;
	lr =	simm.s32 $0x1  }
0x2: {  	[smem:$0x3F9A] =	sst lr;
	_ =	strace $0xD0000000  }
0x3: {  	_ = 	snop  }
0x4: {  	_ = 	snop  }
0x5: {  	_ = 	snop  }
0x6: {  	_ = 	snop  }
0x7: {  	_ = 	snop  }
__scs_overlays_trampoline_lowered:
0x8: {  	[smem:$0x3FA9] =	sst s0  }
0x9: {  	[smem:$0x3FAA] =	sst s1  }
0xa: {  	[smem:$0x3FAB] =	sst s2  }
0xb: {  	[smem:$0x3FAC] =	sst s3  }
0xc: {  	[smem:$0x3FAD] =	sst s4  }
0xd: {  	[smem:$0x3FAE] =	sst s5  }
0xe: {  	[smem:$0x3FAF] =	sst s6  }
0xf: {  	[smem:$0x3FB0] =	sst s7  }
0x10: {  	[smem:$0x3FB1] =	sst s8  }
0x11: {  	[smem:$0x3FB2] =	sst s9;
	s0 =	simm.s32 @!p0 $0x0  }
0x12: {  	s1 =	sld [smem:$0x3F98];
	s0 =	simm.s32 @p0 $0x1  }
0x13: {  	[smem:$0x3FB3] =	sst s0;
	s0 =	simm.s32 @!p1 $0x0  }
0x14: {  	s2 =	sld [smem:$0x3F97];
	s0 =	simm.s32 @p1 $0x1  }
0x15: {  	[smem:$0x3FB4] =	sst s0;
	s0 =	simm.s32 @!p2 $0x0  }
0x16: {  	s3 =	sld [smem:$0x3FDB];
	s0 =	simm.s32 @p2 $0x1  }
0x17: {  	s4 =	simm.s32 $0x1BF5;
	[smem:$0x3FB6] =	sst s0  }
0x18: {  	s0 =	sld [smem:$0x3F99];
	_ =	swait.ge [sflag:s4], $0x0  }
0x19: {  	s7 =	sld [smem:$0x3F9A]  }
0x1a: {  	s8 =	sadd.s32 $0xFFFFE003, lr  }
0x1b: {  	s9 =	sadd.s32 $0xFFFFFEF7, lr;
	s5 =	simm.s32 $0xFFFFFFFF;
	p2 =	slt.u32 s8, $0xFFFFF086  }
0x1c: {  	p1 =	slt.u32 s9, $0xF7A;
	s5 =	simm.s32 @!p2 $0x0  }
0x1d: {  	s5 =	simm.s32 @p1 $0x1;
	p0 =	seq.s32 s7, s2  }
0x1e: {  	s7 =	smul.u32 @!p0 $0xF7A, s2;
	p2 =	seq.s32 @!p0 s5, $0x0  }
0x1f: {  	s9 =	smul.u32 $0xF7A, s1;
	s8 =	simm.s32 @!p0 $0x1BF5;
	p2 =	por !p2, p0  }
0x20: {  	[sflag:s8] =	ssyncset.s32 @!p0 $0xFFFFF086;
	s6 =	sadd.s32 @!p0 s3, s7;
	s7 =	simm.s32 @!p0 $0x108  }
0x21: {  	s3 =	sadd.s32 s3, s9;
	s6 =	sadd.s32 @!p0 $0x88, s6;
	s7 =	simm.s32 @p2 $0x1082  }
0x22: {  	[simem:s7], [sflag:s8] =	dma.local @!p0 [hbm:s6], $0xF7A  }
0x23: {  	s9 =	sor.u32 $0xD0000000, s2;
	s6 =	simm.s32 $0x108;
	_ =	swait.ge @!p0 [sflag:s8], $0x0  }
0x24: {  	s3 =	sadd.s32 $0x88, s3;
	s6 =	simm.s32 @!p1 $0x1082;
	[sflag:s4] =	ssyncset.s32 $0xFFFFF086  }
0x25: {  	[simem:s6], [sflag:s4] =	dma.local [hbm:s3], $0xF7A  }
0x26: {  	[smem:$0x3F9A] =	sst s1;
	(tag) =	ssettag s2;
	_ =	strace s9  }
0x27: {  	s1 =	sld [smem:$0x3FAA]  }
0x28: {  	s2 =	sld [smem:$0x3FAB]  }
0x29: {  	s4 =	sld [smem:$0x3FAD]  }
0x2a: {  	p0 =	seq.s32 s5, $0x0;
	s5 =	sld [smem:$0x3FAE]  }
0x2b: {  	s6 =	sld [smem:$0x3FAF]  }
0x2c: {  	s7 =	sld [smem:$0x3FB0]  }
0x2d: {  	s3 =	simm.s32 $0x108;
	s8 =	sld [smem:$0x3FB1]  }
0x2e: {  	s3 =	simm.s32 @!p0 $0x1082;
	s9 =	sld [smem:$0x3FB2]  }
0x2f: {  	lr =	sadd.s32 s0, s3;
	s0 =	sld [smem:$0x3FA9]  }
0x30: {  	s3 =	sld [smem:$0x3FAC]  }
0x31: {  	[smem:$0x3FB5] =	sst s10  }
0x32: {  	s10 =	sld [smem:$0x3FB3];
	_ =	sdelay $0x3  }
0x33: {  	p0 =	seq.s32 s10, $0x1;
	s10 =	sld [smem:$0x3FB5];
	_ =	sdelay $0x3  }
0x34: {  	[smem:$0x3FB5] =	sst s10  }
0x35: {  	s10 =	sld [smem:$0x3FB4];
	_ =	sdelay $0x3  }
0x36: {  	p1 =	seq.s32 s10, $0x1;
	s10 =	sld [smem:$0x3FB5];
	_ =	sdelay $0x3  }
0x37: {  	[smem:$0x3FB5] =	sst s10  }
0x38: {  	s10 =	sld [smem:$0x3FB6]  }
0x39: {  	_ = 	snop;
	(pc) =	sbr.ind lr, $3  }
0x3a: {  	_ = 	snop  }
0x3b: {  	_ = 	snop  }
0x3c: {  	p2 =	seq.s32 s10, $0x1;
	s10 =	sld [smem:$0x3FB5]  }
0x3d: {  	_ =	shalt  }
0x3e: {  	_ =	shalt  }
0x3f: {  	_ =	shalt  }
0x40: {  	_ =	shalt  }
0x41: {  	_ =	shalt  }
0x42: {  	_ =	shalt  }
0x43: {  	_ =	shalt  }
0x44: {  	_ =	shalt  }
0x45: {  	_ =	shalt  }
0x46: {  	_ =	shalt  }
0x47: {  	_ =	shalt  }
0x48: {  	_ =	shalt  }
0x49: {  	_ =	shalt  }
0x4a: {  	_ =	shalt  }
0x4b: {  	_ =	shalt  }
0x4c: {  	_ =	shalt  }
0x4d: {  	_ =	shalt  }
0x4e: {  	_ =	shalt  }
0x4f: {  	_ =	shalt  }
0x50: {  	_ =	shalt  }
0x51: {  	_ =	shalt  }
0x52: {  	_ =	shalt  }
0x53: {  	_ =	shalt  }
0x54: {  	_ =	shalt  }
0x55: {  	_ =	shalt  }
0x56: {  	_ =	shalt  }
0x57: {  	_ =	shalt  }
0x58: {  	_ =	shalt  }
0x59: {  	_ =	shalt  }
0x5a: {  	_ =	shalt  }
0x5b: {  	_ =	shalt  }
0x5c: {  	_ =	shalt  }
0x5d: {  	_ =	shalt  }
0x5e: {  	_ =	shalt  }
0x5f: {  	_ =	shalt  }
0x60: {  	_ =	shalt  }
0x61: {  	_ =	shalt  }
0x62: {  	_ =	shalt  }
0x63: {  	_ =	shalt  }
0x64: {  	_ =	shalt  }
0x65: {  	_ =	shalt  }
0x66: {  	_ =	shalt  }
0x67: {  	_ =	shalt  }
0x68: {  	_ =	shalt  }
0x69: {  	_ =	shalt  }
0x6a: {  	_ =	shalt  }
0x6b: {  	_ =	shalt  }
0x6c: {  	_ =	shalt  }
0x6d: {  	_ =	shalt  }
0x6e: {  	_ =	shalt  }
0x6f: {  	_ =	shalt  }
0x70: {  	_ =	shalt  }
0x71: {  	_ =	shalt  }
0x72: {  	_ =	shalt  }
0x73: {  	_ =	shalt  }
0x74: {  	_ =	shalt  }
0x75: {  	_ =	shalt  }
0x76: {  	_ =	shalt  }
0x77: {  	_ =	shalt  }
0x78: {  	_ =	shalt  }
0x79: {  	_ =	shalt  }
0x7a: {  	_ =	shalt  }
0x7b: {  	_ =	shalt  }
0x7c: {  	_ =	shalt  }
0x7d: {  	_ =	shalt  }
0x7e: {  	_ =	shalt  }
0x7f: {  	_ =	shalt  }
0x80: {  	_ =	shalt  }
0x81: {  	_ =	shalt  }
0x82: {  	_ =	shalt  }
0x83: {  	_ =	shalt  }
0x84: {  	_ =	shalt  }
0x85: {  	_ =	shalt  }
0x86: {  	_ =	shalt  }
0x87: {  	_ =	shalt  }
.Lfunc_end0:
.L_simem_size_0:
called_computation.1_lowered:
.L_overlay_start_0:
0x88: {  	s2 =	sld [smem:$0x3FD9]  }
0x89: {  	s3 =	sld [smem:$0x3FFE];
	_ =	sdelay $0x1  }
0x8a: {  	s1 =	srdreg.scid  }
0x8b: {  	s0 =	sand.u32 $0x1, s1  }
0x8c: {  	s17 =	sshll.u32 s0, $0xA;
	s2 =	sadd.s32 s3, s2  }
0x8d: {  	s2 =	sadd.s32 s2, s17  }
0x8e: {  	[smem:$0x3FC1] =	sst s2  }
0x8f: {  	_ = 	snop  }
0x90: {  	s2 =	sld [smem:$0x3FD0];
	(tm) =	ssettm $0x1  }
0x91: {  	s18 =	sld [smem:$0x3FFB];
	_ =	sdelay $0x3  }
0x92: {  	_ =	strace s18  }
0x93: {  	s3 =	sld [smem:$0x3FFC];
	_ =	sdelay $0x3  }
0x94: {  	_ =	strace s3  }
0x95: {  	s3 =	sld [smem:$0x3FFD];
	_ =	sdelay $0x3  }
0x96: {  	_ =	strace s3  }
0x97: {  	_ =	strace $0x8FFFFFFF  }
0x98: {  	s19 =	sld [smem:$0x3FDB];
	_ =	sdelay $0x1  }
0x99: {  	s4 =	simm.s32 $_scs_section_size  }
0x9a: {  	s5 =	simm.s32 $_size__tile_overlayer_lowered;
	s6 =	simm.s32 $_tile_overlayer_lowered  }
0x9b: {  	s22 =	simm.s32 $0x1BFF;
	s21 =	sshll.u32 s6, $0x1;
	s3 =	sadd.s32 s4, s19  }
0x9c: {  	s7 =	simm.s32 $0x0;
	s20 =	sshll.u32 s5, $0x1;
	s5 =	sadd.s32 s21, s3  }
0x9d: {  	[timem:s7], [sflag:s22] =	dma.local [hbm:s5], s20  }
0x9e: {  	_ =	swait.ge [sflag:s22], s20  }
0x9f: {  	s4 =	ssub.s32 $0x0, s20;
	[sflag:s22] =	ssyncset.done $0x0  }
0xa0: {  	[sflag:s22] =	ssyncadd.s32 s4;
	_ =	sdelay $0x1  }
0xa1: {  	s23 =	simm.s32 $0x1B8B  }
0xa2: {  	_ =	swait.ge [sflag:s23], $0x1  }
0xa3: {  	[sflag:s23] =	ssyncset.done $0x0  }
0xa4: {  	s25 =	simm.s32 $0x1B8E;
	s24 =	sld [smem:$0x3FFE];
	[sflag:s23] =	ssyncadd.s32 $0xFFFFFFFF  }
0xa5: {  	s26 =	simm.s32 $execute0_lowered;
	[smem:$0x3FD2] =	sst s25  }
0xa6: {  	s5 =	sshll.u32 s26, $0x1;
	_ =	strace $0x80000046;
	[dreg:$0x1] =	wrdreg $0xFFFFFFFF  }
0xa7: {  	s28 =	simm.s32 $_size_execute0_lowered;
	s3 =	sadd.s32 s3, s5;
	[dreg:$0x0] =	wrdreg $0x0  }
0xa8: {  	s5 =	sshll.u32 s28, $0x1;
	[dreg:$0x2] =	wrdreg s3  }
0xa9: {  	[dreg:$0x3] =	wrdreg s5  }
0xaa: {  	[dreg:$0x4] =	wrdreg $0xC0  }
0xab: {  	_ =	task [dreg:s7], $0x5FFFF  }
0xac: {  	[dreg:$0x1] =	wrdreg $0xFFFFFFFF  }
0xad: {  	[dreg:$0x0] =	wrdreg $0x60  }
0xae: {  	[dreg:$0x2] =	wrdreg s24  }
0xaf: {  	[dreg:$0x3] =	wrdreg s2  }
0xb0: {  	[dreg:$0x4] =	wrdreg $0xD0000  }
0xb1: {  	[dreg:$0x5] =	wrdreg $0x150000  }
0xb2: {  	[dreg:$0x6] =	wrdreg $0x9  }
0xb3: {  	_ =	task.clear_ibuf [dreg:s7], $0x7FFFF;
	_ =	strace $0x90000046  }
0xb4: {  	s29 =	simm.s32 $0x9;
	_ =	strace $0x80000048  }
0xb5: {  	_ =	swait.ge [sflag:s29], $0x1  }
0xb6: {  	[sflag:s29] =	ssyncadd.s32 $0xFFFFFFFF  }
0xb7: {  	_ =	strace $0x90000048  }
0xb8: {  	_ =	sfence  }
0xb9: {  	s30 =	sld [smem:$0x0];
	_ =	sdelay $0x2  }
0xba: {  	s31 =	sshll.u32 s1, $0xD;
	s1 =	sshrl.u32 s1, $0x2  }
0xbb: {  	s3 =	sand.u32 $0x4000, s31;
	s1 =	sadd.s32 s1, s30  }
0xbc: {  	s0 =	sor.u32 s3, s0;
	s1 =	sshll.u32 s1, $0x11  }
0xbd: {  	s0 =	sor.u32 s1, s0  }
0xbe: {  	s0 =	sadd.s32 $0x8F2B, s0  }
0xbf: {  	[sflag:s0] =	ssyncadd.remote.s32 $0x1  }
0xc0: {  	_ =	sfence.sel $0xFFFF  }
0xc1: {  	[dreg:$0x0] =	wrdreg $0xFFFFFFFF;
	(pc) =	sbr.abs _section_cstart, $3  }
0xc2: {  	[dreg:$0x1] =	wrdreg $0xFFFFFFFF  }
0xc3: {  	_ =	task.clear_ibuf [dreg:s7], $0x2FFFF;
	_ =	strace $0x9FFFFFFF  }
0xc4: {  	(tm) =	ssettm $0x7FFFFFFF  }
0xc5: {  	_ =	shalt  }
tec
execute0_lowered:
.L_overlay_start_1:
0x0: {  	(tag) =	ssettag $0x1  }
0x1: {  	s2 =	rddreg [dreg:$0x0]  }
0x2: {  	s23 =	rddreg [dreg:$0x1]  }
0x3: {  	s3 =	rddreg [dreg:$0x2]  }
0x4: {  	s7 =	rddreg [dreg:$0x3];
	s9 =	simm.s32 $0x0;
	s6 =	stileid.u32  }
0x5: {  	[smem:$0x7FF] =	sst s9;
	s26 =	sshll.u32 s6, $0x12  }
0x6: {  	s1 =	simm.s32 $0x1400;
	_ =	strace $0x80000047;
	[dreg:$0x6] =	wrdreg s26  }
0x7: {  	s8 =	simm.s32 $0x1C00;
	[dreg:$0x8] =	wrdreg s1  }
0x8: {  	s11 =	simm.s32 $0x2000;
	[dreg:$0xa] =	wrdreg s8  }
0x9: {  	s12 =	simm.s32 $0x2400;
	[dreg:$0xb] =	wrdreg s11  }
0xa: {  	s13 =	simm.s32 $0x2800;
	[dreg:$0xc] =	wrdreg s12  }
0xb: {  	s14 =	simm.s32 $0x2C00;
	[dreg:$0xd] =	wrdreg s13  }
0xc: {  	s15 =	simm.s32 $0x3000;
	[dreg:$0xe] =	wrdreg s14  }
0xd: {  	s16 =	simm.s32 $0x3400;
	[dreg:$0xf] =	wrdreg s15  }
0xe: {  	s18 =	sadd.s32 $0x211E00, s2;
	[dreg:$0x10] =	wrdreg s16  }
0xf: {  	s17 =	simm.s32 $0x3800;
	[smem:$0x7DF] =	sst s18  }
0x10: {  	s20 =	sadd.s32 $0x211C00, s2;
	[dreg:$0x11] =	wrdreg s17  }
0x11: {  	s19 =	simm.s32 $0x3C00;
	[smem:$0x7E0] =	sst s20  }
0x12: {  	s21 =	simm.s32 $0x4000;
	[dreg:$0x12] =	wrdreg s19  }
0x13: {  	s22 =	simm.s32 $0x4400;
	s25 =	simm.s32 $0x4800;
	[dreg:$0x13] =	wrdreg s21  }
0x14: {  	s10 =	sadd.s32 $0x9C00, s2;
	s0 =	sshll.u32 s6, $0x9;
	[dreg:$0x14] =	wrdreg s22  }
0x15: {  	s5 =	sadd.s32 s10, s0;
	[dreg:$0x15] =	wrdreg s25  }
0x16: {  	s1 =	simm.s32 $0x4C00;
	[dreg:$0x5] =	wrdreg s5  }
0x17: {  	s8 =	simm.s32 $0x5400;
	[dreg:$0x16] =	wrdreg s1  }
0x18: {  	s11 =	simm.s32 $0x5800;
	[dreg:$0x17] =	wrdreg s8  }
0x19: {  	s15 =	simm.s32 $0x5C00;
	[dreg:$0x18] =	wrdreg s11  }
0x1a: {  	s17 =	simm.s32 $0x6000;
	[dreg:$0x19] =	wrdreg s15  }
0x1b: {  	s19 =	simm.s32 $0x6400;
	[dreg:$0x1a] =	wrdreg s17  }
0x1c: {  	s21 =	simm.s32 $0x6800;
	[dreg:$0x1b] =	wrdreg s19  }
0x1d: {  	s25 =	simm.s32 $0x7000;
	[dreg:$0x1c] =	wrdreg s21  }
0x1e: {  	s4 =	srdreg.scid;
	s14 =	sadd.s32 $0x212200, s2;
	[dreg:$0x1e] =	wrdreg s25  }
0x1f: {  	s0 =	sand.u32 $0x1, s4;
	s13 =	sadd.s32 $0x11C00, s2;
	[smem:$0x7F6] =	sst s14  }
0x20: {  	s28 =	sshll.u32 s0, $0x5;
	[smem:$0x7FD] =	sst s13  }
0x21: {  	s5 =	simm.s32 $0x1800;
	[dreg:$0x7] =	wrdreg s28  }
0x22: {  	s12 =	sshll.u32 s6, $0xF;
	s8 =	simm.s32 $0x7C00;
	[dreg:$0x9] =	wrdreg s5  }
0x23: {  	s16 =	sadd.s32 s12, s3;
	s12 =	simm.s32 $0x8000;
	[smem:$0x7E3] =	sst s8  }
0x24: {  	s17 =	simm.s32 $0x8400;
	[smem:$0x7E4] =	sst s12  }
0x25: {  	s21 =	simm.s32 $0x8800;
	[smem:$0x7E5] =	sst s17  }
0x26: {  	s30 =	simm.s32 $0x8;
	s1 =	sshll.u32 s6, $0xC;
	[smem:$0x7E6] =	sst s21  }
0x27: {  	s29 =	simm.s32 $0x2;
	s15 =	sshll.u32 s0, $0x11;
	[smem:$0x7F7] =	sst s1  }
0x28: {  	s31 =	simm.s32 $0x200;
	s5 =	simm.s32 $0x7800;
	[smem:$0x7FC] =	sst s15  }
0x29: {  	s24 =	ssub.s32 $0x2, s0;
	s28 =	sadd.s32 $0x1C00, s2;
	[smem:$0x7E2] =	sst s5  }
0x2a: {  	s26 =	sshrl.u32 s24, $0x1;
	s18 =	sadd.s32 $0x2000, s16;
	[smem:$0x7F5] =	sst s28  }
0x2b: {  	s20 =	sadd.s32 $0x4000, s16;
	s22 =	sadd.s32 $0x6000, s16;
	[smem:$0x7F8] =	sst s18  }
0x2c: {  	s7 =	sadd.s32 s1, s7;
	s6 =	sadd.s32 $0x800, s16;
	[smem:$0x7F9] =	sst s20  }
0x2d: {  	s11 =	sadd.s32 $0x1000, s16;
	s19 =	sadd.s32 $0x2800, s16;
	[smem:$0x7FA] =	sst s22  }
0x2e: {  	s4 =	ssub.s32 s24, s26;
	s24 =	simm.s32 $0x6C00;
	[smem:$0x7FB] =	sst s7  }
0x2f: {  	s8 =	sadd.s32 $0x3000, s16;
	s26 =	simm.s32 $0x7400;
	[dreg:$0x1d] =	wrdreg s24  }
0x30: {  	s25 =	sadd.s32 $0x3800, s16;
	s2 =	sshrl.u32 s6, $0x3;
	[dreg:$0x1f] =	wrdreg s26  }
0x31: {  	s17 =	sadd.s32 $0x5800, s16;
	s6 =	sshrl.u32 s19, $0x3;
	[smem:$0x7E8] =	sst s2  }
0x32: {  	s12 =	sadd.s32 $0x7800, s16;
	s8 =	sshrl.u32 s8, $0x3;
	[smem:$0x7EB] =	sst s6  }
0x33: {  	s21 =	simm.s32 $0x3;
	s0 =	sshrl.u32 s25, $0x3;
	[smem:$0x7EC] =	sst s8  }
0x34: {  	s5 =	sadd.s32 $0x1800, s16;
	s17 =	sshrl.u32 s17, $0x3;
	[smem:$0x7ED] =	sst s0  }
0x35: {  	s19 =	sadd.s32 $0x6800, s16;
	s4 =	smax.u32 s4, $0x1;
	[smem:$0x7F0] =	sst s17  }
0x36: {  	s25 =	simm.s32 $0xA000;
	s24 =	simm.s32 $0x8C00;
	[smem:$0x7E1] =	sst s4  }
0x37: {  	s26 =	sadd.s32 $0x4800, s16;
	s5 =	sshrl.u32 s5, $0x3;
	[smem:$0x7E7] =	sst s24  }
0x38: {  	s19 =	sshrl.u32 s19, $0x3;
	s0 =	sshrl.u32 s12, $0x3;
	[smem:$0x7EA] =	sst s5  }
0x39: {  	s12 =	simm.s32 $0x5000;
	s17 =	simm.s32 $0x10;
	[smem:$0x7F1] =	sst s19  }
0x3a: {  	s4 =	sshrl.u32 s11, $0x3;
	s11 =	sadd.s32 $0x5000, s16;
	[smem:$0x7F3] =	sst s0  }
0x3b: {  	s24 =	sadd.s32 $0x7000, s16;
	s2 =	sshrl.u32 s26, $0x3;
	[smem:$0x7E9] =	sst s4  }
0x3c: {  	s26 =	simm.s32 $0xC000;
	[smem:$0x7EE] =	sst s2;
	s4 =	sshrl.u32 s11, $0x3  }
0x3d: {  	s19 =	simm.s32 $0x1000;
	s24 =	sshrl.u32 s24, $0x3;
	[smem:$0x7EF] =	sst s4  }
0x3e: {  	s11 =	smov.u32 s10;
	s10 =	simm.s32 $0x1;
	[smem:$0x7F2] =	sst s24  }
0x3f: {  	s2 =	simm.s32 $0x0;
	s24 =	simm.s32 $0x80;
	[smem:$0x7F4] =	sst s11  }
.LBB2_1:
0x40: {  	s0 =	sld [smem:$0x7DF];
	_ =	sdelay $0x1  }
0x41: {  	[smem:$0x7D9] =	sst s2  }
0x42: {  	[tilespmem:s25], [sflag:$0x3] =	stream.linear.gather [hbm4b:s0+s9], $0x2000, $0x38;
	[tilespmem:$0x16000] =	vst v63  }
0x43: {  	_ =	swait.ge [sflag:s21], $0x2000  }
0x44: {  	s7 =	sld [smem:$0x7E0]  }
0x45: {  	[sflag:s21] =	ssyncset.done $0x0  }
0x46: {  	[sflag:s21] =	ssyncadd.s32 $0xFFFFE000  }
0x47: {  	[tilespmem:s26], [sflag:$0x3] =	stream.linear.gather [hbm4b:s7+s9], $0x1000, $0x38;
	[tilespmem:$0x16000] =	vst v63  }
0x48: {  	_ =	swait.ge [sflag:s21], $0x1000  }
0x49: {  	[sflag:s21] =	ssyncset.done $0x0  }
0x4a: {  	[sflag:s21] =	ssyncadd.s32 $0xFFFFF000  }
0x4b: {  	[spmem:s16] =	stream.linear.scatter [tilespmem:s25], [sflag:$0x3], $0x2000, $0x38;
	[tilespmem:$0x16000] =	vst v63  }
0x4c: {  	_ =	swait.ge [sflag:s21], $0x2000  }
0x4d: {  	[sflag:s21] =	ssyncset.done $0x0  }
0x4e: {  	[sflag:s21] =	ssyncadd.s32 $0xFFFFE000  }
0x4f: {  	[spmem:s18] =	stream.linear.scatter [tilespmem:s25], [sflag:$0x3], $0x2000, $0x38;
	[tilespmem:$0x16000] =	vst v63  }
0x50: {  	_ =	swait.ge [sflag:s21], $0x2000  }
0x51: {  	[sflag:s21] =	ssyncset.done $0x0  }
0x52: {  	[sflag:s21] =	ssyncadd.s32 $0xFFFFE000  }
0x53: {  	[spmem:s20] =	stream.linear.scatter [tilespmem:s25], [sflag:$0x3], $0x2000, $0x38;
	[tilespmem:$0x16000] =	vst v63  }
0x54: {  	_ =	swait.ge [sflag:s21], $0x2000  }
0x55: {  	[sflag:s21] =	ssyncset.done $0x0  }
0x56: {  	[sflag:s21] =	ssyncadd.s32 $0xFFFFE000  }
0x57: {  	[spmem:s22] =	stream.linear.scatter [tilespmem:s25], [sflag:$0x3], $0x2000, $0x38;
	[tilespmem:$0x16000] =	vst v63  }
0x58: {  	_ =	swait.ge [sflag:s21], $0x2000  }
0x59: {  	[sflag:s21] =	ssyncset.done $0x0  }
0x5a: {  	[sflag:s21] =	ssyncadd.s32 $0xFFFFE000  }
0x5b: {  	[bflag:$0x0] =	sbarrier.arrive $0xFFFF  }
0x5c: {  	s8 =	rddreg [dreg:$0x5]  }
0x5d: {  	s0 =	sadd.s32 $0x0, s8  }
0x5e: {  	[tilespmem:s9], [sflag:$0x3] =	stream.linear.gather [hbm4b:s0+s9], $0x1000, $0x38;
	[tilespmem:$0x16000] =	vst v63  }
0x5f: {  	_ =	swait.ge [sflag:s21], $0x1000  }
0x60: {  	s11 =	rddreg [dreg:$0x7]  }
0x61: {  	s4 =	sand.u32 $0x18, s9;
	s5 =	simm.s32 $0x0;
	s14 =	rddreg [dreg:$0x6]  }
0x62: {  	s4 =	sor.u32 s11, s4;
	s5 =	sor.u32 s14, s5  }
0x63: {  	s2 =	sor.u32 $0x40, s4;
	s0 =	sor.u32 s4, s5  }
0x64: {  	[sflag:s21] =	ssyncset.done $0x0;
	s8 =	sor.u32 s5, s2;
	s6 =	sshrl.u32 s0, $0x3  }
0x65: {  	[sflag:s21] =	ssyncadd.s32 $0xFFFFF000;
	s0 =	sshrl.u32 s8, $0x3;
	s15 =	sadd.s32 s13, s6  }
0x66: {  	[tilespmem:s19], [sflag:$0x2] =	stream.strided.gather [hbm4b:s15+s30], $0x4000, s24, s30, $0x38;
	[tilespmem:$0x16000] =	vst v63  }
0x67: {  	s26 =	sadd.s32 s13, s0  }
0x68: {  	[tilespmem:s12], [sflag:$0x2] =	stream.strided.gather [hbm4b:s26+s30], $0x4000, s24, s30, $0x38;
	[tilespmem:$0x16000] =	vst v63  }
0x69: {  	_ =	swait.ge [sflag:s29], $0x4000  }
0x6a: {  	[sflag:s29] =	ssyncset.done $0x0  }
0x6b: {  	[sflag:s29] =	ssyncadd.s32 $0xFFFFC000  }
0x6c: {  	[spmem:s3] =	stream.indirect.scatter.add.f32 [tilespmem:s19], [sflag:$0x1], $0x8, s9, s24, $0xb8;
	[tilespmem:$0x16000] =	vst v63  }
0x6d: {  	s28 =	rddreg [dreg:$0x8]  }
0x6e: {  	[spmem:s3] =	stream.indirect.scatter.add.f32 [tilespmem:s28], [sflag:$0x1], $0x8, s24, s24, $0xb8;
	[tilespmem:$0x16000] =	vst v63  }
0x6f: {  	s1 =	rddreg [dreg:$0x9]  }
0x70: {  	[spmem:s3] =	stream.indirect.scatter.add.f32 [tilespmem:s1], [sflag:$0x1], $0x8, s31, s24, $0xb8;
	[tilespmem:$0x16000] =	vst v63  }
0x71: {  	s11 =	simm.s32 $0x280;
	s14 =	rddreg [dreg:$0xa]  }
0x72: {  	[spmem:s3] =	stream.indirect.scatter.add.f32 [tilespmem:s14], [sflag:$0x1], $0x8, s11, s24, $0xb8;
	[tilespmem:$0x16000] =	vst v63  }
0x73: {  	s7 =	simm.s32 $0x400;
	s15 =	rddreg [dreg:$0xb]  }
0x74: {  	[spmem:s3] =	stream.indirect.scatter.add.f32 [tilespmem:s15], [sflag:$0x1], $0x8, s7, s24, $0xb8;
	[tilespmem:$0x16000] =	vst v63  }
0x75: {  	s19 =	rddreg [dreg:$0xc];
	s28 =	simm.s32 $0x480  }
0x76: {  	[spmem:s3] =	stream.indirect.scatter.add.f32 [tilespmem:s19], [sflag:$0x1], $0x8, s28, s24, $0xb8;
	[tilespmem:$0x16000] =	vst v63  }
0x77: {  	s26 =	rddreg [dreg:$0xd];
	s1 =	simm.s32 $0x600  }
0x78: {  	[spmem:s3] =	stream.indirect.scatter.add.f32 [tilespmem:s26], [sflag:$0x1], $0x8, s1, s24, $0xb8;
	[tilespmem:$0x16000] =	vst v63  }
0x79: {  	s31 =	rddreg [dreg:$0xe];
	s11 =	simm.s32 $0x680  }
0x7a: {  	[spmem:s3] =	stream.indirect.scatter.add.f32 [tilespmem:s31], [sflag:$0x1], $0x8, s11, s24, $0xb8;
	[tilespmem:$0x16000] =	vst v63  }
0x7b: {  	_ =	swait.ge [sflag:s10], $0x400  }
0x7c: {  	[sflag:s10] =	ssyncset.done $0x0  }
0x7d: {  	[sflag:s10] =	ssyncadd.s32 $0xFFFFFC00  }
0x7e: {  	_ =	swait.ge [sflag:s10], $0x400  }
0x7f: {  	[sflag:s10] =	ssyncset.done $0x0  }
0x80: {  	[sflag:s10] =	ssyncadd.s32 $0xFFFFFC00  }
0x81: {  	_ =	swait.ge [sflag:s10], $0x400  }
0x82: {  	[sflag:s10] =	ssyncset.done $0x0  }
0x83: {  	[sflag:s10] =	ssyncadd.s32 $0xFFFFFC00  }
0x84: {  	_ =	swait.ge [sflag:s10], $0x400  }
0x85: {  	[sflag:s10] =	ssyncset.done $0x0  }
0x86: {  	[sflag:s10] =	ssyncadd.s32 $0xFFFFFC00  }
0x87: {  	_ =	swait.ge [sflag:s10], $0x400  }
0x88: {  	[sflag:s10] =	ssyncset.done $0x0  }
0x89: {  	[sflag:s10] =	ssyncadd.s32 $0xFFFFFC00  }
0x8a: {  	_ =	swait.ge [sflag:s10], $0x400  }
0x8b: {  	[sflag:s10] =	ssyncset.done $0x0  }
0x8c: {  	[sflag:s10] =	ssyncadd.s32 $0xFFFFFC00  }
0x8d: {  	_ =	swait.ge [sflag:s10], $0x400  }
0x8e: {  	[sflag:s10] =	ssyncset.done $0x0  }
0x8f: {  	[sflag:s10] =	ssyncadd.s32 $0xFFFFFC00  }
0x90: {  	_ =	swait.ge [sflag:s10], $0x400  }
0x91: {  	[sflag:s10] =	ssyncset.done $0x0  }
0x92: {  	s19 =	simm.s32 $0x800;
	s14 =	rddreg [dreg:$0xf];
	[sflag:s10] =	ssyncadd.s32 $0xFFFFFC00  }
0x93: {  	[spmem:s3] =	stream.indirect.scatter.add.f32 [tilespmem:s14], [sflag:$0x1], $0x8, s19, s24, $0xb8;
	[tilespmem:$0x16000] =	vst v63  }
0x94: {  	s28 =	simm.s32 $0x880;
	s15 =	rddreg [dreg:$0x10]  }
0x95: {  	[spmem:s3] =	stream.indirect.scatter.add.f32 [tilespmem:s15], [sflag:$0x1], $0x8, s28, s24, $0xb8;
	[tilespmem:$0x16000] =	vst v63  }
0x96: {  	s1 =	simm.s32 $0xA00;
	s26 =	rddreg [dreg:$0x11]  }
0x97: {  	[spmem:s3] =	stream.indirect.scatter.add.f32 [tilespmem:s26], [sflag:$0x1], $0x8, s1, s24, $0xb8;
	[tilespmem:$0x16000] =	vst v63  }
0x98: {  	s31 =	rddreg [dreg:$0x12];
	s14 =	simm.s32 $0xA80  }
0x99: {  	[spmem:s3] =	stream.indirect.scatter.add.f32 [tilespmem:s31], [sflag:$0x1], $0x8, s14, s24, $0xb8;
	[tilespmem:$0x16000] =	vst v63  }
0x9a: {  	s11 =	rddreg [dreg:$0x13];
	s19 =	simm.s32 $0xC00  }
0x9b: {  	[spmem:s3] =	stream.indirect.scatter.add.f32 [tilespmem:s11], [sflag:$0x1], $0x8, s19, s24, $0xb8;
	[tilespmem:$0x16000] =	vst v63  }
0x9c: {  	s15 =	rddreg [dreg:$0x14];
	s28 =	simm.s32 $0xC80  }
0x9d: {  	[spmem:s3] =	stream.indirect.scatter.add.f32 [tilespmem:s15], [sflag:$0x1], $0x8, s28, s24, $0xb8;
	[tilespmem:$0x16000] =	vst v63  }
0x9e: {  	s26 =	rddreg [dreg:$0x15];
	s1 =	simm.s32 $0xE00  }
0x9f: {  	[spmem:s3] =	stream.indirect.scatter.add.f32 [tilespmem:s26], [sflag:$0x1], $0x8, s1, s24, $0xb8;
	[tilespmem:$0x16000] =	vst v63  }
0xa0: {  	s8 =	simm.s32 $0xE80;
	s31 =	rddreg [dreg:$0x16]  }
0xa1: {  	[spmem:s3] =	stream.indirect.scatter.add.f32 [tilespmem:s31], [sflag:$0x1], $0x8, s8, s24, $0xb8;
	[tilespmem:$0x16000] =	vst v63  }
0xa2: {  	_ =	swait.ge [sflag:s10], $0x400  }
0xa3: {  	[sflag:s10] =	ssyncset.done $0x0  }
0xa4: {  	[sflag:s10] =	ssyncadd.s32 $0xFFFFFC00  }
0xa5: {  	_ =	swait.ge [sflag:s10], $0x400  }
0xa6: {  	[sflag:s10] =	ssyncset.done $0x0  }
0xa7: {  	[sflag:s10] =	ssyncadd.s32 $0xFFFFFC00  }
0xa8: {  	_ =	swait.ge [sflag:s10], $0x400  }
0xa9: {  	[sflag:s10] =	ssyncset.done $0x0  }
0xaa: {  	[sflag:s10] =	ssyncadd.s32 $0xFFFFFC00  }
0xab: {  	_ =	swait.ge [sflag:s10], $0x400  }
0xac: {  	[sflag:s10] =	ssyncset.done $0x0  }
0xad: {  	[sflag:s10] =	ssyncadd.s32 $0xFFFFFC00  }
0xae: {  	_ =	swait.ge [sflag:s10], $0x400  }
0xaf: {  	[sflag:s10] =	ssyncset.done $0x0  }
0xb0: {  	[sflag:s10] =	ssyncadd.s32 $0xFFFFFC00  }
0xb1: {  	_ =	swait.ge [sflag:s10], $0x400  }
0xb2: {  	[sflag:s10] =	ssyncset.done $0x0  }
0xb3: {  	[sflag:s10] =	ssyncadd.s32 $0xFFFFFC00  }
0xb4: {  	_ =	swait.ge [sflag:s10], $0x400  }
0xb5: {  	[sflag:s10] =	ssyncset.done $0x0  }
0xb6: {  	[sflag:s10] =	ssyncadd.s32 $0xFFFFFC00  }
0xb7: {  	_ =	swait.ge [sflag:s10], $0x400  }
0xb8: {  	[sflag:s10] =	ssyncset.done $0x0  }
0xb9: {  	[sflag:s10] =	ssyncadd.s32 $0xFFFFFC00  }
0xba: {  	_ =	swait.ge [sflag:s29], $0x4000  }
0xbb: {  	[sflag:s29] =	ssyncset.done $0x0  }
0xbc: {  	s14 =	simm.s32 $0x100;
	[sflag:s29] =	ssyncadd.s32 $0xFFFFC000  }
0xbd: {  	[spmem:s3] =	stream.indirect.scatter.add.f32 [tilespmem:s12], [sflag:$0x1], $0x8, s14, s24, $0xb8;
	[tilespmem:$0x16000] =	vst v63  }
0xbe: {  	s19 =	simm.s32 $0x180;
	s11 =	rddreg [dreg:$0x17]  }
0xbf: {  	[spmem:s3] =	stream.indirect.scatter.add.f32 [tilespmem:s11], [sflag:$0x1], $0x8, s19, s24, $0xb8;
	[tilespmem:$0x16000] =	vst v63  }
0xc0: {  	s28 =	simm.s32 $0x300;
	s15 =	rddreg [dreg:$0x18]  }
0xc1: {  	[spmem:s3] =	stream.indirect.scatter.add.f32 [tilespmem:s15], [sflag:$0x1], $0x8, s28, s24, $0xb8;
	[tilespmem:$0x16000] =	vst v63  }
0xc2: {  	s1 =	simm.s32 $0x380;
	s26 =	rddreg [dreg:$0x19]  }
0xc3: {  	[spmem:s3] =	stream.indirect.scatter.add.f32 [tilespmem:s26], [sflag:$0x1], $0x8, s1, s24, $0xb8;
	[tilespmem:$0x16000] =	vst v63  }
0xc4: {  	s31 =	rddreg [dreg:$0x1a];
	s12 =	simm.s32 $0x500  }
0xc5: {  	[spmem:s3] =	stream.indirect.scatter.add.f32 [tilespmem:s31], [sflag:$0x1], $0x8, s12, s24, $0xb8;
	[tilespmem:$0x16000] =	vst v63  }
0xc6: {  	s11 =	rddreg [dreg:$0x1b];
	s15 =	simm.s32 $0x580  }
0xc7: {  	[spmem:s3] =	stream.indirect.scatter.add.f32 [tilespmem:s11], [sflag:$0x1], $0x8, s15, s24, $0xb8;
	[tilespmem:$0x16000] =	vst v63  }
0xc8: {  	s14 =	rddreg [dreg:$0x1c];
	s26 =	simm.s32 $0x700  }
0xc9: {  	[spmem:s3] =	stream.indirect.scatter.add.f32 [tilespmem:s14], [sflag:$0x1], $0x8, s26, s24, $0xb8;
	[tilespmem:$0x16000] =	vst v63  }
0xca: {  	s19 =	rddreg [dreg:$0x1d];
	s28 =	simm.s32 $0x780  }
0xcb: {  	[spmem:s3] =	stream.indirect.scatter.add.f32 [tilespmem:s19], [sflag:$0x1], $0x8, s28, s24, $0xb8;
	[tilespmem:$0x16000] =	vst v63  }
0xcc: {  	_ =	swait.ge [sflag:s10], $0x400  }
0xcd: {  	[sflag:s10] =	ssyncset.done $0x0  }
0xce: {  	[sflag:s10] =	ssyncadd.s32 $0xFFFFFC00  }
0xcf: {  	_ =	swait.ge [sflag:s10], $0x400  }
0xd0: {  	[sflag:s10] =	ssyncset.done $0x0  }
0xd1: {  	[sflag:s10] =	ssyncadd.s32 $0xFFFFFC00  }
0xd2: {  	_ =	swait.ge [sflag:s10], $0x400  }
0xd3: {  	[sflag:s10] =	ssyncset.done $0x0  }
0xd4: {  	[sflag:s10] =	ssyncadd.s32 $0xFFFFFC00  }
0xd5: {  	_ =	swait.ge [sflag:s10], $0x400  }
0xd6: {  	[sflag:s10] =	ssyncset.done $0x0  }
0xd7: {  	[sflag:s10] =	ssyncadd.s32 $0xFFFFFC00  }
0xd8: {  	_ =	swait.ge [sflag:s10], $0x400  }
0xd9: {  	[sflag:s10] =	ssyncset.done $0x0  }
0xda: {  	[sflag:s10] =	ssyncadd.s32 $0xFFFFFC00  }
0xdb: {  	_ =	swait.ge [sflag:s10], $0x400  }
0xdc: {  	[sflag:s10] =	ssyncset.done $0x0  }
0xdd: {  	[sflag:s10] =	ssyncadd.s32 $0xFFFFFC00  }
0xde: {  	_ =	swait.ge [sflag:s10], $0x400  }
0xdf: {  	[sflag:s10] =	ssyncset.done $0x0  }
0xe0: {  	[sflag:s10] =	ssyncadd.s32 $0xFFFFFC00  }
0xe1: {  	_ =	swait.ge [sflag:s10], $0x400  }
0xe2: {  	s31 =	rddreg [dreg:$0x1e];
	[sflag:s10] =	ssyncset.done $0x0  }
0xe3: {  	s11 =	simm.s32 $0x900;
	s1 =	rddreg [dreg:$0x1f];
	[sflag:s10] =	ssyncadd.s32 $0xFFFFFC00  }
0xe4: {  	[spmem:s3] =	stream.indirect.scatter.add.f32 [tilespmem:s31], [sflag:$0x1], $0x8, s11, s24, $0xb8;
	[tilespmem:$0x16000] =	vst v63  }
0xe5: {  	s14 =	simm.s32 $0x980;
	s12 =	sld [smem:$0x7E2]  }
0xe6: {  	[spmem:s3] =	stream.indirect.scatter.add.f32 [tilespmem:s1], [sflag:$0x1], $0x8, s14, s24, $0xb8;
	[tilespmem:$0x16000] =	vst v63  }
0xe7: {  	s19 =	simm.s32 $0xB00;
	s15 =	sld [smem:$0x7E3]  }
0xe8: {  	[spmem:s3] =	stream.indirect.scatter.add.f32 [tilespmem:s12], [sflag:$0x1], $0x8, s19, s24, $0xb8;
	[tilespmem:$0x16000] =	vst v63  }
0xe9: {  	s28 =	simm.s32 $0xB80;
	s26 =	sld [smem:$0x7E4]  }
0xea: {  	[spmem:s3] =	stream.indirect.scatter.add.f32 [tilespmem:s15], [sflag:$0x1], $0x8, s28, s24, $0xb8;
	[tilespmem:$0x16000] =	vst v63  }
0xeb: {  	s31 =	sld [smem:$0x7E5];
	s1 =	simm.s32 $0xD00  }
0xec: {  	[spmem:s3] =	stream.indirect.scatter.add.f32 [tilespmem:s26], [sflag:$0x1], $0x8, s1, s24, $0xb8;
	[tilespmem:$0x16000] =	vst v63  }
0xed: {  	s11 =	sld [smem:$0x7E6];
	s12 =	simm.s32 $0xD80  }
0xee: {  	[spmem:s3] =	stream.indirect.scatter.add.f32 [tilespmem:s31], [sflag:$0x1], $0x8, s12, s24, $0xb8;
	[tilespmem:$0x16000] =	vst v63  }
0xef: {  	s14 =	sld [smem:$0x7E7];
	s15 =	simm.s32 $0xF00  }
0xf0: {  	[spmem:s3] =	stream.indirect.scatter.add.f32 [tilespmem:s11], [sflag:$0x1], $0x8, s15, s24, $0xb8;
	[tilespmem:$0x16000] =	vst v63  }
0xf1: {  	s19 =	simm.s32 $0xF80  }
0xf2: {  	[spmem:s3] =	stream.indirect.scatter.add.f32 [tilespmem:s14], [sflag:$0x1], $0x8, s19, s24, $0xb8;
	[tilespmem:$0x16000] =	vst v63  }
0xf3: {  	_ =	swait.ge [sflag:s10], $0x400  }
0xf4: {  	[sflag:s10] =	ssyncset.done $0x0  }
0xf5: {  	[sflag:s10] =	ssyncadd.s32 $0xFFFFFC00  }
0xf6: {  	_ =	swait.ge [sflag:s10], $0x400  }
0xf7: {  	[sflag:s10] =	ssyncset.done $0x0  }
0xf8: {  	[sflag:s10] =	ssyncadd.s32 $0xFFFFFC00  }
0xf9: {  	_ =	swait.ge [sflag:s10], $0x400  }
0xfa: {  	[sflag:s10] =	ssyncset.done $0x0  }
0xfb: {  	[sflag:s10] =	ssyncadd.s32 $0xFFFFFC00  }
0xfc: {  	_ =	swait.ge [sflag:s10], $0x400  }
0xfd: {  	[sflag:s10] =	ssyncset.done $0x0  }
0xfe: {  	[sflag:s10] =	ssyncadd.s32 $0xFFFFFC00  }
0xff: {  	_ =	swait.ge [sflag:s10], $0x400  }
0x100: {  	[sflag:s10] =	ssyncset.done $0x0  }
0x101: {  	[sflag:s10] =	ssyncadd.s32 $0xFFFFFC00  }
0x102: {  	_ =	swait.ge [sflag:s10], $0x400  }
0x103: {  	[sflag:s10] =	ssyncset.done $0x0  }
0x104: {  	[sflag:s10] =	ssyncadd.s32 $0xFFFFFC00  }
0x105: {  	_ =	swait.ge [sflag:s10], $0x400  }
0x106: {  	[sflag:s10] =	ssyncset.done $0x0  }
0x107: {  	[sflag:s10] =	ssyncadd.s32 $0xFFFFFC00  }
0x108: {  	s26 =	stileid.u32;
	_ =	swait.ge [sflag:s10], $0x400  }
0x109: {  	s7 =	sshll.u32 s26, $0x6;
	[sflag:s10] =	ssyncset.done $0x0  }
0x10a: {  	[smem:$0x7DA] =	sst s7;
	[sflag:s10] =	ssyncadd.s32 $0xFFFFFC00  }
0x10b: {  	s28 =	sshrl.u32 s16, $0x3;
	[bflag:$0x0] =	sbarrier.arrive $0xFFFF  }
0x10c: {  	s6 =	sadd.s32 s23, s6;
	s29 =	sor.u32 $0x1C01, s7;
	[smem:$0x7DB] =	sst s28  }
0x10d: {  	[hbm:s6@s17], [sflag:s29] =	dma.strided [spmem:s28@s10], $0x100, s10, $0x1   }
0x10e: {  	s6 =	sld [smem:$0x7E8];
	_ =	sdelay $0x1  }
0x10f: {  	s0 =	sadd.s32 s23, s0;
	s31 =	sor.u32 $0x8000, s5  }
0x110: {  	[hbm:s0@s17], [sflag:s29] =	dma.strided [spmem:s6@s10], $0x100, s10, $0x1   }
0x111: {  	s1 =	sor.u32 s4, s31;
	s6 =	sld [smem:$0x7E9]  }
0x112: {  	s0 =	sshrl.u32 s1, $0x3  }
0x113: {  	s0 =	sadd.s32 s23, s0  }
0x114: {  	[hbm:s0@s17], [sflag:s29] =	dma.strided [spmem:s6@s10], $0x100, s10, $0x1   }
0x115: {  	s11 =	sor.u32 s2, s31;
	s7 =	sor.u32 $0x10000, s5;
	s14 =	sld [smem:$0x7EA]  }
0x116: {  	s12 =	sor.u32 s4, s7;
	s0 =	sshrl.u32 s11, $0x3  }
0x117: {  	s1 =	sshrl.u32 s18, $0x3;
	s6 =	sshrl.u32 s12, $0x3;
	s0 =	sadd.s32 s23, s0  }
0x118: {  	[hbm:s0@s17], [sflag:s29] =	dma.strided [spmem:s14@s10], $0x100, s10, $0x1   }
0x119: {  	s6 =	sadd.s32 s23, s6;
	[smem:$0x7DC] =	sst s1  }
0x11a: {  	[hbm:s6@s17], [sflag:s29] =	dma.strided [spmem:s1@s10], $0x100, s10, $0x1   }
0x11b: {  	s15 =	sor.u32 s2, s7;
	s6 =	sld [smem:$0x7EB]  }
0x11c: {  	s0 =	sshrl.u32 s15, $0x3  }
0x11d: {  	s19 =	sor.u32 $0x18000, s5;
	s0 =	sadd.s32 s23, s0  }
0x11e: {  	[hbm:s0@s17], [sflag:s29] =	dma.strided [spmem:s6@s10], $0x100, s10, $0x1   }
0x11f: {  	s26 =	sor.u32 s4, s19;
	s6 =	sld [smem:$0x7EC]  }
0x120: {  	s0 =	sshrl.u32 s26, $0x3  }
0x121: {  	s0 =	sadd.s32 s23, s0  }
0x122: {  	[hbm:s0@s17], [sflag:s29] =	dma.strided [spmem:s6@s10], $0x100, s10, $0x1   }
0x123: {  	s28 =	sor.u32 s2, s19;
	s6 =	sld [smem:$0x7ED]  }
0x124: {  	s0 =	sshrl.u32 s28, $0x3  }
0x125: {  	s0 =	sadd.s32 s23, s0  }
0x126: {  	[hbm:s0@s17], [sflag:s29] =	dma.strided [spmem:s6@s10], $0x100, s10, $0x1   }
0x127: {  	_ =	swait.ge [sflag:s10], $0x100  }
0x128: {  	[sflag:s10] =	ssyncset.done $0x0  }
0x129: {  	[sflag:s10] =	ssyncadd.s32 $0xFFFFFF00  }
0x12a: {  	_ =	swait.ge [sflag:s10], $0x100  }
0x12b: {  	[sflag:s10] =	ssyncset.done $0x0  }
0x12c: {  	[sflag:s10] =	ssyncadd.s32 $0xFFFFFF00  }
0x12d: {  	_ =	swait.ge [sflag:s10], $0x100  }
0x12e: {  	[sflag:s10] =	ssyncset.done $0x0  }
0x12f: {  	[sflag:s10] =	ssyncadd.s32 $0xFFFFFF00  }
0x130: {  	_ =	swait.ge [sflag:s10], $0x100  }
0x131: {  	[sflag:s10] =	ssyncset.done $0x0  }
0x132: {  	[sflag:s10] =	ssyncadd.s32 $0xFFFFFF00  }
0x133: {  	_ =	swait.ge [sflag:s10], $0x100  }
0x134: {  	[sflag:s10] =	ssyncset.done $0x0  }
0x135: {  	[sflag:s10] =	ssyncadd.s32 $0xFFFFFF00  }
0x136: {  	_ =	swait.ge [sflag:s10], $0x100  }
0x137: {  	[sflag:s10] =	ssyncset.done $0x0  }
0x138: {  	[sflag:s10] =	ssyncadd.s32 $0xFFFFFF00  }
0x139: {  	_ =	swait.ge [sflag:s10], $0x100  }
0x13a: {  	[sflag:s10] =	ssyncset.done $0x0  }
0x13b: {  	s31 =	sor.u32 $0x20000, s5;
	[sflag:s10] =	ssyncadd.s32 $0xFFFFFF00  }
0x13c: {  	s7 =	sor.u32 s4, s31;
	_ =	swait.ge [sflag:s10], $0x100  }
0x13d: {  	s8 =	sshrl.u32 s20, $0x3;
	s6 =	sshrl.u32 s7, $0x3;
	[sflag:s10] =	ssyncset.done $0x0  }
0x13e: {  	s6 =	sadd.s32 s23, s6;
	[smem:$0x7DD] =	sst s8;
	[sflag:s10] =	ssyncadd.s32 $0xFFFFFF00  }
0x13f: {  	[hbm:s6@s17], [sflag:s29] =	dma.strided [spmem:s8@s10], $0x100, s10, $0x1   }
0x140: {  	s0 =	sor.u32 s2, s31;
	s6 =	sld [smem:$0x7EE]  }
0x141: {  	s0 =	sshrl.u32 s0, $0x3  }
0x142: {  	s9 =	sor.u32 $0x28000, s5;
	s0 =	sadd.s32 s23, s0  }
0x143: {  	[hbm:s0@s17], [sflag:s29] =	dma.strided [spmem:s6@s10], $0x100, s10, $0x1   }
0x144: {  	s11 =	sor.u32 s4, s9;
	s6 =	sld [smem:$0x7EF]  }
0x145: {  	s0 =	sshrl.u32 s11, $0x3  }
0x146: {  	s0 =	sadd.s32 s23, s0  }
0x147: {  	[hbm:s0@s17], [sflag:s29] =	dma.strided [spmem:s6@s10], $0x100, s10, $0x1   }
0x148: {  	s12 =	sor.u32 s2, s9;
	s6 =	sld [smem:$0x7F0]  }
0x149: {  	s14 =	sor.u32 $0x30000, s5;
	s0 =	sshrl.u32 s12, $0x3  }
0x14a: {  	s15 =	sor.u32 s4, s14;
	s0 =	sadd.s32 s23, s0  }
0x14b: {  	[hbm:s0@s17], [sflag:s29] =	dma.strided [spmem:s6@s10], $0x100, s10, $0x1   }
0x14c: {  	s26 =	sshrl.u32 s22, $0x3;
	s0 =	sshrl.u32 s15, $0x3  }
0x14d: {  	[smem:$0x7DE] =	sst s26;
	s19 =	sadd.s32 s23, s0  }
0x14e: {  	[hbm:s19@s17], [sflag:s29] =	dma.strided [spmem:s26@s10], $0x100, s10, $0x1   }
0x14f: {  	s28 =	sor.u32 s2, s14;
	s31 =	sld [smem:$0x7F1]  }
0x150: {  	s6 =	sshrl.u32 s28, $0x3  }
0x151: {  	s5 =	sor.u32 $0x38000, s5;
	s6 =	sadd.s32 s23, s6  }
0x152: {  	[hbm:s6@s17], [sflag:s29] =	dma.strided [spmem:s31@s10], $0x100, s10, $0x1   }
0x153: {  	s4 =	sor.u32 s4, s5;
	s6 =	sld [smem:$0x7F2]  }
0x154: {  	s4 =	sshrl.u32 s4, $0x3  }
0x155: {  	s4 =	sadd.s32 s23, s4  }
0x156: {  	[hbm:s4@s17], [sflag:s29] =	dma.strided [spmem:s6@s10], $0x100, s10, $0x1   }
0x157: {  	s2 =	sor.u32 s2, s5;
	s4 =	sld [smem:$0x7F3]  }
0x158: {  	s2 =	sshrl.u32 s2, $0x3  }
0x159: {  	s2 =	sadd.s32 s23, s2  }
0x15a: {  	[hbm:s2@s17], [sflag:s29] =	dma.strided [spmem:s4@s10], $0x100, s10, $0x1   }
0x15b: {  	_ =	swait.ge [sflag:s10], $0x100  }
0x15c: {  	[sflag:s10] =	ssyncset.done $0x0  }
0x15d: {  	[sflag:s10] =	ssyncadd.s32 $0xFFFFFF00  }
0x15e: {  	_ =	swait.ge [sflag:s10], $0x100  }
0x15f: {  	[sflag:s10] =	ssyncset.done $0x0  }
0x160: {  	[sflag:s10] =	ssyncadd.s32 $0xFFFFFF00  }
0x161: {  	_ =	swait.ge [sflag:s10], $0x100  }
0x162: {  	[sflag:s10] =	ssyncset.done $0x0  }
0x163: {  	[sflag:s10] =	ssyncadd.s32 $0xFFFFFF00  }
0x164: {  	_ =	swait.ge [sflag:s10], $0x100  }
0x165: {  	[sflag:s10] =	ssyncset.done $0x0  }
0x166: {  	[sflag:s10] =	ssyncadd.s32 $0xFFFFFF00  }
0x167: {  	_ =	swait.ge [sflag:s10], $0x100  }
0x168: {  	[sflag:s10] =	ssyncset.done $0x0  }
0x169: {  	[sflag:s10] =	ssyncadd.s32 $0xFFFFFF00  }
0x16a: {  	_ =	swait.ge [sflag:s10], $0x100  }
0x16b: {  	[sflag:s10] =	ssyncset.done $0x0  }
0x16c: {  	[sflag:s10] =	ssyncadd.s32 $0xFFFFFF00  }
0x16d: {  	_ =	swait.ge [sflag:s10], $0x100  }
0x16e: {  	[sflag:s10] =	ssyncset.done $0x0  }
0x16f: {  	[sflag:s10] =	ssyncadd.s32 $0xFFFFFF00  }
0x170: {  	s9 =	simm.s32 $0x0;
	s2 =	simm.s32 $0x1;
	_ =	swait.ge [sflag:s10], $0x100  }
.LBB2_2:
0x171: {  	[sflag:s10] =	ssyncset.done $0x0  }
0x172: {  	[sflag:s10] =	ssyncadd.s32 $0xFFFFFF00  }
0x173: {  	[spmem:s16] =	stream.linear.scatter [tilespmem:s25], [sflag:$0x3], $0x2000, $0x38;
	[tilespmem:$0x16000] =	vst v63  }
0x174: {  	_ =	swait.ge [sflag:s21], $0x2000  }
0x175: {  	[sflag:s21] =	ssyncset.done $0x0  }
0x176: {  	[sflag:s21] =	ssyncadd.s32 $0xFFFFE000  }
0x177: {  	[spmem:s18] =	stream.linear.scatter [tilespmem:s25], [sflag:$0x3], $0x2000, $0x38;
	[tilespmem:$0x16000] =	vst v63  }
0x178: {  	_ =	swait.ge [sflag:s21], $0x2000  }
0x179: {  	[sflag:s21] =	ssyncset.done $0x0  }
0x17a: {  	[sflag:s21] =	ssyncadd.s32 $0xFFFFE000  }
0x17b: {  	[spmem:s20] =	stream.linear.scatter [tilespmem:s25], [sflag:$0x3], $0x2000, $0x38;
	[tilespmem:$0x16000] =	vst v63  }
0x17c: {  	_ =	swait.ge [sflag:s21], $0x2000  }
0x17d: {  	[sflag:s21] =	ssyncset.done $0x0  }
0x17e: {  	[sflag:s21] =	ssyncadd.s32 $0xFFFFE000  }
0x17f: {  	[spmem:s22] =	stream.linear.scatter [tilespmem:s25], [sflag:$0x3], $0x2000, $0x38;
	[tilespmem:$0x16000] =	vst v63  }
0x180: {  	_ =	swait.ge [sflag:s21], $0x2000  }
0x181: {  	[sflag:s21] =	ssyncset.done $0x0  }
0x182: {  	s4 =	smov.u32 s2;
	[sflag:s21] =	ssyncadd.s32 $0xFFFFE000  }
0x183: {  	s4 =	sshrl.u32 s4, $0x2;
	[bflag:$0x0] =	sbarrier.arrive $0xFFFF  }
0x184: {  	s6 =	sshll.u32 s4, $0xD;
	s5 =	rddreg [dreg:$0x5]  }
0x185: {  	s19 =	simm.s32 $0x0;
	s5 =	sadd.s32 s6, s5  }
0x186: {  	[tilespmem:s19], [sflag:$0x3] =	stream.linear.gather [hbm4b:s5+s19], $0x1000, $0x38;
	[tilespmem:$0x16000] =	vst v63  }
0x187: {  	s9 =	sadd.s32 $0x8, s9;
	_ =	swait.ge [sflag:s21], $0x1000  }
0x188: {  	s28 =	smov.u32 s16;
	s0 =	simm.s32 $0x1000;
	s12 =	rddreg [dreg:$0x7]  }
0x189: {  	s8 =	sand.u32 $0x18, s9;
	s4 =	sshll.u32 s4, $0x16;
	s14 =	rddreg [dreg:$0x6]  }
0x18a: {  	s1 =	simm.s32 $0x2;
	s12 =	sor.u32 s12, s8;
	s31 =	sor.u32 s14, s4  }
0x18b: {  	[sflag:s21] =	ssyncset.done $0x0;
	s22 =	sor.u32 $0x40, s12;
	s4 =	sor.u32 s12, s31  }
0x18c: {  	[sflag:s21] =	ssyncadd.s32 $0xFFFFF000;
	s15 =	sor.u32 s31, s22;
	s16 =	sshrl.u32 s4, $0x3  }
0x18d: {  	s6 =	sor.u32 $0x8000, s31;
	s14 =	sshrl.u32 s15, $0x3;
	s4 =	sadd.s32 s13, s16  }
0x18e: {  	[tilespmem:s0], [sflag:$0x2] =	stream.strided.gather [hbm4b:s4+s30], $0x4000, s24, s30, $0x38;
	[tilespmem:$0x16000] =	vst v63  }
0x18f: {  	s18 =	sor.u32 s12, s6;
	s15 =	simm.s32 $0x5000;
	s5 =	sadd.s32 s13, s14  }
0x190: {  	[tilespmem:s15], [sflag:$0x2] =	stream.strided.gather [hbm4b:s5+s30], $0x4000, s24, s30, $0x38;
	[tilespmem:$0x16000] =	vst v63  }
0x191: {  	s6 =	sor.u32 s22, s6;
	s4 =	sshrl.u32 s18, $0x3;
	_ =	swait.ge [sflag:s1], $0x4000  }
0x192: {  	s25 =	sshrl.u32 s6, $0x3;
	[smem:$0x7D7] =	sst s4  }
0x193: {  	s20 =	sor.u32 $0x10000, s31;
	[smem:$0x7D8] =	sst s25;
	[sflag:s1] =	ssyncset.done $0x0  }
0x194: {  	s11 =	sor.u32 $0x18000, s31;
	s26 =	rddreg [dreg:$0x8];
	[sflag:s1] =	ssyncadd.s32 $0xFFFFC000  }
0x195: {  	[spmem:s3] =	stream.indirect.scatter.add.f32 [tilespmem:s0], [sflag:$0x1], $0x8, s19, s24, $0xb8;
	[tilespmem:$0x16000] =	vst v63  }
0x196: {  	s8 =	sor.u32 s22, s20;
	s6 =	sor.u32 s12, s20;
	s7 =	rddreg [dreg:$0x9]  }
0x197: {  	[spmem:s3] =	stream.indirect.scatter.add.f32 [tilespmem:s26], [sflag:$0x1], $0x8, s24, s24, $0xb8;
	[tilespmem:$0x16000] =	vst v63  }
0x198: {  	s20 =	simm.s32 $0x200;
	s18 =	sor.u32 s12, s11;
	s5 =	rddreg [dreg:$0xa]  }
0x199: {  	[spmem:s3] =	stream.indirect.scatter.add.f32 [tilespmem:s7], [sflag:$0x1], $0x8, s20, s24, $0xb8;
	[tilespmem:$0x16000] =	vst v63  }
0x19a: {  	s25 =	sshrl.u32 s6, $0x3;
	s13 =	rddreg [dreg:$0xb];
	s7 =	simm.s32 $0x280  }
0x19b: {  	[spmem:s3] =	stream.indirect.scatter.add.f32 [tilespmem:s5], [sflag:$0x1], $0x8, s7, s24, $0xb8;
	[tilespmem:$0x16000] =	vst v63  }
0x19c: {  	s26 =	sor.u32 s22, s11;
	s11 =	sor.u32 $0x20000, s31;
	s20 =	simm.s32 $0x400  }
0x19d: {  	[spmem:s3] =	stream.indirect.scatter.add.f32 [tilespmem:s13], [sflag:$0x1], $0x8, s20, s24, $0xb8;
	[tilespmem:$0x16000] =	vst v63  }
0x19e: {  	s6 =	rddreg [dreg:$0xc];
	s7 =	sor.u32 s12, s11;
	s13 =	simm.s32 $0x480  }
0x19f: {  	[spmem:s3] =	stream.indirect.scatter.add.f32 [tilespmem:s6], [sflag:$0x1], $0x8, s13, s24, $0xb8;
	[tilespmem:$0x16000] =	vst v63  }
0x1a0: {  	s5 =	rddreg [dreg:$0xd];
	s13 =	sshrl.u32 s7, $0x3;
	s7 =	simm.s32 $0x600  }
0x1a1: {  	[spmem:s3] =	stream.indirect.scatter.add.f32 [tilespmem:s5], [sflag:$0x1], $0x8, s7, s24, $0xb8;
	[tilespmem:$0x16000] =	vst v63  }
0x1a2: {  	s4 =	sshrl.u32 s18, $0x3;
	s18 =	rddreg [dreg:$0xe];
	s7 =	simm.s32 $0x680  }
0x1a3: {  	[spmem:s3] =	stream.indirect.scatter.add.f32 [tilespmem:s18], [sflag:$0x1], $0x8, s7, s24, $0xb8;
	[tilespmem:$0x16000] =	vst v63  }
0x1a4: {  	_ =	swait.ge [sflag:s10], $0x400  }
0x1a5: {  	[sflag:s10] =	ssyncset.done $0x0  }
0x1a6: {  	[sflag:s10] =	ssyncadd.s32 $0xFFFFFC00  }
0x1a7: {  	_ =	swait.ge [sflag:s10], $0x400  }
0x1a8: {  	[sflag:s10] =	ssyncset.done $0x0  }
0x1a9: {  	[sflag:s10] =	ssyncadd.s32 $0xFFFFFC00  }
0x1aa: {  	_ =	swait.ge [sflag:s10], $0x400  }
0x1ab: {  	[sflag:s10] =	ssyncset.done $0x0  }
0x1ac: {  	[sflag:s10] =	ssyncadd.s32 $0xFFFFFC00  }
0x1ad: {  	_ =	swait.ge [sflag:s10], $0x400  }
0x1ae: {  	[sflag:s10] =	ssyncset.done $0x0  }
0x1af: {  	[sflag:s10] =	ssyncadd.s32 $0xFFFFFC00  }
0x1b0: {  	_ =	swait.ge [sflag:s10], $0x400  }
0x1b1: {  	[sflag:s10] =	ssyncset.done $0x0  }
0x1b2: {  	[sflag:s10] =	ssyncadd.s32 $0xFFFFFC00  }
0x1b3: {  	s30 =	sshrl.u32 s8, $0x3;
	s0 =	sor.u32 $0x30000, s31;
	_ =	swait.ge [sflag:s10], $0x400  }
0x1b4: {  	s8 =	sor.u32 s22, s11;
	s20 =	sor.u32 $0x28000, s31;
	[sflag:s10] =	ssyncset.done $0x0  }
0x1b5: {  	s11 =	sshrl.u32 s8, $0x3;
	s8 =	sor.u32 s12, s20;
	[sflag:s10] =	ssyncadd.s32 $0xFFFFFC00  }
0x1b6: {  	s6 =	sor.u32 s22, s20;
	s20 =	sor.u32 s12, s0;
	_ =	swait.ge [sflag:s10], $0x400  }
0x1b7: {  	s0 =	sor.u32 s22, s0;
	s5 =	sshrl.u32 s8, $0x3;
	[sflag:s10] =	ssyncset.done $0x0  }
0x1b8: {  	s8 =	sshrl.u32 s6, $0x3;
	s6 =	sshrl.u32 s0, $0x3;
	[sflag:s10] =	ssyncadd.s32 $0xFFFFFC00  }
0x1b9: {  	s18 =	sshrl.u32 s20, $0x3;
	s7 =	sor.u32 $0x38000, s31;
	_ =	swait.ge [sflag:s10], $0x400  }
0x1ba: {  	s20 =	simm.s32 $0x800;
	s0 =	sor.u32 s22, s7;
	[sflag:s10] =	ssyncset.done $0x0  }
0x1bb: {  	s22 =	sshrl.u32 s0, $0x3;
	s0 =	rddreg [dreg:$0xf];
	[sflag:s10] =	ssyncadd.s32 $0xFFFFFC00  }
0x1bc: {  	[spmem:s3] =	stream.indirect.scatter.add.f32 [tilespmem:s0], [sflag:$0x1], $0x8, s20, s24, $0xb8;
	[tilespmem:$0x16000] =	vst v63  }
0x1bd: {  	s31 =	rddreg [dreg:$0x10];
	s20 =	simm.s32 $0x880  }
0x1be: {  	[spmem:s3] =	stream.indirect.scatter.add.f32 [tilespmem:s31], [sflag:$0x1], $0x8, s20, s24, $0xb8;
	[tilespmem:$0x16000] =	vst v63  }
0x1bf: {  	s12 =	sor.u32 s12, s7;
	s7 =	rddreg [dreg:$0x11];
	s20 =	simm.s32 $0xA00  }
0x1c0: {  	[spmem:s3] =	stream.indirect.scatter.add.f32 [tilespmem:s7], [sflag:$0x1], $0x8, s20, s24, $0xb8;
	[tilespmem:$0x16000] =	vst v63  }
0x1c1: {  	s0 =	rddreg [dreg:$0x12];
	s20 =	simm.s32 $0xA80  }
0x1c2: {  	[spmem:s3] =	stream.indirect.scatter.add.f32 [tilespmem:s0], [sflag:$0x1], $0x8, s20, s24, $0xb8;
	[tilespmem:$0x16000] =	vst v63  }
0x1c3: {  	s31 =	rddreg [dreg:$0x13];
	s20 =	simm.s32 $0xC00  }
0x1c4: {  	[spmem:s3] =	stream.indirect.scatter.add.f32 [tilespmem:s31], [sflag:$0x1], $0x8, s20, s24, $0xb8;
	[tilespmem:$0x16000] =	vst v63  }
0x1c5: {  	s7 =	rddreg [dreg:$0x14];
	s20 =	simm.s32 $0xC80  }
0x1c6: {  	[spmem:s3] =	stream.indirect.scatter.add.f32 [tilespmem:s7], [sflag:$0x1], $0x8, s20, s24, $0xb8;
	[tilespmem:$0x16000] =	vst v63  }
0x1c7: {  	s0 =	rddreg [dreg:$0x15];
	s20 =	simm.s32 $0xE00  }
0x1c8: {  	[spmem:s3] =	stream.indirect.scatter.add.f32 [tilespmem:s0], [sflag:$0x1], $0x8, s20, s24, $0xb8;
	[tilespmem:$0x16000] =	vst v63  }
0x1c9: {  	s31 =	rddreg [dreg:$0x16];
	s20 =	simm.s32 $0xE80  }
0x1ca: {  	[spmem:s3] =	stream.indirect.scatter.add.f32 [tilespmem:s31], [sflag:$0x1], $0x8, s20, s24, $0xb8;
	[tilespmem:$0x16000] =	vst v63  }
0x1cb: {  	_ =	swait.ge [sflag:s10], $0x400  }
0x1cc: {  	[sflag:s10] =	ssyncset.done $0x0  }
0x1cd: {  	[sflag:s10] =	ssyncadd.s32 $0xFFFFFC00  }
0x1ce: {  	_ =	swait.ge [sflag:s10], $0x400  }
0x1cf: {  	[sflag:s10] =	ssyncset.done $0x0  }
0x1d0: {  	[sflag:s10] =	ssyncadd.s32 $0xFFFFFC00  }
0x1d1: {  	_ =	swait.ge [sflag:s10], $0x400  }
0x1d2: {  	[sflag:s10] =	ssyncset.done $0x0  }
0x1d3: {  	[sflag:s10] =	ssyncadd.s32 $0xFFFFFC00  }
0x1d4: {  	_ =	swait.ge [sflag:s10], $0x400  }
0x1d5: {  	[sflag:s10] =	ssyncset.done $0x0  }
0x1d6: {  	[sflag:s10] =	ssyncadd.s32 $0xFFFFFC00  }
0x1d7: {  	_ =	swait.ge [sflag:s10], $0x400  }
0x1d8: {  	[sflag:s10] =	ssyncset.done $0x0  }
0x1d9: {  	[sflag:s10] =	ssyncadd.s32 $0xFFFFFC00  }
0x1da: {  	_ =	swait.ge [sflag:s10], $0x400  }
0x1db: {  	[sflag:s10] =	ssyncset.done $0x0  }
0x1dc: {  	[sflag:s10] =	ssyncadd.s32 $0xFFFFFC00  }
0x1dd: {  	_ =	swait.ge [sflag:s10], $0x400  }
0x1de: {  	[sflag:s10] =	ssyncset.done $0x0  }
0x1df: {  	[sflag:s10] =	ssyncadd.s32 $0xFFFFFC00  }
0x1e0: {  	_ =	swait.ge [sflag:s10], $0x400  }
0x1e1: {  	[sflag:s10] =	ssyncset.done $0x0  }
0x1e2: {  	[sflag:s10] =	ssyncadd.s32 $0xFFFFFC00  }
0x1e3: {  	_ =	swait.ge [sflag:s1], $0x4000  }
0x1e4: {  	[sflag:s1] =	ssyncset.done $0x0  }
0x1e5: {  	[sflag:s1] =	ssyncadd.s32 $0xFFFFC000;
	s1 =	simm.s32 $0x100  }
0x1e6: {  	[spmem:s3] =	stream.indirect.scatter.add.f32 [tilespmem:s15], [sflag:$0x1], $0x8, s1, s24, $0xb8;
	[tilespmem:$0x16000] =	vst v63  }
0x1e7: {  	s0 =	rddreg [dreg:$0x17];
	s15 =	simm.s32 $0x180  }
0x1e8: {  	[spmem:s3] =	stream.indirect.scatter.add.f32 [tilespmem:s0], [sflag:$0x1], $0x8, s15, s24, $0xb8;
	[tilespmem:$0x16000] =	vst v63  }
0x1e9: {  	s7 =	rddreg [dreg:$0x18];
	s1 =	simm.s32 $0x300  }
0x1ea: {  	[spmem:s3] =	stream.indirect.scatter.add.f32 [tilespmem:s7], [sflag:$0x1], $0x8, s1, s24, $0xb8;
	[tilespmem:$0x16000] =	vst v63  }
0x1eb: {  	s31 =	rddreg [dreg:$0x19];
	s15 =	simm.s32 $0x380  }
0x1ec: {  	[spmem:s3] =	stream.indirect.scatter.add.f32 [tilespmem:s31], [sflag:$0x1], $0x8, s15, s24, $0xb8;
	[tilespmem:$0x16000] =	vst v63  }
0x1ed: {  	s0 =	rddreg [dreg:$0x1a];
	s1 =	simm.s32 $0x500  }
0x1ee: {  	[spmem:s3] =	stream.indirect.scatter.add.f32 [tilespmem:s0], [sflag:$0x1], $0x8, s1, s24, $0xb8;
	[tilespmem:$0x16000] =	vst v63  }
0x1ef: {  	s7 =	rddreg [dreg:$0x1b];
	s15 =	simm.s32 $0x580  }
0x1f0: {  	[spmem:s3] =	stream.indirect.scatter.add.f32 [tilespmem:s7], [sflag:$0x1], $0x8, s15, s24, $0xb8;
	[tilespmem:$0x16000] =	vst v63  }
0x1f1: {  	s31 =	rddreg [dreg:$0x1c];
	s1 =	simm.s32 $0x700  }
0x1f2: {  	[spmem:s3] =	stream.indirect.scatter.add.f32 [tilespmem:s31], [sflag:$0x1], $0x8, s1, s24, $0xb8;
	[tilespmem:$0x16000] =	vst v63  }
0x1f3: {  	s0 =	rddreg [dreg:$0x1d];
	s15 =	simm.s32 $0x780  }
0x1f4: {  	[spmem:s3] =	stream.indirect.scatter.add.f32 [tilespmem:s0], [sflag:$0x1], $0x8, s15, s24, $0xb8;
	[tilespmem:$0x16000] =	vst v63  }
0x1f5: {  	_ =	swait.ge [sflag:s10], $0x400  }
0x1f6: {  	[sflag:s10] =	ssyncset.done $0x0  }
0x1f7: {  	[sflag:s10] =	ssyncadd.s32 $0xFFFFFC00  }
0x1f8: {  	_ =	swait.ge [sflag:s10], $0x400  }
0x1f9: {  	[sflag:s10] =	ssyncset.done $0x0  }
0x1fa: {  	[sflag:s10] =	ssyncadd.s32 $0xFFFFFC00  }
0x1fb: {  	_ =	swait.ge [sflag:s10], $0x400  }
0x1fc: {  	[sflag:s10] =	ssyncset.done $0x0  }
0x1fd: {  	[sflag:s10] =	ssyncadd.s32 $0xFFFFFC00  }
0x1fe: {  	_ =	swait.ge [sflag:s10], $0x400  }
0x1ff: {  	[sflag:s10] =	ssyncset.done $0x0  }
0x200: {  	[sflag:s10] =	ssyncadd.s32 $0xFFFFFC00  }
0x201: {  	_ =	swait.ge [sflag:s10], $0x400  }
0x202: {  	[sflag:s10] =	ssyncset.done $0x0  }
0x203: {  	[sflag:s10] =	ssyncadd.s32 $0xFFFFFC00  }
0x204: {  	_ =	swait.ge [sflag:s10], $0x400  }
0x205: {  	[sflag:s10] =	ssyncset.done $0x0  }
0x206: {  	[sflag:s10] =	ssyncadd.s32 $0xFFFFFC00  }
0x207: {  	_ =	swait.ge [sflag:s10], $0x400  }
0x208: {  	[sflag:s10] =	ssyncset.done $0x0  }
0x209: {  	[sflag:s10] =	ssyncadd.s32 $0xFFFFFC00  }
0x20a: {  	_ =	swait.ge [sflag:s10], $0x400  }
0x20b: {  	[sflag:s10] =	ssyncset.done $0x0;
	s20 =	rddreg [dreg:$0x1e]  }
0x20c: {  	s1 =	simm.s32 $0x900;
	s7 =	rddreg [dreg:$0x1f];
	[sflag:s10] =	ssyncadd.s32 $0xFFFFFC00  }
0x20d: {  	[spmem:s3] =	stream.indirect.scatter.add.f32 [tilespmem:s20], [sflag:$0x1], $0x8, s1, s24, $0xb8;
	[tilespmem:$0x16000] =	vst v63  }
0x20e: {  	s15 =	simm.s32 $0x980;
	s31 =	sld [smem:$0x7E2]  }
0x20f: {  	[spmem:s3] =	stream.indirect.scatter.add.f32 [tilespmem:s7], [sflag:$0x1], $0x8, s15, s24, $0xb8;
	[tilespmem:$0x16000] =	vst v63  }
0x210: {  	s0 =	sld [smem:$0x7E3];
	s1 =	simm.s32 $0xB00  }
0x211: {  	[spmem:s3] =	stream.indirect.scatter.add.f32 [tilespmem:s31], [sflag:$0x1], $0x8, s1, s24, $0xb8;
	[tilespmem:$0x16000] =	vst v63  }
0x212: {  	s7 =	sld [smem:$0x7E4];
	s15 =	simm.s32 $0xB80  }
0x213: {  	[spmem:s3] =	stream.indirect.scatter.add.f32 [tilespmem:s0], [sflag:$0x1], $0x8, s15, s24, $0xb8;
	[tilespmem:$0x16000] =	vst v63  }
0x214: {  	s31 =	sld [smem:$0x7E5];
	s1 =	simm.s32 $0xD00  }
0x215: {  	[spmem:s3] =	stream.indirect.scatter.add.f32 [tilespmem:s7], [sflag:$0x1], $0x8, s1, s24, $0xb8;
	[tilespmem:$0x16000] =	vst v63  }
0x216: {  	s0 =	sld [smem:$0x7E6];
	s15 =	simm.s32 $0xD80  }
0x217: {  	[spmem:s3] =	stream.indirect.scatter.add.f32 [tilespmem:s31], [sflag:$0x1], $0x8, s15, s24, $0xb8;
	[tilespmem:$0x16000] =	vst v63  }
0x218: {  	s7 =	sld [smem:$0x7E7];
	s31 =	simm.s32 $0xF00  }
0x219: {  	[spmem:s3] =	stream.indirect.scatter.add.f32 [tilespmem:s0], [sflag:$0x1], $0x8, s31, s24, $0xb8;
	[tilespmem:$0x16000] =	vst v63  }
0x21a: {  	s1 =	simm.s32 $0xF80  }
0x21b: {  	[spmem:s3] =	stream.indirect.scatter.add.f32 [tilespmem:s7], [sflag:$0x1], $0x8, s1, s24, $0xb8;
	[tilespmem:$0x16000] =	vst v63  }
0x21c: {  	_ =	swait.ge [sflag:s10], $0x400  }
0x21d: {  	[sflag:s10] =	ssyncset.done $0x0  }
0x21e: {  	[sflag:s10] =	ssyncadd.s32 $0xFFFFFC00  }
0x21f: {  	_ =	swait.ge [sflag:s10], $0x400  }
0x220: {  	[sflag:s10] =	ssyncset.done $0x0  }
0x221: {  	[sflag:s10] =	ssyncadd.s32 $0xFFFFFC00  }
0x222: {  	_ =	swait.ge [sflag:s10], $0x400  }
0x223: {  	[sflag:s10] =	ssyncset.done $0x0  }
0x224: {  	[sflag:s10] =	ssyncadd.s32 $0xFFFFFC00  }
0x225: {  	_ =	swait.ge [sflag:s10], $0x400  }
0x226: {  	[sflag:s10] =	ssyncset.done $0x0  }
0x227: {  	[sflag:s10] =	ssyncadd.s32 $0xFFFFFC00  }
0x228: {  	_ =	swait.ge [sflag:s10], $0x400  }
0x229: {  	[sflag:s10] =	ssyncset.done $0x0  }
0x22a: {  	[sflag:s10] =	ssyncadd.s32 $0xFFFFFC00  }
0x22b: {  	_ =	swait.ge [sflag:s10], $0x400  }
0x22c: {  	[sflag:s10] =	ssyncset.done $0x0  }
0x22d: {  	[sflag:s10] =	ssyncadd.s32 $0xFFFFFC00  }
0x22e: {  	_ =	swait.ge [sflag:s10], $0x400  }
0x22f: {  	[sflag:s10] =	ssyncset.done $0x0  }
0x230: {  	[sflag:s10] =	ssyncadd.s32 $0xFFFFFC00  }
0x231: {  	_ =	swait.ge [sflag:s10], $0x400  }
0x232: {  	[sflag:s10] =	ssyncset.done $0x0  }
0x233: {  	[sflag:s10] =	ssyncadd.s32 $0xFFFFFC00  }
0x234: {  	[bflag:$0x0] =	sbarrier.arrive $0xFFFF  }
0x235: {  	s20 =	sld [smem:$0x7DB];
	_ =	sdelay $0x1  }
0x236: {  	s15 =	sadd.s32 s23, s16  }
0x237: {  	[hbm:s15@s17], [sflag:s29] =	dma.strided [spmem:s20@s10], $0x100, s10, $0x1   }
0x238: {  	s0 =	sld [smem:$0x7E8];
	_ =	sdelay $0x1  }
0x239: {  	s16 =	smov.u32 s28;
	s28 =	sadd.s32 s23, s14  }
0x23a: {  	[hbm:s28@s17], [sflag:s29] =	dma.strided [spmem:s0@s10], $0x100, s10, $0x1   }
0x23b: {  	s31 =	sld [smem:$0x7D7]  }
0x23c: {  	s0 =	sld [smem:$0x7E9];
	_ =	sdelay $0x1  }
0x23d: {  	s1 =	sadd.s32 s23, s31  }
0x23e: {  	[hbm:s1@s17], [sflag:s29] =	dma.strided [spmem:s0@s10], $0x100, s10, $0x1   }
0x23f: {  	s14 =	sld [smem:$0x7D8]  }
0x240: {  	s0 =	sld [smem:$0x7EA];
	_ =	sdelay $0x1  }
0x241: {  	s15 =	sadd.s32 s23, s14  }
0x242: {  	[hbm:s15@s17], [sflag:s29] =	dma.strided [spmem:s0@s10], $0x100, s10, $0x1   }
0x243: {  	s0 =	sld [smem:$0x7DC];
	_ =	sdelay $0x1  }
0x244: {  	s20 =	sadd.s32 s23, s25  }
0x245: {  	[hbm:s20@s17], [sflag:s29] =	dma.strided [spmem:s0@s10], $0x100, s10, $0x1   }
0x246: {  	s0 =	sld [smem:$0x7EB];
	_ =	sdelay $0x1  }
0x247: {  	s28 =	sadd.s32 s23, s30  }
0x248: {  	[hbm:s28@s17], [sflag:s29] =	dma.strided [spmem:s0@s10], $0x100, s10, $0x1   }
0x249: {  	s0 =	sld [smem:$0x7EC];
	_ =	sdelay $0x1  }
0x24a: {  	s4 =	sadd.s32 s23, s4  }
0x24b: {  	[hbm:s4@s17], [sflag:s29] =	dma.strided [spmem:s0@s10], $0x100, s10, $0x1   }
0x24c: {  	s0 =	sld [smem:$0x7ED]  }
0x24d: {  	s26 =	sshrl.u32 s26, $0x3  }
0x24e: {  	s31 =	sadd.s32 s23, s26  }
0x24f: {  	[hbm:s31@s17], [sflag:s29] =	dma.strided [spmem:s0@s10], $0x100, s10, $0x1   }
0x250: {  	_ =	swait.ge [sflag:s10], $0x100  }
0x251: {  	[sflag:s10] =	ssyncset.done $0x0  }
0x252: {  	[sflag:s10] =	ssyncadd.s32 $0xFFFFFF00  }
0x253: {  	_ =	swait.ge [sflag:s10], $0x100  }
0x254: {  	[sflag:s10] =	ssyncset.done $0x0  }
0x255: {  	[sflag:s10] =	ssyncadd.s32 $0xFFFFFF00  }
0x256: {  	_ =	swait.ge [sflag:s10], $0x100  }
0x257: {  	[sflag:s10] =	ssyncset.done $0x0  }
0x258: {  	[sflag:s10] =	ssyncadd.s32 $0xFFFFFF00  }
0x259: {  	_ =	swait.ge [sflag:s10], $0x100  }
0x25a: {  	[sflag:s10] =	ssyncset.done $0x0  }
0x25b: {  	[sflag:s10] =	ssyncadd.s32 $0xFFFFFF00  }
0x25c: {  	_ =	swait.ge [sflag:s10], $0x100  }
0x25d: {  	[sflag:s10] =	ssyncset.done $0x0  }
0x25e: {  	[sflag:s10] =	ssyncadd.s32 $0xFFFFFF00  }
0x25f: {  	_ =	swait.ge [sflag:s10], $0x100  }
0x260: {  	[sflag:s10] =	ssyncset.done $0x0  }
0x261: {  	[sflag:s10] =	ssyncadd.s32 $0xFFFFFF00  }
0x262: {  	_ =	swait.ge [sflag:s10], $0x100  }
0x263: {  	[sflag:s10] =	ssyncset.done $0x0  }
0x264: {  	[sflag:s10] =	ssyncadd.s32 $0xFFFFFF00  }
0x265: {  	_ =	swait.ge [sflag:s10], $0x100  }
0x266: {  	s4 =	sld [smem:$0x7DD]  }
0x267: {  	s1 =	sadd.s32 s23, s13;
	[sflag:s10] =	ssyncset.done $0x0;
	s13 =	sld [smem:$0x7FD]  }
0x268: {  	s20 =	sld [smem:$0x7F9];
	[sflag:s10] =	ssyncadd.s32 $0xFFFFFF00  }
0x269: {  	[hbm:s1@s17], [sflag:s29] =	dma.strided [spmem:s4@s10], $0x100, s10, $0x1   }
0x26a: {  	s0 =	sld [smem:$0x7EE];
	_ =	sdelay $0x1  }
0x26b: {  	s7 =	sadd.s32 s23, s11  }
0x26c: {  	[hbm:s7@s17], [sflag:s29] =	dma.strided [spmem:s0@s10], $0x100, s10, $0x1   }
0x26d: {  	s0 =	sld [smem:$0x7EF];
	_ =	sdelay $0x1  }
0x26e: {  	s11 =	sadd.s32 s23, s5  }
0x26f: {  	[hbm:s11@s17], [sflag:s29] =	dma.strided [spmem:s0@s10], $0x100, s10, $0x1   }
0x270: {  	s0 =	sld [smem:$0x7F0];
	_ =	sdelay $0x1  }
0x271: {  	s14 =	sadd.s32 s23, s8;
	s15 =	sadd.s32 s23, s18;
	s18 =	sld [smem:$0x7F8]  }
0x272: {  	[hbm:s14@s17], [sflag:s29] =	dma.strided [spmem:s0@s10], $0x100, s10, $0x1   }
0x273: {  	s0 =	sld [smem:$0x7DE];
	_ =	sdelay $0x2  }
0x274: {  	[hbm:s15@s17], [sflag:s29] =	dma.strided [spmem:s0@s10], $0x100, s10, $0x1   }
0x275: {  	s0 =	sld [smem:$0x7F1];
	_ =	sdelay $0x1  }
0x276: {  	s26 =	sadd.s32 s23, s6  }
0x277: {  	[hbm:s26@s17], [sflag:s29] =	dma.strided [spmem:s0@s10], $0x100, s10, $0x1   }
0x278: {  	s0 =	sld [smem:$0x7F2]  }
0x279: {  	s12 =	sshrl.u32 s12, $0x3  }
0x27a: {  	s28 =	sadd.s32 s23, s12  }
0x27b: {  	[hbm:s28@s17], [sflag:s29] =	dma.strided [spmem:s0@s10], $0x100, s10, $0x1   }
0x27c: {  	s0 =	sld [smem:$0x7F3];
	_ =	sdelay $0x1  }
0x27d: {  	s31 =	sadd.s32 s23, s22;
	s22 =	sld [smem:$0x7FA]  }
0x27e: {  	[hbm:s31@s17], [sflag:s29] =	dma.strided [spmem:s0@s10], $0x100, s10, $0x1   }
0x27f: {  	_ =	swait.ge [sflag:s10], $0x100  }
0x280: {  	[sflag:s10] =	ssyncset.done $0x0  }
0x281: {  	[sflag:s10] =	ssyncadd.s32 $0xFFFFFF00  }
0x282: {  	_ =	swait.ge [sflag:s10], $0x100  }
0x283: {  	[sflag:s10] =	ssyncset.done $0x0  }
0x284: {  	[sflag:s10] =	ssyncadd.s32 $0xFFFFFF00  }
0x285: {  	_ =	swait.ge [sflag:s10], $0x100  }
0x286: {  	[sflag:s10] =	ssyncset.done $0x0  }
0x287: {  	[sflag:s10] =	ssyncadd.s32 $0xFFFFFF00  }
0x288: {  	_ =	swait.ge [sflag:s10], $0x100  }
0x289: {  	[sflag:s10] =	ssyncset.done $0x0  }
0x28a: {  	[sflag:s10] =	ssyncadd.s32 $0xFFFFFF00  }
0x28b: {  	_ =	swait.ge [sflag:s10], $0x100  }
0x28c: {  	[sflag:s10] =	ssyncset.done $0x0  }
0x28d: {  	[sflag:s10] =	ssyncadd.s32 $0xFFFFFF00  }
0x28e: {  	_ =	swait.ge [sflag:s10], $0x100  }
0x28f: {  	p0 =	sne.s32 s2, $0xF;
	[sflag:s10] =	ssyncset.done $0x0  }
.Ltmp0:
0x290: {  	[sflag:s10] =	ssyncadd.s32 $0xFFFFFF00;
	(pc) =	sbr.rel @p0 .LBB2_2-.Ltmp0, $4  }
0x291: {  	_ =	swait.ge [sflag:s10], $0x100  }
0x292: {  	[sflag:s10] =	ssyncset.done $0x0  }
0x293: {  	s2 =	sadd.s32 $0x1, s2;
	[sflag:s10] =	ssyncadd.s32 $0xFFFFFF00  }
0x294: {  	s25 =	simm.s32 $0xA000;
	s30 =	simm.s32 $0x8;
	_ =	swait.ge [sflag:s10], $0x100  }
0x295: {  	s4 =	sld [smem:$0x7F4]  }
0x296: {  	s28 =	sld [smem:$0x7F5]  }
0x297: {  	s14 =	sld [smem:$0x7F6]  }
0x298: {  	s1 =	sld [smem:$0x7F7]  }
0x299: {  	[sflag:s10] =	ssyncset.done $0x0;
	s7 =	sld [smem:$0x7FB]  }
0x29a: {  	p0 =	por $0x1, $0x1;
	s9 =	simm.s32 $0x0;
	s15 =	sld [smem:$0x7FC]  }
0x29b: {  	s26 =	simm.s32 $0xC000;
	s31 =	simm.s32 $0x200;
	s11 =	simm.s32 $0x9000  }
0x29c: {  	s29 =	simm.s32 $0x9E80;
	s12 =	sld [smem:$0x7DA];
	[sflag:s10] =	ssyncadd.s32 $0xFFFFFF00  }
0x29d: {  	s6 =	simm.s32 $0x9F00;
	s8 =	simm.s32 $0x9F80;
	s5 =	rddreg [dreg:$0x3]  }
.LBB2_4:
0x29e: {  	[spmem:s7] =	stream.linear.scatter [tilespmem:s26], [sflag:$0x3], $0x1000, $0x38;
	[tilespmem:$0x16000] =	vst v63  }
0x29f: {  	s0 =	sor.u32 s19, s15;
	_ =	swait.ge [sflag:s21], $0x1000  }
0x2a0: {  	s0 =	sor.u32 s1, s0;
	[sflag:s21] =	ssyncset.done $0x0  }
0x2a1: {  	s0 =	sshrl.u32 s0, $0x3;
	[sflag:s21] =	ssyncadd.s32 $0xFFFFF000  }
0x2a2: {  	s2 =	sadd.s32 s4, s0;
	[bflag:$0x0] =	sbarrier.arrive $0xFFFF  }
0x2a3: {  	[tilespmem:s9], [sflag:$0x3] =	stream.linear.gather [hbm4b:s2+s9], $0x1000, $0x38;
	[tilespmem:$0x16000] =	vst v63  }
0x2a4: {  	_ =	swait.ge [sflag:s21], $0x1000  }
0x2a5: {  	[sflag:s21] =	ssyncset.done $0x0  }
0x2a6: {  	s19 =	sadd.s32 s28, s0;
	[sflag:s21] =	ssyncadd.s32 $0xFFFFF000  }
0x2a7: {  	[tilespmem:s11], [sflag:$0x3] =	stream.linear.gather [hbm4b:s19+s9], $0x1000, $0x38;
	[tilespmem:$0x16000] =	vst v63  }
0x2a8: {  	_ =	swait.ge [sflag:s21], $0x1000  }
0x2a9: {  	[sflag:s21] =	ssyncset.done $0x0  }
0x2aa: {  	[sflag:s21] =	ssyncadd.s32 $0xFFFFF000  }
0x2ab: {  	[spmem:s5] =	stream.indirect.scatter.add.f32 [tilespmem:s11], [sflag:$0x1], $0x1, s9, s24, $0xb8;
	[tilespmem:$0x16000] =	vst v63  }
0x2ac: {  	s19 =	simm.s32 $0x9080  }
0x2ad: {  	[spmem:s5] =	stream.indirect.scatter.add.f32 [tilespmem:s19], [sflag:$0x1], $0x1, s24, s24, $0xb8;
	[tilespmem:$0x16000] =	vst v63  }
0x2ae: {  	s2 =	simm.s32 $0x100;
	s19 =	simm.s32 $0x9100  }
0x2af: {  	[spmem:s5] =	stream.indirect.scatter.add.f32 [tilespmem:s19], [sflag:$0x1], $0x1, s2, s24, $0xb8;
	[tilespmem:$0x16000] =	vst v63  }
0x2b0: {  	s2 =	simm.s32 $0x180;
	s19 =	simm.s32 $0x9180  }
0x2b1: {  	[spmem:s5] =	stream.indirect.scatter.add.f32 [tilespmem:s19], [sflag:$0x1], $0x1, s2, s24, $0xb8;
	[tilespmem:$0x16000] =	vst v63  }
0x2b2: {  	s19 =	simm.s32 $0x9200  }
0x2b3: {  	[spmem:s5] =	stream.indirect.scatter.add.f32 [tilespmem:s19], [sflag:$0x1], $0x1, s31, s24, $0xb8;
	[tilespmem:$0x16000] =	vst v63  }
0x2b4: {  	s2 =	simm.s32 $0x280;
	s19 =	simm.s32 $0x9280  }
0x2b5: {  	[spmem:s5] =	stream.indirect.scatter.add.f32 [tilespmem:s19], [sflag:$0x1], $0x1, s2, s24, $0xb8;
	[tilespmem:$0x16000] =	vst v63  }
0x2b6: {  	s2 =	simm.s32 $0x300;
	s19 =	simm.s32 $0x9300  }
0x2b7: {  	[spmem:s5] =	stream.indirect.scatter.add.f32 [tilespmem:s19], [sflag:$0x1], $0x1, s2, s24, $0xb8;
	[tilespmem:$0x16000] =	vst v63  }
0x2b8: {  	s2 =	simm.s32 $0x380;
	s19 =	simm.s32 $0x9380  }
0x2b9: {  	[spmem:s5] =	stream.indirect.scatter.add.f32 [tilespmem:s19], [sflag:$0x1], $0x1, s2, s24, $0xb8;
	[tilespmem:$0x16000] =	vst v63  }
0x2ba: {  	_ =	swait.ge [sflag:s10], $0x80  }
0x2bb: {  	[sflag:s10] =	ssyncset.done $0x0  }
0x2bc: {  	[sflag:s10] =	ssyncadd.s32 $0xFFFFFF80  }
0x2bd: {  	_ =	swait.ge [sflag:s10], $0x80  }
0x2be: {  	[sflag:s10] =	ssyncset.done $0x0  }
0x2bf: {  	[sflag:s10] =	ssyncadd.s32 $0xFFFFFF80  }
0x2c0: {  	_ =	swait.ge [sflag:s10], $0x80  }
0x2c1: {  	[sflag:s10] =	ssyncset.done $0x0  }
0x2c2: {  	[sflag:s10] =	ssyncadd.s32 $0xFFFFFF80  }
0x2c3: {  	_ =	swait.ge [sflag:s10], $0x80  }
0x2c4: {  	[sflag:s10] =	ssyncset.done $0x0  }
0x2c5: {  	[sflag:s10] =	ssyncadd.s32 $0xFFFFFF80  }
0x2c6: {  	_ =	swait.ge [sflag:s10], $0x80  }
0x2c7: {  	[sflag:s10] =	ssyncset.done $0x0  }
0x2c8: {  	[sflag:s10] =	ssyncadd.s32 $0xFFFFFF80  }
0x2c9: {  	_ =	swait.ge [sflag:s10], $0x80  }
0x2ca: {  	[sflag:s10] =	ssyncset.done $0x0  }
0x2cb: {  	[sflag:s10] =	ssyncadd.s32 $0xFFFFFF80  }
0x2cc: {  	_ =	swait.ge [sflag:s10], $0x80  }
0x2cd: {  	[sflag:s10] =	ssyncset.done $0x0  }
0x2ce: {  	[sflag:s10] =	ssyncadd.s32 $0xFFFFFF80  }
0x2cf: {  	_ =	swait.ge [sflag:s10], $0x80  }
0x2d0: {  	[sflag:s10] =	ssyncset.done $0x0  }
0x2d1: {  	s2 =	simm.s32 $0x400;
	s19 =	simm.s32 $0x9400;
	[sflag:s10] =	ssyncadd.s32 $0xFFFFFF80  }
0x2d2: {  	[spmem:s5] =	stream.indirect.scatter.add.f32 [tilespmem:s19], [sflag:$0x1], $0x1, s2, s24, $0xb8;
	[tilespmem:$0x16000] =	vst v63  }
0x2d3: {  	s2 =	simm.s32 $0x480;
	s19 =	simm.s32 $0x9480  }
0x2d4: {  	[spmem:s5] =	stream.indirect.scatter.add.f32 [tilespmem:s19], [sflag:$0x1], $0x1, s2, s24, $0xb8;
	[tilespmem:$0x16000] =	vst v63  }
0x2d5: {  	s2 =	simm.s32 $0x500;
	s19 =	simm.s32 $0x9500  }
0x2d6: {  	[spmem:s5] =	stream.indirect.scatter.add.f32 [tilespmem:s19], [sflag:$0x1], $0x1, s2, s24, $0xb8;
	[tilespmem:$0x16000] =	vst v63  }
0x2d7: {  	s2 =	simm.s32 $0x580;
	s19 =	simm.s32 $0x9580  }
0x2d8: {  	[spmem:s5] =	stream.indirect.scatter.add.f32 [tilespmem:s19], [sflag:$0x1], $0x1, s2, s24, $0xb8;
	[tilespmem:$0x16000] =	vst v63  }
0x2d9: {  	s2 =	simm.s32 $0x600;
	s19 =	simm.s32 $0x9600  }
0x2da: {  	[spmem:s5] =	stream.indirect.scatter.add.f32 [tilespmem:s19], [sflag:$0x1], $0x1, s2, s24, $0xb8;
	[tilespmem:$0x16000] =	vst v63  }
0x2db: {  	s2 =	simm.s32 $0x680;
	s19 =	simm.s32 $0x9680  }
0x2dc: {  	[spmem:s5] =	stream.indirect.scatter.add.f32 [tilespmem:s19], [sflag:$0x1], $0x1, s2, s24, $0xb8;
	[tilespmem:$0x16000] =	vst v63  }
0x2dd: {  	s2 =	simm.s32 $0x700;
	s19 =	simm.s32 $0x9700  }
0x2de: {  	[spmem:s5] =	stream.indirect.scatter.add.f32 [tilespmem:s19], [sflag:$0x1], $0x1, s2, s24, $0xb8;
	[tilespmem:$0x16000] =	vst v63  }
0x2df: {  	s2 =	simm.s32 $0x780;
	s19 =	simm.s32 $0x9780  }
0x2e0: {  	[spmem:s5] =	stream.indirect.scatter.add.f32 [tilespmem:s19], [sflag:$0x1], $0x1, s2, s24, $0xb8;
	[tilespmem:$0x16000] =	vst v63  }
0x2e1: {  	_ =	swait.ge [sflag:s10], $0x80  }
0x2e2: {  	[sflag:s10] =	ssyncset.done $0x0  }
0x2e3: {  	[sflag:s10] =	ssyncadd.s32 $0xFFFFFF80  }
0x2e4: {  	_ =	swait.ge [sflag:s10], $0x80  }
0x2e5: {  	[sflag:s10] =	ssyncset.done $0x0  }
0x2e6: {  	[sflag:s10] =	ssyncadd.s32 $0xFFFFFF80  }
0x2e7: {  	_ =	swait.ge [sflag:s10], $0x80  }
0x2e8: {  	[sflag:s10] =	ssyncset.done $0x0  }
0x2e9: {  	[sflag:s10] =	ssyncadd.s32 $0xFFFFFF80  }
0x2ea: {  	_ =	swait.ge [sflag:s10], $0x80  }
0x2eb: {  	[sflag:s10] =	ssyncset.done $0x0  }
0x2ec: {  	[sflag:s10] =	ssyncadd.s32 $0xFFFFFF80  }
0x2ed: {  	_ =	swait.ge [sflag:s10], $0x80  }
0x2ee: {  	[sflag:s10] =	ssyncset.done $0x0  }
0x2ef: {  	[sflag:s10] =	ssyncadd.s32 $0xFFFFFF80  }
0x2f0: {  	_ =	swait.ge [sflag:s10], $0x80  }
0x2f1: {  	[sflag:s10] =	ssyncset.done $0x0  }
0x2f2: {  	[sflag:s10] =	ssyncadd.s32 $0xFFFFFF80  }
0x2f3: {  	_ =	swait.ge [sflag:s10], $0x80  }
0x2f4: {  	[sflag:s10] =	ssyncset.done $0x0  }
0x2f5: {  	[sflag:s10] =	ssyncadd.s32 $0xFFFFFF80  }
0x2f6: {  	_ =	swait.ge [sflag:s10], $0x80  }
0x2f7: {  	[sflag:s10] =	ssyncset.done $0x0  }
0x2f8: {  	s2 =	simm.s32 $0x800;
	s19 =	simm.s32 $0x9800;
	[sflag:s10] =	ssyncadd.s32 $0xFFFFFF80  }
0x2f9: {  	[spmem:s5] =	stream.indirect.scatter.add.f32 [tilespmem:s19], [sflag:$0x1], $0x1, s2, s24, $0xb8;
	[tilespmem:$0x16000] =	vst v63  }
0x2fa: {  	s2 =	simm.s32 $0x880;
	s19 =	simm.s32 $0x9880  }
0x2fb: {  	[spmem:s5] =	stream.indirect.scatter.add.f32 [tilespmem:s19], [sflag:$0x1], $0x1, s2, s24, $0xb8;
	[tilespmem:$0x16000] =	vst v63  }
0x2fc: {  	s2 =	simm.s32 $0x900;
	s19 =	simm.s32 $0x9900  }
0x2fd: {  	[spmem:s5] =	stream.indirect.scatter.add.f32 [tilespmem:s19], [sflag:$0x1], $0x1, s2, s24, $0xb8;
	[tilespmem:$0x16000] =	vst v63  }
0x2fe: {  	s2 =	simm.s32 $0x980;
	s19 =	simm.s32 $0x9980  }
0x2ff: {  	[spmem:s5] =	stream.indirect.scatter.add.f32 [tilespmem:s19], [sflag:$0x1], $0x1, s2, s24, $0xb8;
	[tilespmem:$0x16000] =	vst v63  }
0x300: {  	s2 =	simm.s32 $0xA00;
	s19 =	simm.s32 $0x9A00  }
0x301: {  	[spmem:s5] =	stream.indirect.scatter.add.f32 [tilespmem:s19], [sflag:$0x1], $0x1, s2, s24, $0xb8;
	[tilespmem:$0x16000] =	vst v63  }
0x302: {  	s2 =	simm.s32 $0xA80;
	s19 =	simm.s32 $0x9A80  }
0x303: {  	[spmem:s5] =	stream.indirect.scatter.add.f32 [tilespmem:s19], [sflag:$0x1], $0x1, s2, s24, $0xb8;
	[tilespmem:$0x16000] =	vst v63  }
0x304: {  	s2 =	simm.s32 $0xB00;
	s19 =	simm.s32 $0x9B00  }
0x305: {  	[spmem:s5] =	stream.indirect.scatter.add.f32 [tilespmem:s19], [sflag:$0x1], $0x1, s2, s24, $0xb8;
	[tilespmem:$0x16000] =	vst v63  }
0x306: {  	s2 =	simm.s32 $0xB80;
	s19 =	simm.s32 $0x9B80  }
0x307: {  	[spmem:s5] =	stream.indirect.scatter.add.f32 [tilespmem:s19], [sflag:$0x1], $0x1, s2, s24, $0xb8;
	[tilespmem:$0x16000] =	vst v63  }
0x308: {  	_ =	swait.ge [sflag:s10], $0x80  }
0x309: {  	[sflag:s10] =	ssyncset.done $0x0  }
0x30a: {  	[sflag:s10] =	ssyncadd.s32 $0xFFFFFF80  }
0x30b: {  	_ =	swait.ge [sflag:s10], $0x80  }
0x30c: {  	[sflag:s10] =	ssyncset.done $0x0  }
0x30d: {  	[sflag:s10] =	ssyncadd.s32 $0xFFFFFF80  }
0x30e: {  	_ =	swait.ge [sflag:s10], $0x80  }
0x30f: {  	[sflag:s10] =	ssyncset.done $0x0  }
0x310: {  	[sflag:s10] =	ssyncadd.s32 $0xFFFFFF80  }
0x311: {  	_ =	swait.ge [sflag:s10], $0x80  }
0x312: {  	[sflag:s10] =	ssyncset.done $0x0  }
0x313: {  	[sflag:s10] =	ssyncadd.s32 $0xFFFFFF80  }
0x314: {  	_ =	swait.ge [sflag:s10], $0x80  }
0x315: {  	[sflag:s10] =	ssyncset.done $0x0  }
0x316: {  	[sflag:s10] =	ssyncadd.s32 $0xFFFFFF80  }
0x317: {  	_ =	swait.ge [sflag:s10], $0x80  }
0x318: {  	[sflag:s10] =	ssyncset.done $0x0  }
0x319: {  	[sflag:s10] =	ssyncadd.s32 $0xFFFFFF80  }
0x31a: {  	_ =	swait.ge [sflag:s10], $0x80  }
0x31b: {  	[sflag:s10] =	ssyncset.done $0x0  }
0x31c: {  	[sflag:s10] =	ssyncadd.s32 $0xFFFFFF80  }
0x31d: {  	_ =	swait.ge [sflag:s10], $0x80  }
0x31e: {  	[sflag:s10] =	ssyncset.done $0x0  }
0x31f: {  	s2 =	simm.s32 $0xC00;
	s19 =	simm.s32 $0x9C00;
	[sflag:s10] =	ssyncadd.s32 $0xFFFFFF80  }
0x320: {  	[spmem:s5] =	stream.indirect.scatter.add.f32 [tilespmem:s19], [sflag:$0x1], $0x1, s2, s24, $0xb8;
	[tilespmem:$0x16000] =	vst v63  }
0x321: {  	s2 =	simm.s32 $0xC80;
	s19 =	simm.s32 $0x9C80  }
0x322: {  	[spmem:s5] =	stream.indirect.scatter.add.f32 [tilespmem:s19], [sflag:$0x1], $0x1, s2, s24, $0xb8;
	[tilespmem:$0x16000] =	vst v63  }
0x323: {  	s2 =	simm.s32 $0xD00;
	s19 =	simm.s32 $0x9D00  }
0x324: {  	[spmem:s5] =	stream.indirect.scatter.add.f32 [tilespmem:s19], [sflag:$0x1], $0x1, s2, s24, $0xb8;
	[tilespmem:$0x16000] =	vst v63  }
0x325: {  	s2 =	simm.s32 $0xD80;
	s19 =	simm.s32 $0x9D80  }
0x326: {  	[spmem:s5] =	stream.indirect.scatter.add.f32 [tilespmem:s19], [sflag:$0x1], $0x1, s2, s24, $0xb8;
	[tilespmem:$0x16000] =	vst v63  }
0x327: {  	s2 =	simm.s32 $0xE00;
	s19 =	simm.s32 $0x9E00  }
0x328: {  	[spmem:s5] =	stream.indirect.scatter.add.f32 [tilespmem:s19], [sflag:$0x1], $0x1, s2, s24, $0xb8;
	[tilespmem:$0x16000] =	vst v63  }
0x329: {  	s19 =	simm.s32 $0xE80  }
0x32a: {  	[spmem:s5] =	stream.indirect.scatter.add.f32 [tilespmem:s29], [sflag:$0x1], $0x1, s19, s24, $0xb8;
	[tilespmem:$0x16000] =	vst v63  }
0x32b: {  	s19 =	simm.s32 $0xF00  }
0x32c: {  	[spmem:s5] =	stream.indirect.scatter.add.f32 [tilespmem:s6], [sflag:$0x1], $0x1, s19, s24, $0xb8;
	[tilespmem:$0x16000] =	vst v63  }
0x32d: {  	s19 =	simm.s32 $0xF80  }
0x32e: {  	[spmem:s5] =	stream.indirect.scatter.add.f32 [tilespmem:s8], [sflag:$0x1], $0x1, s19, s24, $0xb8;
	[tilespmem:$0x16000] =	vst v63  }
0x32f: {  	_ =	swait.ge [sflag:s10], $0x80  }
0x330: {  	[sflag:s10] =	ssyncset.done $0x0  }
0x331: {  	[sflag:s10] =	ssyncadd.s32 $0xFFFFFF80  }
0x332: {  	_ =	swait.ge [sflag:s10], $0x80  }
0x333: {  	[sflag:s10] =	ssyncset.done $0x0  }
0x334: {  	[sflag:s10] =	ssyncadd.s32 $0xFFFFFF80  }
0x335: {  	_ =	swait.ge [sflag:s10], $0x80  }
0x336: {  	[sflag:s10] =	ssyncset.done $0x0  }
0x337: {  	[sflag:s10] =	ssyncadd.s32 $0xFFFFFF80  }
0x338: {  	_ =	swait.ge [sflag:s10], $0x80  }
0x339: {  	[sflag:s10] =	ssyncset.done $0x0  }
0x33a: {  	[sflag:s10] =	ssyncadd.s32 $0xFFFFFF80  }
0x33b: {  	_ =	swait.ge [sflag:s10], $0x80  }
0x33c: {  	[sflag:s10] =	ssyncset.done $0x0  }
0x33d: {  	[sflag:s10] =	ssyncadd.s32 $0xFFFFFF80  }
0x33e: {  	_ =	swait.ge [sflag:s10], $0x80  }
0x33f: {  	[sflag:s10] =	ssyncset.done $0x0  }
0x340: {  	[sflag:s10] =	ssyncadd.s32 $0xFFFFFF80  }
0x341: {  	_ =	swait.ge [sflag:s10], $0x80  }
0x342: {  	[sflag:s10] =	ssyncset.done $0x0  }
0x343: {  	[sflag:s10] =	ssyncadd.s32 $0xFFFFFF80  }
0x344: {  	_ =	swait.ge [sflag:s10], $0x80  }
0x345: {  	p1 =	por p0, p0;
	s0 =	sadd.s32 s14, s0;
	[sflag:s10] =	ssyncset.done $0x0  }
0x346: {  	s2 =	sor.u32 $0x1C03, s12;
	s19 =	smov.u32 s4;
	[sflag:s10] =	ssyncadd.s32 $0xFFFFFF80  }
.Ltmp1:
0x347: {  	s4 =	sshrl.u32 s7, $0x3;
	[bflag:$0x0] =	sbarrier.arrive $0xFFFF;
	(pc) =	sbr.rel @p1 .LBB2_4-.Ltmp1, $4  }
0x348: {  	[hbm:s0], [sflag:s2] =	dma.local [spmem:s4], $0x200  }
0x349: {  	_ =	swait.ge [sflag:s21], $0x200  }
0x34a: {  	p0 =	por $0x0, $0x0;
	[sflag:s21] =	ssyncset.done $0x0  }
0x34b: {  	s4 =	smov.u32 s19;
	s19 =	simm.s32 $0x10000;
	[sflag:s21] =	ssyncadd.s32 $0xFFFFFE00  }
0x34c: {  	s2 =	sld [smem:$0x7D9]  }
0x34d: {  	s0 =	sld [smem:$0x7E1];
	_ =	sdelay $0x1  }
0x34e: {  	s2 =	sadd.s32 $0x1, s2  }
0x34f: {  	p0 =	sne.s32 s2, s0  }
.Ltmp2:
0x350: {  	_ = 	snop;
	(pc) =	sbr.rel @p0 .LBB2_1-.Ltmp2, $2  }
0x351: {  	_ =	sdelay $0x2  }
0x352: {  	s19 =	simm.s32 $0x1000;
	s12 =	simm.s32 $0x5000;
	s29 =	simm.s32 $0x2  }
0x353: {  	_ =	sfence.sel $0x180000  }
0x354: {  	[bflag:$0x0] =	sbarrier.arrive $0xFFFF  }
0x355: {  	_ =	strace $0x90000047  }
0x356: {  	s0 =	stileid.u32;
	[bflag:$0x2] =	sbarrier.arrive $0xFFFF  }
0x357: {  	p0 =	sne.s32 s0, $0x0;
	s0 =	rddreg [dreg:$0x4]  }
0x358: {  	s0 =	sadd.s32 @!p0 $0x100000, s0  }
0x359: {  	[sflag:s0] =	ssyncadd.tile.s32 @!p0 $0x1;
	_ =	shalt  }
.Lfunc_end2:
_tile_overlayer_lowered:
.L_overlay_start_2:
0x35a: {  	(tag) =	ssettag $0x2  }
0x35b: {  	s0 =	rddreg [dreg:$0x0];
	s2 =	stileid.u32  }
0x35c: {  	s1 =	rddreg [dreg:$0x1];
	p0 =	sne.s32 s2, $0x0  }
0x35d: {  	s3 =	rddreg [dreg:$0x2];
	[bflag:$0x3] =	sbarrier.arrive $0xFFFF;
	s2 =	simm.s32 @!p0 $0x1C03  }
0x35e: {  	[timem:s3], [sflag:s2] =	dma.local @!p0 [hbm:s0], s1  }
0x35f: {  	s0 =	simm.s32 @!p0 $0x3  }
0x360: {  	_ =	swait.ge @!p0 [sflag:s0], s1  }
0x361: {  	s1 =	ssub.s32 @!p0 $0x0, s1;
	[sflag:s0] =	ssyncset.done @!p0 $0x0  }
0x362: {  	[sflag:s0] =	ssyncadd.s32 @!p0 s1  }
0x363: {  	[bflag:$0x3] =	sbarrier.arrive $0xFFFF  }
0x364: {  	_ =	shalt  }

// kernel: sparse-core-data-format-call.cloned.1.call-start
scs
called_computation_lowered:
.L_overlay_start_0:
0x0: {  	s2 =	sld [smem:$0x3FD9]  }
0x1: {  	s3 =	sld [smem:$0x3FFE];
	_ =	sdelay $0x1  }
0x2: {  	s1 =	srdreg.scid  }
0x3: {  	s0 =	sand.u32 $0x1, s1  }
0x4: {  	s18 =	sshll.u32 s0, $0xA;
	s2 =	sadd.s32 s3, s2  }
0x5: {  	s2 =	sadd.s32 s2, s18  }
0x6: {  	[smem:$0x3FC1] =	sst s2  }
0x7: {  	_ = 	snop  }
0x8: {  	s2 =	sld [smem:$0x3FD0];
	(tm) =	ssettm $0x1  }
0x9: {  	s19 =	sld [smem:$0x3FFB];
	_ =	sdelay $0x3  }
0xa: {  	_ =	strace s19  }
0xb: {  	s3 =	sld [smem:$0x3FFC];
	_ =	sdelay $0x3  }
0xc: {  	_ =	strace s3  }
0xd: {  	s3 =	sld [smem:$0x3FFD];
	_ =	sdelay $0x3  }
0xe: {  	_ =	strace s3  }
0xf: {  	_ =	strace $0x8FFFFFFF  }
0x10: {  	s20 =	sld [smem:$0x3FDB];
	_ =	sdelay $0x1  }
0x11: {  	s4 =	simm.s32 $_scs_section_size  }
0x12: {  	s5 =	simm.s32 $_size__tile_overlayer_lowered;
	s6 =	simm.s32 $_tile_overlayer_lowered  }
0x13: {  	s23 =	simm.s32 $0x1BFF;
	s22 =	sshll.u32 s6, $0x1;
	s3 =	sadd.s32 s4, s20  }
0x14: {  	s7 =	simm.s32 $0x0;
	s21 =	sshll.u32 s5, $0x1;
	s5 =	sadd.s32 s22, s3  }
0x15: {  	[timem:s7], [sflag:s23] =	dma.local [hbm:s5], s21  }
0x16: {  	_ =	swait.ge [sflag:s23], s21  }
0x17: {  	s4 =	ssub.s32 $0x0, s21;
	[sflag:s23] =	ssyncset.done $0x0  }
0x18: {  	[sflag:s23] =	ssyncadd.s32 s4;
	_ =	sdelay $0x1  }
0x19: {  	s24 =	simm.s32 $0x1B8B  }
0x1a: {  	_ =	swait.ge [sflag:s24], $0x1  }
0x1b: {  	[sflag:s24] =	ssyncset.done $0x0  }
0x1c: {  	s26 =	simm.s32 $0x1B8E;
	s25 =	sld [smem:$0x3FFE];
	[sflag:s24] =	ssyncadd.s32 $0xFFFFFFFF  }
0x1d: {  	s27 =	simm.s32 $execute0_lowered;
	[smem:$0x3FD2] =	sst s26  }
0x1e: {  	s5 =	sshll.u32 s27, $0x1;
	_ =	strace $0x80000049;
	[dreg:$0x1] =	wrdreg $0xFFFFFFFF  }
0x1f: {  	s28 =	simm.s32 $_size_execute0_lowered;
	s3 =	sadd.s32 s3, s5;
	[dreg:$0x0] =	wrdreg $0x0  }
0x20: {  	s5 =	sshll.u32 s28, $0x1;
	[dreg:$0x2] =	wrdreg s3  }
0x21: {  	[dreg:$0x3] =	wrdreg s5  }
0x22: {  	[dreg:$0x4] =	wrdreg $0xC0  }
0x23: {  	_ =	task [dreg:s7], $0x5FFFF  }
0x24: {  	[dreg:$0x1] =	wrdreg $0xFFFFFFFF  }
0x25: {  	[dreg:$0x0] =	wrdreg $0x60  }
0x26: {  	[dreg:$0x2] =	wrdreg s25  }
0x27: {  	[dreg:$0x3] =	wrdreg s2  }
0x28: {  	[dreg:$0x4] =	wrdreg $0x9  }
0x29: {  	_ =	task.clear_ibuf [dreg:s7], $0x5FFFF;
	_ =	strace $0x90000049  }
0x2a: {  	s29 =	simm.s32 $0x9;
	_ =	strace $0x8000004B  }
0x2b: {  	_ =	swait.ge [sflag:s29], $0x1  }
0x2c: {  	[sflag:s29] =	ssyncadd.s32 $0xFFFFFFFF  }
0x2d: {  	_ =	strace $0x9000004B  }
0x2e: {  	_ =	sfence  }
0x2f: {  	s30 =	sld [smem:$0x0];
	_ =	sdelay $0x2  }
0x30: {  	s31 =	sshll.u32 s1, $0xD;
	s1 =	sshrl.u32 s1, $0x2  }
0x31: {  	s3 =	sand.u32 $0x4000, s31;
	s1 =	sadd.s32 s1, s30  }
0x32: {  	s0 =	sor.u32 s3, s0;
	s1 =	sshll.u32 s1, $0x11  }
0x33: {  	s0 =	sor.u32 s1, s0  }
0x34: {  	s0 =	sadd.s32 $0x8F2B, s0  }
0x35: {  	[sflag:s0] =	ssyncadd.remote.s32 $0x1  }
0x36: {  	_ =	sfence.sel $0xFFFF  }
0x37: {  	[dreg:$0x0] =	wrdreg $0xFFFFFFFF;
	(pc) =	sbr.abs _section_cstart, $3  }
0x38: {  	[dreg:$0x1] =	wrdreg $0xFFFFFFFF  }
0x39: {  	_ =	task.clear_ibuf [dreg:s7], $0x2FFFF;
	_ =	strace $0x9FFFFFFF  }
0x3a: {  	(tm) =	ssettm $0x7FFFFFFF  }
0x3b: {  	_ =	shalt  }
tec
execute0_lowered:
.L_overlay_start_1:
0x0: {  	(tag) =	ssettag $0x1  }
0x1: {  	s1 =	rddreg [dreg:$0x0]  }
0x2: {  	s2 =	rddreg [dreg:$0x1]  }
0x3: {  	s0 =	rddreg [dreg:$0x2]  }
0x4: {  	_ =	strace $0x8000004A;
	s4 =	srdreg.scid;
	s6 =	simm.s32 $0x2  }
0x5: {  	s11 =	simm.s32 $0x0;
	p0 =	por $0x0, $0x0;
	s7 =	simm.s32 $0x10000  }
.Ltmp0:
0x6: {  	s12 =	simm.s32 $0x0;
	s9 =	simm.s32 $0x0;
	(pc) =	sbr.rel .LBB1_1-.Ltmp0, $4  }
0x7: {  	s8 =	simm.s32 $0x0;
	s3 =	sadd.s32 $0x1C00, s1;
	s5 =	sshll.u32 s4, $0x4  }
0x8: {  	s1 =	stileid.u32;
	s4 =	simm.s32 $0x1;
	s5 =	sand.u32 $0x10, s5  }
0x9: {  	s18 =	simm.s32 $0x0;
	[sflag:s4] =	ssyncpa.u1 $0x0;
	s5 =	sor.u32 s1, s5  }
0xa: {  	[sflag:s6] =	ssyncpa.u1 $0x0;
	s6 =	simm.s32 $0x800;
	s10 =	smov.u32 s5  }
.LBB1_7:
0xb: {  	s13 =	sadd.s32 $0x8, s9  }
0xc: {  	s11 =	sadd.s32 $0x20, s10;
	s15 =	smov.u32 s10;
	p2 =	sgt.s32 s13, $0xFF  }
0xd: {  	p1 =	slt.u32 s8, $0x2;
	s15 =	smov.u32 @p2 s11  }
0xe: {  	s8 =	sadd.s32 $0x1, s8;
	s13 =	simm.s32 @p2 $0x0;
	p2 =	sgt.s32 s15, $0x1F  }
0xf: {  	s15 =	smov.u32 @p2 s5;
	p2 =	sne.s32 s8, $0x22  }
.Ltmp1:
0x10: {  	_ = 	snop;
	(pc) =	sbr.rel @!p2 .LBB1_8-.Ltmp1, $4  }
0x11: {  	s14 =	simm.s32 @!p1 $0x2  }
0x12: {  	s12 =	smov.u32 s10;
	_ =	swait.ge @!p1 [sflag:s14], $0x4000  }
0x13: {  	p0 =	por !p0, !p0;
	s11 =	smov.u32 s9;
	[sflag:s14] =	ssyncset.done @!p1 $0x0  }
0x14: {  	s9 =	smov.u32 s13;
	[sflag:s14] =	ssyncadd.s32 @!p1 $0xFFFFC000;
	s10 =	smov.u32 s15  }
.LBB1_1:
0x15: {  	p1 =	sgt.u32 s8, $0x1F  }
0x16: {  	s13 =	sxor.u32 @!p1 $0xFFFFFFFF, s8;
	s14 =	sshll.u32 @!p1 s10, $0x10  }
0x17: {  	s15 =	sshll.u32 @!p1 s9, $0x8;
	s13 =	sshll.u32 @!p1 s13, $0xE;
	s14 =	sadd.s32 @!p1 s3, s14  }
0x18: {  	s13 =	sand.u32 @!p1 $0x4000, s13;
	s14 =	sadd.s32 @!p1 s15, s14;
	s15 =	simm.s32 @!p1 $0x0  }
0x19: {  	[tilespmem:s13], [sflag:$0x1] =	stream.linear.gather @!p1 [hbm4b:s14+s15], $0x4000, $0x38;
	[tilespmem:$0x10000] =	vst v63  }
0x1a: {  	p1 =	seq.s32 s8, $0x0  }
0x1b: {  	p2 =	seq.s32 @!p1 s8, $0x21  }
0x1c: {  	p1 =	por p1, p2  }
.Ltmp2:
0x1d: {  	_ = 	snop;
	(pc) =	sbr.rel @p1 .LBB1_7-.Ltmp2, $1  }
0x1e: {  	_ =	sdelay $0x3  }
0x1f: {  	s13 =	simm.s32 $0x1  }
0x20: {  	_ =	swait.ge [sflag:s4], $0x4000;
	s31 =	sshll.u32 s8, $0xE;
	p1 =	por $0x0, $0x0  }
0x21: {  	s19 =	simm.s32 $0x0;
	s20 =	simm.s32 $0x0;
	s13 =	simm.s32 @!p0 $0x0  }
0x22: {  	[sflag:s4] =	ssyncset.done $0x0;
	s16 =	sand.u32 $0x4000, s31;
	s13 =	sshll.u32 s13, $0x10  }
0x23: {  	[sflag:s4] =	ssyncadd.s32 $0xFFFFC000;
	s17 =	sshrl.u32 s13, $0x2;
	s13 =	sor.u32 $0x8000, s16  }
0x24: {  	s14 =	sor.u32 $0x40, s17;
	s15 =	sor.u32 $0x8410, s17;
	s17 =	sadd.s32 $0x8400, s17  }
.LBB1_3:
0x25: {  	v1 =	vld [tilespmem:s14+$0xFFFFFFD0]  }
0x26: {  	v2 =	vld [tilespmem:s14+$0x430]  }
0x27: {  	s21 =	sshll.u32 s20, $0xB;
	v4 =	vld [tilespmem:s14+$0xFFFFFFE0]  }
0x28: {  	v7 =	vld [tilespmem:s14+$0xFFFFFFF0];
	v0 =	vmov s21  }
0x29: {  	v8 =	vld [tilespmem:s14+$0x0]  }
0x2a: {  	s30 =	sand.u32 $0x300, s18;
	v9 =	vld [tilespmem:s14+$0x10]  }
0x2b: {  	s22 =	sand.u32 $0x80, s18;
	v10 =	vld [tilespmem:s14+$0x20];
	s21 =	sadd.s32 s30, s16  }
0x2c: {  	v11 =	vld [tilespmem:s14+$0x30];
	s21 =	sadd.s32 s22, s21;
	s22 =	simm.s32 $0x1;
	[tilespmem:s15+$0x60] =	vst v2  }
0x2d: {  	s31 =	sshll.u32 s19, $0x2;
	s22 =	simm.s32 @!p1 $0x0;
	[tilespmem:s15+$0xFFFFFC00] =	vst v1;
	v3 =	vld.idx.msk [tilespmem:v0+s21+$0x400 ss:$0x1], $0xffff  }
0x2e: {  	v6 =	vld [tilespmem:s14+$0x3D0];
	s22 =	sshll.u32 s22, $0x9;
	[tilespmem:s15+$0xFFFFFC10] =	vst v4;
	s21 =	sand.u32 $0xFFFFFC00, s31  }
0x2f: {  	v5 =	vld [tilespmem:s14+$0x3E0];
	[tilespmem:s15+$0xFFFFFC20] =	vst v7;
	s21 =	sor.u32 s22, s21  }
0x30: {  	[tilespmem:s15+$0xFFFFFC30] =	vst v8;
	v4 =	vld [tilespmem:s14+$0x400];
	s21 =	sshrl.u32 s21, $0x2  }
0x31: {  	[tilespmem:s15+$0xFFFFFC40] =	vst v9;
	v1 =	vld [tilespmem:s14+$0x410];
	s21 =	sadd.s32 s21, s17  }
0x32: {  	[tilespmem:s21+$0x0] =	vst v3;
	v3 =	vld [tilespmem:s14+$0x3F0]  }
0x33: {  	s25 =	simm.s32 $0x80;
	s24 =	simm.s32 $0x100;
	[tilespmem:s15+$0xFFFFFC50] =	vst v10;
	v2 =	vld [tilespmem:s14+$0x420]  }
0x34: {  	s23 =	smov.u32 s15;
	s26 =	sand.u32 $0x300, s25;
	v7 =	vld [tilespmem:s14+$0xFFFFFFC0];
	[tilespmem:s15+$0xFFFFFC60] =	vst v11;
	s22 =	sadd.s32 $0x80, s14  }
.LBB1_4:
0x35: {  	p2 =	sne.s32 s24, $0x380;
	v8 =	vld [tilespmem:s22+$0xFFFFFFD0];
	s25 =	sand.u32 $0x80, s25;
	s26 =	sadd.s32 s26, s16;
	[tilespmem:s23+$0x0] =	vst v6  }
0x36: {  	s26 =	sadd.s32 s25, s26;
	v6 =	vld [tilespmem:s22+$0x430];
	[tilespmem:s23+$0x10] =	vst v5;
	s25 =	smov.u32 s24  }
0x37: {  	v5 =	vld.idx.msk [tilespmem:v0+s26+$0x400 ss:$0x1], $0xffff;
	[tilespmem:s23+$0x20] =	vst v3  }
0x38: {  	v3 =	vld [tilespmem:s22+$0xFFFFFFE0];
	[tilespmem:s23+$0x30] =	vst v4  }
0x39: {  	v4 =	vld [tilespmem:s22+$0xFFFFFFF0];
	[tilespmem:s23+$0xFFFFFBF0] =	vst v7  }
0x3a: {  	v7 =	vld [tilespmem:s22+$0x0];
	[tilespmem:s23+$0x40] =	vst v1  }
0x3b: {  	v1 =	vld [tilespmem:s22+$0x10];
	[tilespmem:s23+$0x50] =	vst v2;
	s23 =	sadd.s32 $0x800, s23  }
0x3c: {  	s21 =	sadd.s32 $0x800, s21;
	v2 =	vld [tilespmem:s22+$0x20];
	[tilespmem:s23+$0x60] =	vst v6  }
0x3d: {  	v9 =	vld [tilespmem:s22+$0x30];
	[tilespmem:s21+$0x0] =	vst v5  }
0x3e: {  	[tilespmem:s23+$0xFFFFFC00] =	vst v8;
	v6 =	vld [tilespmem:s22+$0x3D0]  }
0x3f: {  	[tilespmem:s23+$0xFFFFFC10] =	vst v3;
	v5 =	vld [tilespmem:s22+$0x3E0]  }
.Ltmp3:
0x40: {  	[tilespmem:s23+$0xFFFFFC20] =	vst v4;
	v3 =	vld [tilespmem:s22+$0x3F0];
	(pc) =	sbr.rel @p2 .LBB1_4-.Ltmp3, $4  }
0x41: {  	[tilespmem:s23+$0xFFFFFC30] =	vst v7;
	v4 =	vld [tilespmem:s22+$0x400]  }
0x42: {  	[tilespmem:s23+$0xFFFFFC40] =	vst v1;
	v1 =	vld [tilespmem:s22+$0x410]  }
0x43: {  	[tilespmem:s23+$0xFFFFFC50] =	vst v2;
	v2 =	vld [tilespmem:s22+$0x420]  }
0x44: {  	s24 =	sadd.s32 $0x80, s24;
	s26 =	sand.u32 $0x300, s25;
	v7 =	vld [tilespmem:s22+$0xFFFFFFC0];
	[tilespmem:s23+$0xFFFFFC60] =	vst v9;
	s22 =	sadd.s32 $0x80, s22  }
0x45: {  	[tilespmem:s23+$0x0] =	vst v6  }
0x46: {  	[tilespmem:s23+$0x10] =	vst v5  }
0x47: {  	v49 =	vld [tilespmem:s22+$0x430];
	[tilespmem:s23+$0x20] =	vst v3  }
0x48: {  	v50 =	vld [tilespmem:s22+$0xFFFFFFD0];
	[tilespmem:s23+$0x30] =	vst v4  }
0x49: {  	v51 =	vld [tilespmem:s22+$0xFFFFFFE0];
	[tilespmem:s23+$0x40] =	vst v1  }
0x4a: {  	v52 =	vld [tilespmem:s22+$0xFFFFFFF0];
	[tilespmem:s23+$0x50] =	vst v2  }
0x4b: {  	s31 =	sadd.s32 $0x800, s23;
	v53 =	vld [tilespmem:s22+$0x0];
	[tilespmem:s23+$0xFFFFFBF0] =	vst v7  }
0x4c: {  	v54 =	vld [tilespmem:s22+$0x10];
	[tilespmem:s31+$0x60] =	vst v49  }
0x4d: {  	v55 =	vld [tilespmem:s22+$0x20];
	[tilespmem:s31+$0xFFFFFC00] =	vst v50  }
0x4e: {  	v56 =	vld [tilespmem:s22+$0x30];
	[tilespmem:s31+$0xFFFFFC10] =	vst v51  }
0x4f: {  	v57 =	vld [tilespmem:s22+$0x3D0];
	[tilespmem:s31+$0xFFFFFC20] =	vst v52  }
0x50: {  	v58 =	vld [tilespmem:s22+$0x3E0];
	[tilespmem:s31+$0xFFFFFC30] =	vst v53  }
0x51: {  	v59 =	vld [tilespmem:s22+$0x3F0];
	[tilespmem:s31+$0xFFFFFC40] =	vst v54  }
0x52: {  	v60 =	vld [tilespmem:s22+$0x400];
	[tilespmem:s31+$0xFFFFFC50] =	vst v55  }
0x53: {  	v61 =	vld [tilespmem:s22+$0xFFFFFFC0];
	[tilespmem:s31+$0xFFFFFC60] =	vst v56  }
0x54: {  	s24 =	sand.u32 $0x80, s25;
	s30 =	sadd.s32 s26, s16;
	v62 =	vld [tilespmem:s22+$0x410];
	[tilespmem:s31+$0x0] =	vst v57  }
0x55: {  	v63 =	vld [tilespmem:s22+$0x420];
	s20 =	sadd.s32 $0x1, s20;
	s24 =	sadd.s32 s24, s30;
	[tilespmem:s31+$0x10] =	vst v58  }
0x56: {  	p2 =	sne.s32 s20, $0x8;
	v0 =	vld.idx.msk [tilespmem:v0+s24+$0x400 ss:$0x1], $0xffff;
	[tilespmem:s31+$0x20] =	vst v59  }
.Ltmp4:
0x57: {  	[tilespmem:s31+$0x30] =	vst v60;
	(pc) =	sbr.rel @p2 .LBB1_3-.Ltmp4, $4  }
0x58: {  	[tilespmem:s31+$0xFFFFFBF0] =	vst v61  }
0x59: {  	[tilespmem:s31+$0x40] =	vst v62  }
0x5a: {  	s21 =	sadd.s32 $0x800, s21;
	s14 =	sadd.s32 $0x800, s14;
	[tilespmem:s31+$0x50] =	vst v63  }
0x5b: {  	s19 =	sadd.s32 $0x80, s19;
	p1 =	por !p1, !p1;
	s15 =	sadd.s32 $0x80, s15;
	[tilespmem:s21+$0x0] =	vst v0  }
0x5c: {  	s14 =	sshll.u32 s11, $0x8;
	s31 =	sshll.u32 s11, $0x7  }
.Ltmp5:
0x5d: {  	s14 =	sand.u32 $0xF800, s14;
	s11 =	sand.u32 $0x380, s31;
	(pc) =	sbr.rel .LBB1_7-.Ltmp5, $4  }
0x5e: {  	s12 =	sshll.u32 s12, $0x10;
	s11 =	sor.u32 s11, s14  }
0x5f: {  	s12 =	sadd.s32 s2, s12;
	s11 =	sshrl.u32 s11, $0x3  }
0x60: {  	s11 =	sadd.s32 s11, s12  }
0x61: {  	[hbm4b:s11+s6] =	stream.strided.scatter [tilespmem:s13], [sflag:$0x2], $0x4000, s7, s6, $0x38;
	[tilespmem:$0x10000] =	vst v63  }
.LBB1_8:
0x62: {  	_ =	sfence.sel $0x180000  }
0x63: {  	s2 =	simm.s32 $0x1;
	[bflag:$0x0] =	sbarrier.arrive $0xFFFF  }
0x64: {  	s31 =	simm.s32 $0x2;
	[sflag:s2] =	ssyncpa.u1 $0x1  }
0x65: {  	[sflag:s31] =	ssyncpa.u1 $0x1  }
0x66: {  	p0 =	sne.s32 s1, $0x0;
	_ =	strace $0x9000004A  }
0x67: {  	s0 =	sadd.s32 @!p0 $0x100000, s0;
	[bflag:$0x2] =	sbarrier.arrive $0xFFFF  }
0x68: {  	[sflag:s0] =	ssyncadd.tile.s32 @!p0 $0x1;
	_ =	shalt  }
.Lfunc_end1:
_tile_overlayer_lowered:
.L_overlay_start_2:
0x69: {  	(tag) =	ssettag $0x2  }
0x6a: {  	s0 =	rddreg [dreg:$0x0];
	s2 =	stileid.u32  }
0x6b: {  	s1 =	rddreg [dreg:$0x1];
	p0 =	sne.s32 s2, $0x0  }
0x6c: {  	s3 =	rddreg [dreg:$0x2];
	[bflag:$0x3] =	sbarrier.arrive $0xFFFF;
	s2 =	simm.s32 @!p0 $0x1C01  }
0x6d: {  	[timem:s3], [sflag:s2] =	dma.local @!p0 [hbm:s0], s1  }
0x6e: {  	s0 =	simm.s32 @!p0 $0x1  }
0x6f: {  	_ =	swait.ge @!p0 [sflag:s0], s1  }
0x70: {  	s1 =	ssub.s32 @!p0 $0x0, s1;
	[sflag:s0] =	ssyncset.done @!p0 $0x0  }
0x71: {  	[sflag:s0] =	ssyncadd.s32 @!p0 s1  }
0x72: {  	[bflag:$0x3] =	sbarrier.arrive $0xFFFF  }
0x73: {  	_ =	shalt  }

</sc_bundles>
